<compile_context>
chip_gen: v7x
topology: tpu7x:2x2x1
jax: 0.10.2.dev20260603
libtpu: 0.0.44.dev20260713+nightly
codegen_flags: <defaults>
</compile_context>

<pallas_src>
import jax
import jax.numpy as jnp
from jax import lax
from jax.experimental import pallas as pl
from jax.experimental.pallas import tpu as pltpu
from jax.experimental.pallas import tpu_sc as plsc

_SIDE_NUM = 1000
_VEC_LEN = 32
_B = 16384

_NC = 2
_NS = 16
_NW = _NC * _NS
_BPW = _B // _NW
_CHUNK = 128
_NCHUNK = _BPW // _CHUNK
_QSTEPS = _BPW // 16


def _quantize(v):
    v = v + jnp.float32(50.0)
    v = jnp.maximum(v, jnp.float32(1e-8))
    v = jnp.minimum(v, jnp.float32(100.0))
    p = v * jnp.float32(999.0 / 100.0)
    i0 = p.astype(jnp.int32)
    frac = p - i0.astype(jnp.float32)
    half = jnp.float32(0.5)
    odd = (i0 & 1) == 1
    inc = (frac > half) | ((frac == half) & odd)
    return jnp.where(inc, i0 + 1, i0)


def _body(xs_hbm, ys_hbm, table_hbm, out_hbm, xs_v, ys_v, ids_v, rows_v, sem):
    wid = lax.axis_index("s") * _NC + lax.axis_index("c")
    base = wid * _BPW

    pltpu.sync_copy(xs_hbm.at[pl.ds(base, _BPW)], xs_v)
    pltpu.sync_copy(ys_hbm.at[pl.ds(base, _BPW)], ys_v)

    copies = []
    for c in range(_NCHUNK):
        for jj in range(_CHUNK // 16):
            j = c * (_CHUNK // 16) + jj
            x = xs_v[pl.ds(j * 16, 16)]
            y = ys_v[pl.ds(j * 16, 16)]
            ids_v[pl.ds(j * 16, 16)] = _quantize(x) * _SIDE_NUM + _quantize(y)
        copies.append(pltpu.async_copy(
            table_hbm.at[ids_v.at[pl.ds(c * _CHUNK, _CHUNK)]],
            rows_v.at[pl.ds(c * _CHUNK, _CHUNK)],
            sem))
    for cp in copies:
        cp.wait()

    pltpu.sync_copy(rows_v, out_hbm.at[pl.ds(base, _BPW)])


@jax.jit
def kernel(locations, pos_emb):
    xs = locations[:, 0]
    ys = locations[:, 1]
    mesh = plsc.VectorSubcoreMesh(core_axis_name="c", subcore_axis_name="s")
    run = pl.kernel(
        _body,
        mesh=mesh,
        out_type=jax.ShapeDtypeStruct((_B, _VEC_LEN), jnp.float32),
        scratch_types=[
            pltpu.VMEM((_BPW,), jnp.float32),
            pltpu.VMEM((_BPW,), jnp.float32),
            pltpu.VMEM((_BPW,), jnp.int32),
            pltpu.VMEM((_BPW, _VEC_LEN), jnp.float32),
            pltpu.SemaphoreType.DMA,
        ],
        compiler_params=pltpu.CompilerParams(use_tc_tiling_on_sc=False),
    )
    return run(xs, ys, pos_emb)

# --- scband reference (transcript-rebuilt; emitter-appended) ---
"""Pipeline reference for scband-learn-iterp-pos-encode2-d-27650999451844 (READ-ONLY COPY).

The authoritative reference and input builder live on the scoring server;
editing this copy changes nothing except your own understanding.
"""

import jax, jax.numpy as jnp
import numpy as np

SIDE_NUM = 1000
VEC_LEN = 32
SIDE_LEN = 100.0


def setup_inputs(seed: int = 0) -> dict:
    key = jax.random.key(seed)
    k1, k2 = jax.random.split(key)
    locations = jax.random.normal(k1, (16384, 2), dtype=jnp.float32)
    pos_emb = jax.random.normal(k2, (SIDE_NUM ** 2, VEC_LEN), dtype=jnp.float32) * 0.02
    return {"locations": locations, "pos_emb": pos_emb}


def reference(locations, pos_emb):
    eps = 1e-08
    loc = locations + SIDE_LEN / 2
    loc = jnp.clip(loc, eps, SIDE_LEN - eps)
    loc = jnp.round(loc * (SIDE_NUM - 1) / SIDE_LEN)
    loc = loc.astype(jnp.int32)
    location_ids = loc[:, 0] * SIDE_NUM + loc[:, 1]
    location_emb = jnp.take(pos_emb, location_ids, axis=0)
    return location_emb

if __name__ == "__main__":
    import jax
    _d = setup_inputs()
    print(jax.jit(kernel)(*tuple(_d.values())))

</pallas_src>

<mosaic_0001>
#map = affine_map<(d0, d1) -> (0)>
#map1 = affine_map<(d0, d1) -> (0, 0)>
module attributes {stable_mosaic.version = 14 : i64} {
  func.func @_body(%arg0: i32, %arg1: i32, %arg2: memref<16384xf32, #tpu.memory_space<hbm>>, %arg3: memref<16384xf32, #tpu.memory_space<hbm>>, %arg4: memref<1000000x32xf32, #tpu.memory_space<hbm>>, %arg5: memref<16384x32xf32, #tpu.memory_space<hbm>>, %arg6: memref<512xf32, #tpu.memory_space<vmem>>, %arg7: memref<512xf32, #tpu.memory_space<vmem>>, %arg8: memref<512xi32, #tpu.memory_space<vmem>>, %arg9: memref<512x32xf32, #tpu.memory_space<vmem>>, %arg10: memref<!tpu.dma_semaphore, #tpu.memory_space<semaphore_mem>>) attributes {dimension_semantics = [#tpu.dimension_semantics<core_parallel>, #tpu.dimension_semantics<subcore_parallel>], iteration_bounds = array<i64: 2, 16>, scalar_prefetch = 0 : i64, scratch_operands = 5 : i64, tpu.core_type = #tpu.core_type<sc_vector_subcore>, window_params = [{transform_indices = #map}, {transform_indices = #map}, {transform_indices = #map1}, {transform_indices = #map1}]} {
    %mul3A = arith.constant 2 : i32
    %mul3A_0 = arith.muli %arg1, %mul3A : i32
    %add3A = arith.addi %mul3A_0, %arg0 : i32
    %mul3A_1 = arith.constant 512 : i32
    %mul3A_2 = arith.muli %add3A, %mul3A_1 : i32
    "tpu.region"() ({
      %run_scoped3A = tpu.sem_alloc : memref<!tpu.dma_semaphore, #tpu.memory_space<semaphore_mem>>
      %dma_start3A_2614 = tpu.memref_slice %arg2[%mul3A_2] : memref<16384xf32, #tpu.memory_space<hbm>> -> memref<512xf32, #tpu.memory_space<hbm>>
      %dma_start3A_2615 = tpu.memref_slice %arg2[%mul3A_2] : memref<16384xf32, #tpu.memory_space<hbm>> -> memref<512xf32, #tpu.memory_space<hbm>>
      tpu.enqueue_dma source(%dma_start3A_2615 : memref<512xf32, #tpu.memory_space<hbm>>) target(%arg6 : memref<512xf32, #tpu.memory_space<vmem>>) target_semaphore(%run_scoped3A : memref<!tpu.dma_semaphore, #tpu.memory_space<semaphore_mem>>)
      %dma_wait3A_2616 = tpu.memref_slice %arg2[%mul3A_2] : memref<16384xf32, #tpu.memory_space<hbm>> -> memref<512xf32, #tpu.memory_space<hbm>>
      %dma_wait3A_2617 = tpu.memref_slice %arg2[%mul3A_2] : memref<16384xf32, #tpu.memory_space<hbm>> -> memref<512xf32, #tpu.memory_space<hbm>>
      tpu.wait_dma2 semaphore(%run_scoped3A : memref<!tpu.dma_semaphore, #tpu.memory_space<semaphore_mem>>) src(%dma_wait3A_2617 : memref<512xf32, #tpu.memory_space<hbm>>) dst(%arg6 : memref<512xf32, #tpu.memory_space<vmem>>)
      tpu.yield
    }) : () -> ()
    "tpu.region"() ({
      %run_scoped3A = tpu.sem_alloc : memref<!tpu.dma_semaphore, #tpu.memory_space<semaphore_mem>>
      %dma_start3A_2614 = tpu.memref_slice %arg3[%mul3A_2] : memref<16384xf32, #tpu.memory_space<hbm>> -> memref<512xf32, #tpu.memory_space<hbm>>
      %dma_start3A_2615 = tpu.memref_slice %arg3[%mul3A_2] : memref<16384xf32, #tpu.memory_space<hbm>> -> memref<512xf32, #tpu.memory_space<hbm>>
      tpu.enqueue_dma source(%dma_start3A_2615 : memref<512xf32, #tpu.memory_space<hbm>>) target(%arg7 : memref<512xf32, #tpu.memory_space<vmem>>) target_semaphore(%run_scoped3A : memref<!tpu.dma_semaphore, #tpu.memory_space<semaphore_mem>>)
      %dma_wait3A_2616 = tpu.memref_slice %arg3[%mul3A_2] : memref<16384xf32, #tpu.memory_space<hbm>> -> memref<512xf32, #tpu.memory_space<hbm>>
      %dma_wait3A_2617 = tpu.memref_slice %arg3[%mul3A_2] : memref<16384xf32, #tpu.memory_space<hbm>> -> memref<512xf32, #tpu.memory_space<hbm>>
      tpu.wait_dma2 semaphore(%run_scoped3A : memref<!tpu.dma_semaphore, #tpu.memory_space<semaphore_mem>>) src(%dma_wait3A_2617 : memref<512xf32, #tpu.memory_space<hbm>>) dst(%arg7 : memref<512xf32, #tpu.memory_space<vmem>>)
      tpu.yield
    }) : () -> ()
    %get3A = arith.constant 0 : index
    %get3A_3 = tpu.vector_load %arg6[%get3A] {strides = array<i32>} : memref<512xf32, #tpu.memory_space<vmem>>, vector<16xf32>,
    %get3A_4 = vector.shape_cast %get3A_3 : vector<16xf32> to vector<16xf32>
    %get3A_5 = arith.constant 0 : index
    %get3A_6 = tpu.vector_load %arg7[%get3A_5] {strides = array<i32>} : memref<512xf32, #tpu.memory_space<vmem>>, vector<16xf32>,
    %get3A_7 = vector.shape_cast %get3A_6 : vector<16xf32> to vector<16xf32>
    %add3A_8 = arith.constant 5.000000e+01 : f32
    %add3A_9 = vector.broadcast %add3A_8 : f32 to vector<16xf32>
    %add3A_10 = arith.addf %get3A_4, %add3A_9 : vector<16xf32>
    %max3A = arith.constant 9.99999993E-9 : f32
    %max3A_11 = vector.broadcast %max3A : f32 to vector<16xf32>
    %max3A_12 = arith.maximumf %add3A_10, %max3A_11 : vector<16xf32>
    %min3A = arith.constant 1.000000e+02 : f32
    %min3A_13 = vector.broadcast %min3A : f32 to vector<16xf32>
    %min3A_14 = arith.minimumf %max3A_12, %min3A_13 : vector<16xf32>
    %mul3A_15 = arith.constant 9.98999977 : f32
    %mul3A_16 = vector.broadcast %mul3A_15 : f32 to vector<16xf32>
    %mul3A_17 = arith.mulf %min3A_14, %mul3A_16 : vector<16xf32>
    %convert_element_type3A = arith.fptosi %mul3A_17 : vector<16xf32> to vector<16xi32>
    %convert_element_type3A_18 = arith.sitofp %convert_element_type3A : vector<16xi32> to vector<16xf32>
    %sub3A = arith.subf %mul3A_17, %convert_element_type3A_18 : vector<16xf32>
    %and3A = arith.constant 1 : i32
    %and3A_19 = vector.broadcast %and3A : i32 to vector<16xi32>
    %and3A_20 = arith.andi %convert_element_type3A, %and3A_19 : vector<16xi32>
    %eq3A = arith.constant 1 : i32
    %eq3A_21 = vector.broadcast %eq3A : i32 to vector<16xi32>
    %eq3A_22 = arith.cmpi eq, %and3A_20, %eq3A_21 : vector<16xi32>
    %gt3A = arith.constant 5.000000e-01 : f32
    %gt3A_23 = vector.broadcast %gt3A : f32 to vector<16xf32>
    %gt3A_24 = arith.cmpf ogt, %sub3A, %gt3A_23 : vector<16xf32>
    %eq3A_25 = arith.constant 5.000000e-01 : f32
    %eq3A_26 = vector.broadcast %eq3A_25 : f32 to vector<16xf32>
    %eq3A_27 = arith.cmpf oeq, %sub3A, %eq3A_26 : vector<16xf32>
    %and3A_28 = arith.andi %eq3A_27, %eq3A_22 : vector<16xi1>
    %or3A = arith.ori %gt3A_24, %and3A_28 : vector<16xi1>
    %add3A_29 = arith.constant 1 : i32
    %add3A_30 = vector.broadcast %add3A_29 : i32 to vector<16xi32>
    %add3A_31 = arith.addi %convert_element_type3A, %add3A_30 : vector<16xi32>
    %select_n3A = arith.select %or3A, %add3A_31, %convert_element_type3A : vector<16xi1>, vector<16xi32>
    %mul3A_32 = arith.constant 1000 : i32
    %mul3A_33 = vector.broadcast %mul3A_32 : i32 to vector<16xi32>
    %mul3A_34 = arith.muli %select_n3A, %mul3A_33 : vector<16xi32>
    %add3A_35 = arith.constant 5.000000e+01 : f32
    %add3A_36 = vector.broadcast %add3A_35 : f32 to vector<16xf32>
    %add3A_37 = arith.addf %get3A_7, %add3A_36 : vector<16xf32>
    %max3A_38 = arith.constant 9.99999993E-9 : f32
    %max3A_39 = vector.broadcast %max3A_38 : f32 to vector<16xf32>
    %max3A_40 = arith.maximumf %add3A_37, %max3A_39 : vector<16xf32>
    %min3A_41 = arith.constant 1.000000e+02 : f32
    %min3A_42 = vector.broadcast %min3A_41 : f32 to vector<16xf32>
    %min3A_43 = arith.minimumf %max3A_40, %min3A_42 : vector<16xf32>
    %mul3A_44 = arith.constant 9.98999977 : f32
    %mul3A_45 = vector.broadcast %mul3A_44 : f32 to vector<16xf32>
    %mul3A_46 = arith.mulf %min3A_43, %mul3A_45 : vector<16xf32>
    %convert_element_type3A_47 = arith.fptosi %mul3A_46 : vector<16xf32> to vector<16xi32>
    %convert_element_type3A_48 = arith.sitofp %convert_element_type3A_47 : vector<16xi32> to vector<16xf32>
    %sub3A_49 = arith.subf %mul3A_46, %convert_element_type3A_48 : vector<16xf32>
    %and3A_50 = arith.constant 1 : i32
    %and3A_51 = vector.broadcast %and3A_50 : i32 to vector<16xi32>
    %and3A_52 = arith.andi %convert_element_type3A_47, %and3A_51 : vector<16xi32>
    %eq3A_53 = arith.constant 1 : i32
    %eq3A_54 = vector.broadcast %eq3A_53 : i32 to vector<16xi32>
    %eq3A_55 = arith.cmpi eq, %and3A_52, %eq3A_54 : vector<16xi32>
    %gt3A_56 = arith.constant 5.000000e-01 : f32
    %gt3A_57 = vector.broadcast %gt3A_56 : f32 to vector<16xf32>
    %gt3A_58 = arith.cmpf ogt, %sub3A_49, %gt3A_57 : vector<16xf32>
    %eq3A_59 = arith.constant 5.000000e-01 : f32
    %eq3A_60 = vector.broadcast %eq3A_59 : f32 to vector<16xf32>
    %eq3A_61 = arith.cmpf oeq, %sub3A_49, %eq3A_60 : vector<16xf32>
    %and3A_62 = arith.andi %eq3A_61, %eq3A_55 : vector<16xi1>
    %or3A_63 = arith.ori %gt3A_58, %and3A_62 : vector<16xi1>
    %add3A_64 = arith.constant 1 : i32
    %add3A_65 = vector.broadcast %add3A_64 : i32 to vector<16xi32>
    %add3A_66 = arith.addi %convert_element_type3A_47, %add3A_65 : vector<16xi32>
    %select_n3A_67 = arith.select %or3A_63, %add3A_66, %convert_element_type3A_47 : vector<16xi1>, vector<16xi32>
    %add3A_68 = arith.addi %mul3A_34, %select_n3A_67 : vector<16xi32>
    %swap3A = arith.constant 0 : index
    %swap3A_69 = tpu.vector_load %arg8[%swap3A] {strides = array<i32>} : memref<512xi32, #tpu.memory_space<vmem>>, vector<16xi32>,
    %swap3A_70 = vector.shape_cast %swap3A_69 : vector<16xi32> to vector<16xi32>
    %swap3A_71 = vector.shape_cast %add3A_68 : vector<16xi32> to vector<16xi32>
    tpu.vector_store %arg8[%swap3A], %swap3A_71 {strides = array<i32>} : memref<512xi32, #tpu.memory_space<vmem>>, vector<16xi32>,
    %get3A_72 = arith.constant 16 : index
    %get3A_73 = tpu.vector_load %arg6[%get3A_72] {strides = array<i32>} : memref<512xf32, #tpu.memory_space<vmem>>, vector<16xf32>,
    %get3A_74 = vector.shape_cast %get3A_73 : vector<16xf32> to vector<16xf32>
    %get3A_75 = arith.constant 16 : index
    %get3A_76 = tpu.vector_load %arg7[%get3A_75] {strides = array<i32>} : memref<512xf32, #tpu.memory_space<vmem>>, vector<16xf32>,
    %get3A_77 = vector.shape_cast %get3A_76 : vector<16xf32> to vector<16xf32>
    %add3A_78 = arith.constant 5.000000e+01 : f32
    %add3A_79 = vector.broadcast %add3A_78 : f32 to vector<16xf32>
    %add3A_80 = arith.addf %get3A_74, %add3A_79 : vector<16xf32>
    %max3A_81 = arith.constant 9.99999993E-9 : f32
    %max3A_82 = vector.broadcast %max3A_81 : f32 to vector<16xf32>
    %max3A_83 = arith.maximumf %add3A_80, %max3A_82 : vector<16xf32>
    %min3A_84 = arith.constant 1.000000e+02 : f32
    %min3A_85 = vector.broadcast %min3A_84 : f32 to vector<16xf32>
    %min3A_86 = arith.minimumf %max3A_83, %min3A_85 : vector<16xf32>
    %mul3A_87 = arith.constant 9.98999977 : f32
    %mul3A_88 = vector.broadcast %mul3A_87 : f32 to vector<16xf32>
    %mul3A_89 = arith.mulf %min3A_86, %mul3A_88 : vector<16xf32>
    %convert_element_type3A_90 = arith.fptosi %mul3A_89 : vector<16xf32> to vector<16xi32>
    %convert_element_type3A_91 = arith.sitofp %convert_element_type3A_90 : vector<16xi32> to vector<16xf32>
    %sub3A_92 = arith.subf %mul3A_89, %convert_element_type3A_91 : vector<16xf32>
    %and3A_93 = arith.constant 1 : i32
    %and3A_94 = vector.broadcast %and3A_93 : i32 to vector<16xi32>
    %and3A_95 = arith.andi %convert_element_type3A_90, %and3A_94 : vector<16xi32>
    %eq3A_96 = arith.constant 1 : i32
    %eq3A_97 = vector.broadcast %eq3A_96 : i32 to vector<16xi32>
    %eq3A_98 = arith.cmpi eq, %and3A_95, %eq3A_97 : vector<16xi32>
    %gt3A_99 = arith.constant 5.000000e-01 : f32
    %gt3A_100 = vector.broadcast %gt3A_99 : f32 to vector<16xf32>
    %gt3A_101 = arith.cmpf ogt, %sub3A_92, %gt3A_100 : vector<16xf32>
    %eq3A_102 = arith.constant 5.000000e-01 : f32
    %eq3A_103 = vector.broadcast %eq3A_102 : f32 to vector<16xf32>
    %eq3A_104 = arith.cmpf oeq, %sub3A_92, %eq3A_103 : vector<16xf32>
    %and3A_105 = arith.andi %eq3A_104, %eq3A_98 : vector<16xi1>
    %or3A_106 = arith.ori %gt3A_101, %and3A_105 : vector<16xi1>
    %add3A_107 = arith.constant 1 : i32
    %add3A_108 = vector.broadcast %add3A_107 : i32 to vector<16xi32>
    %add3A_109 = arith.addi %convert_element_type3A_90, %add3A_108 : vector<16xi32>
    %select_n3A_110 = arith.select %or3A_106, %add3A_109, %convert_element_type3A_90 : vector<16xi1>, vector<16xi32>
    %mul3A_111 = arith.constant 1000 : i32
    %mul3A_112 = vector.broadcast %mul3A_111 : i32 to vector<16xi32>
    %mul3A_113 = arith.muli %select_n3A_110, %mul3A_112 : vector<16xi32>
    %add3A_114 = arith.constant 5.000000e+01 : f32
    %add3A_115 = vector.broadcast %add3A_114 : f32 to vector<16xf32>
    %add3A_116 = arith.addf %get3A_77, %add3A_115 : vector<16xf32>
    %max3A_117 = arith.constant 9.99999993E-9 : f32
    %max3A_118 = vector.broadcast %max3A_117 : f32 to vector<16xf32>
    %max3A_119 = arith.maximumf %add3A_116, %max3A_118 : vector<16xf32>
    %min3A_120 = arith.constant 1.000000e+02 : f32
    %min3A_121 = vector.broadcast %min3A_120 : f32 to vector<16xf32>
    %min3A_122 = arith.minimumf %max3A_119, %min3A_121 : vector<16xf32>
    %mul3A_123 = arith.constant 9.98999977 : f32
    %mul3A_124 = vector.broadcast %mul3A_123 : f32 to vector<16xf32>
    %mul3A_125 = arith.mulf %min3A_122, %mul3A_124 : vector<16xf32>
    %convert_element_type3A_126 = arith.fptosi %mul3A_125 : vector<16xf32> to vector<16xi32>
    %convert_element_type3A_127 = arith.sitofp %convert_element_type3A_126 : vector<16xi32> to vector<16xf32>
    %sub3A_128 = arith.subf %mul3A_125, %convert_element_type3A_127 : vector<16xf32>
    %and3A_129 = arith.constant 1 : i32
    %and3A_130 = vector.broadcast %and3A_129 : i32 to vector<16xi32>
    %and3A_131 = arith.andi %convert_element_type3A_126, %and3A_130 : vector<16xi32>
    %eq3A_132 = arith.constant 1 : i32
    %eq3A_133 = vector.broadcast %eq3A_132 : i32 to vector<16xi32>
    %eq3A_134 = arith.cmpi eq, %and3A_131, %eq3A_133 : vector<16xi32>
    %gt3A_135 = arith.constant 5.000000e-01 : f32
    %gt3A_136 = vector.broadcast %gt3A_135 : f32 to vector<16xf32>
    %gt3A_137 = arith.cmpf ogt, %sub3A_128, %gt3A_136 : vector<16xf32>
    %eq3A_138 = arith.constant 5.000000e-01 : f32
    %eq3A_139 = vector.broadcast %eq3A_138 : f32 to vector<16xf32>
    %eq3A_140 = arith.cmpf oeq, %sub3A_128, %eq3A_139 : vector<16xf32>
    %and3A_141 = arith.andi %eq3A_140, %eq3A_134 : vector<16xi1>
    %or3A_142 = arith.ori %gt3A_137, %and3A_141 : vector<16xi1>
    %add3A_143 = arith.constant 1 : i32
    %add3A_144 = vector.broadcast %add3A_143 : i32 to vector<16xi32>
    %add3A_145 = arith.addi %convert_element_type3A_126, %add3A_144 : vector<16xi32>
    %select_n3A_146 = arith.select %or3A_142, %add3A_145, %convert_element_type3A_126 : vector<16xi1>, vector<16xi32>
    %add3A_147 = arith.addi %mul3A_113, %select_n3A_146 : vector<16xi32>
    %swap3A_148 = arith.constant 16 : index
    %swap3A_149 = tpu.vector_load %arg8[%swap3A_148] {strides = array<i32>} : memref<512xi32, #tpu.memory_space<vmem>>, vector<16xi32>,
    %swap3A_150 = vector.shape_cast %swap3A_149 : vector<16xi32> to vector<16xi32>
    %swap3A_151 = vector.shape_cast %add3A_147 : vector<16xi32> to vector<16xi32>
    tpu.vector_store %arg8[%swap3A_148], %swap3A_151 {strides = array<i32>} : memref<512xi32, #tpu.memory_space<vmem>>, vector<16xi32>,
    %get3A_152 = arith.constant 32 : index
    %get3A_153 = tpu.vector_load %arg6[%get3A_152] {strides = array<i32>} : memref<512xf32, #tpu.memory_space<vmem>>, vector<16xf32>,
    %get3A_154 = vector.shape_cast %get3A_153 : vector<16xf32> to vector<16xf32>
    %get3A_155 = arith.constant 32 : index
    %get3A_156 = tpu.vector_load %arg7[%get3A_155] {strides = array<i32>} : memref<512xf32, #tpu.memory_space<vmem>>, vector<16xf32>,
    %get3A_157 = vector.shape_cast %get3A_156 : vector<16xf32> to vector<16xf32>
    %add3A_158 = arith.constant 5.000000e+01 : f32
    %add3A_159 = vector.broadcast %add3A_158 : f32 to vector<16xf32>
    %add3A_160 = arith.addf %get3A_154, %add3A_159 : vector<16xf32>
    %max3A_161 = arith.constant 9.99999993E-9 : f32
    %max3A_162 = vector.broadcast %max3A_161 : f32 to vector<16xf32>
    %max3A_163 = arith.maximumf %add3A_160, %max3A_162 : vector<16xf32>
    %min3A_164 = arith.constant 1.000000e+02 : f32
    %min3A_165 = vector.broadcast %min3A_164 : f32 to vector<16xf32>
    %min3A_166 = arith.minimumf %max3A_163, %min3A_165 : vector<16xf32>
    %mul3A_167 = arith.constant 9.98999977 : f32
    %mul3A_168 = vector.broadcast %mul3A_167 : f32 to vector<16xf32>
    %mul3A_169 = arith.mulf %min3A_166, %mul3A_168 : vector<16xf32>
    %convert_element_type3A_170 = arith.fptosi %mul3A_169 : vector<16xf32> to vector<16xi32>
    %convert_element_type3A_171 = arith.sitofp %convert_element_type3A_170 : vector<16xi32> to vector<16xf32>
    %sub3A_172 = arith.subf %mul3A_169, %convert_element_type3A_171 : vector<16xf32>
    %and3A_173 = arith.constant 1 : i32
    %and3A_174 = vector.broadcast %and3A_173 : i32 to vector<16xi32>
    %and3A_175 = arith.andi %convert_element_type3A_170, %and3A_174 : vector<16xi32>
    %eq3A_176 = arith.constant 1 : i32
    %eq3A_177 = vector.broadcast %eq3A_176 : i32 to vector<16xi32>
    %eq3A_178 = arith.cmpi eq, %and3A_175, %eq3A_177 : vector<16xi32>
    %gt3A_179 = arith.constant 5.000000e-01 : f32
    %gt3A_180 = vector.broadcast %gt3A_179 : f32 to vector<16xf32>
    %gt3A_181 = arith.cmpf ogt, %sub3A_172, %gt3A_180 : vector<16xf32>
    %eq3A_182 = arith.constant 5.000000e-01 : f32
    %eq3A_183 = vector.broadcast %eq3A_182 : f32 to vector<16xf32>
    %eq3A_184 = arith.cmpf oeq, %sub3A_172, %eq3A_183 : vector<16xf32>
    %and3A_185 = arith.andi %eq3A_184, %eq3A_178 : vector<16xi1>
    %or3A_186 = arith.ori %gt3A_181, %and3A_185 : vector<16xi1>
    %add3A_187 = arith.constant 1 : i32
    %add3A_188 = vector.broadcast %add3A_187 : i32 to vector<16xi32>
    %add3A_189 = arith.addi %convert_element_type3A_170, %add3A_188 : vector<16xi32>
    %select_n3A_190 = arith.select %or3A_186, %add3A_189, %convert_element_type3A_170 : vector<16xi1>, vector<16xi32>
    %mul3A_191 = arith.constant 1000 : i32
    %mul3A_192 = vector.broadcast %mul3A_191 : i32 to vector<16xi32>
    %mul3A_193 = arith.muli %select_n3A_190, %mul3A_192 : vector<16xi32>
    %add3A_194 = arith.constant 5.000000e+01 : f32
    %add3A_195 = vector.broadcast %add3A_194 : f32 to vector<16xf32>
    %add3A_196 = arith.addf %get3A_157, %add3A_195 : vector<16xf32>
    %max3A_197 = arith.constant 9.99999993E-9 : f32
    %max3A_198 = vector.broadcast %max3A_197 : f32 to vector<16xf32>
    %max3A_199 = arith.maximumf %add3A_196, %max3A_198 : vector<16xf32>
    %min3A_200 = arith.constant 1.000000e+02 : f32
    %min3A_201 = vector.broadcast %min3A_200 : f32 to vector<16xf32>
    %min3A_202 = arith.minimumf %max3A_199, %min3A_201 : vector<16xf32>
    %mul3A_203 = arith.constant 9.98999977 : f32
    %mul3A_204 = vector.broadcast %mul3A_203 : f32 to vector<16xf32>
    %mul3A_205 = arith.mulf %min3A_202, %mul3A_204 : vector<16xf32>
    %convert_element_type3A_206 = arith.fptosi %mul3A_205 : vector<16xf32> to vector<16xi32>
    %convert_element_type3A_207 = arith.sitofp %convert_element_type3A_206 : vector<16xi32> to vector<16xf32>
    %sub3A_208 = arith.subf %mul3A_205, %convert_element_type3A_207 : vector<16xf32>
    %and3A_209 = arith.constant 1 : i32
    %and3A_210 = vector.broadcast %and3A_209 : i32 to vector<16xi32>
    %and3A_211 = arith.andi %convert_element_type3A_206, %and3A_210 : vector<16xi32>
    %eq3A_212 = arith.constant 1 : i32
    %eq3A_213 = vector.broadcast %eq3A_212 : i32 to vector<16xi32>
    %eq3A_214 = arith.cmpi eq, %and3A_211, %eq3A_213 : vector<16xi32>
    %gt3A_215 = arith.constant 5.000000e-01 : f32
    %gt3A_216 = vector.broadcast %gt3A_215 : f32 to vector<16xf32>
    %gt3A_217 = arith.cmpf ogt, %sub3A_208, %gt3A_216 : vector<16xf32>
    %eq3A_218 = arith.constant 5.000000e-01 : f32
    %eq3A_219 = vector.broadcast %eq3A_218 : f32 to vector<16xf32>
    %eq3A_220 = arith.cmpf oeq, %sub3A_208, %eq3A_219 : vector<16xf32>
    %and3A_221 = arith.andi %eq3A_220, %eq3A_214 : vector<16xi1>
    %or3A_222 = arith.ori %gt3A_217, %and3A_221 : vector<16xi1>
    %add3A_223 = arith.constant 1 : i32
    %add3A_224 = vector.broadcast %add3A_223 : i32 to vector<16xi32>
    %add3A_225 = arith.addi %convert_element_type3A_206, %add3A_224 : vector<16xi32>
    %select_n3A_226 = arith.select %or3A_222, %add3A_225, %convert_element_type3A_206 : vector<16xi1>, vector<16xi32>
    %add3A_227 = arith.addi %mul3A_193, %select_n3A_226 : vector<16xi32>
    %swap3A_228 = arith.constant 32 : index
    %swap3A_229 = tpu.vector_load %arg8[%swap3A_228] {strides = array<i32>} : memref<512xi32, #tpu.memory_space<vmem>>, vector<16xi32>,
    %swap3A_230 = vector.shape_cast %swap3A_229 : vector<16xi32> to vector<16xi32>
    %swap3A_231 = vector.shape_cast %add3A_227 : vector<16xi32> to vector<16xi32>
    tpu.vector_store %arg8[%swap3A_228], %swap3A_231 {strides = array<i32>} : memref<512xi32, #tpu.memory_space<vmem>>, vector<16xi32>,
    %get3A_232 = arith.constant 48 : index
    %get3A_233 = tpu.vector_load %arg6[%get3A_232] {strides = array<i32>} : memref<512xf32, #tpu.memory_space<vmem>>, vector<16xf32>,
    %get3A_234 = vector.shape_cast %get3A_233 : vector<16xf32> to vector<16xf32>
    %get3A_235 = arith.constant 48 : index
    %get3A_236 = tpu.vector_load %arg7[%get3A_235] {strides = array<i32>} : memref<512xf32, #tpu.memory_space<vmem>>, vector<16xf32>,
    %get3A_237 = vector.shape_cast %get3A_236 : vector<16xf32> to vector<16xf32>
    %add3A_238 = arith.constant 5.000000e+01 : f32
    %add3A_239 = vector.broadcast %add3A_238 : f32 to vector<16xf32>
    %add3A_240 = arith.addf %get3A_234, %add3A_239 : vector<16xf32>
    %max3A_241 = arith.constant 9.99999993E-9 : f32
    %max3A_242 = vector.broadcast %max3A_241 : f32 to vector<16xf32>
    %max3A_243 = arith.maximumf %add3A_240, %max3A_242 : vector<16xf32>
    %min3A_244 = arith.constant 1.000000e+02 : f32
    %min3A_245 = vector.broadcast %min3A_244 : f32 to vector<16xf32>
    %min3A_246 = arith.minimumf %max3A_243, %min3A_245 : vector<16xf32>
    %mul3A_247 = arith.constant 9.98999977 : f32
    %mul3A_248 = vector.broadcast %mul3A_247 : f32 to vector<16xf32>
    %mul3A_249 = arith.mulf %min3A_246, %mul3A_248 : vector<16xf32>
    %convert_element_type3A_250 = arith.fptosi %mul3A_249 : vector<16xf32> to vector<16xi32>
    %convert_element_type3A_251 = arith.sitofp %convert_element_type3A_250 : vector<16xi32> to vector<16xf32>
    %sub3A_252 = arith.subf %mul3A_249, %convert_element_type3A_251 : vector<16xf32>
    %and3A_253 = arith.constant 1 : i32
    %and3A_254 = vector.broadcast %and3A_253 : i32 to vector<16xi32>
    %and3A_255 = arith.andi %convert_element_type3A_250, %and3A_254 : vector<16xi32>
    %eq3A_256 = arith.constant 1 : i32
    %eq3A_257 = vector.broadcast %eq3A_256 : i32 to vector<16xi32>
    %eq3A_258 = arith.cmpi eq, %and3A_255, %eq3A_257 : vector<16xi32>
    %gt3A_259 = arith.constant 5.000000e-01 : f32
    %gt3A_260 = vector.broadcast %gt3A_259 : f32 to vector<16xf32>
    %gt3A_261 = arith.cmpf ogt, %sub3A_252, %gt3A_260 : vector<16xf32>
    %eq3A_262 = arith.constant 5.000000e-01 : f32
    %eq3A_263 = vector.broadcast %eq3A_262 : f32 to vector<16xf32>
    %eq3A_264 = arith.cmpf oeq, %sub3A_252, %eq3A_263 : vector<16xf32>
    %and3A_265 = arith.andi %eq3A_264, %eq3A_258 : vector<16xi1>
    %or3A_266 = arith.ori %gt3A_261, %and3A_265 : vector<16xi1>
    %add3A_267 = arith.constant 1 : i32
    %add3A_268 = vector.broadcast %add3A_267 : i32 to vector<16xi32>
    %add3A_269 = arith.addi %convert_element_type3A_250, %add3A_268 : vector<16xi32>
    %select_n3A_270 = arith.select %or3A_266, %add3A_269, %convert_element_type3A_250 : vector<16xi1>, vector<16xi32>
    %mul3A_271 = arith.constant 1000 : i32
    %mul3A_272 = vector.broadcast %mul3A_271 : i32 to vector<16xi32>
    %mul3A_273 = arith.muli %select_n3A_270, %mul3A_272 : vector<16xi32>
    %add3A_274 = arith.constant 5.000000e+01 : f32
    %add3A_275 = vector.broadcast %add3A_274 : f32 to vector<16xf32>
    %add3A_276 = arith.addf %get3A_237, %add3A_275 : vector<16xf32>
    %max3A_277 = arith.constant 9.99999993E-9 : f32
    %max3A_278 = vector.broadcast %max3A_277 : f32 to vector<16xf32>
    %max3A_279 = arith.maximumf %add3A_276, %max3A_278 : vector<16xf32>
    %min3A_280 = arith.constant 1.000000e+02 : f32
    %min3A_281 = vector.broadcast %min3A_280 : f32 to vector<16xf32>
    %min3A_282 = arith.minimumf %max3A_279, %min3A_281 : vector<16xf32>
    %mul3A_283 = arith.constant 9.98999977 : f32
    %mul3A_284 = vector.broadcast %mul3A_283 : f32 to vector<16xf32>
    %mul3A_285 = arith.mulf %min3A_282, %mul3A_284 : vector<16xf32>
    %convert_element_type3A_286 = arith.fptosi %mul3A_285 : vector<16xf32> to vector<16xi32>
    %convert_element_type3A_287 = arith.sitofp %convert_element_type3A_286 : vector<16xi32> to vector<16xf32>
    %sub3A_288 = arith.subf %mul3A_285, %convert_element_type3A_287 : vector<16xf32>
    %and3A_289 = arith.constant 1 : i32
    %and3A_290 = vector.broadcast %and3A_289 : i32 to vector<16xi32>
    %and3A_291 = arith.andi %convert_element_type3A_286, %and3A_290 : vector<16xi32>
    %eq3A_292 = arith.constant 1 : i32
    %eq3A_293 = vector.broadcast %eq3A_292 : i32 to vector<16xi32>
    %eq3A_294 = arith.cmpi eq, %and3A_291, %eq3A_293 : vector<16xi32>
    %gt3A_295 = arith.constant 5.000000e-01 : f32
    %gt3A_296 = vector.broadcast %gt3A_295 : f32 to vector<16xf32>
    %gt3A_297 = arith.cmpf ogt, %sub3A_288, %gt3A_296 : vector<16xf32>
    %eq3A_298 = arith.constant 5.000000e-01 : f32
    %eq3A_299 = vector.broadcast %eq3A_298 : f32 to vector<16xf32>
    %eq3A_300 = arith.cmpf oeq, %sub3A_288, %eq3A_299 : vector<16xf32>
    %and3A_301 = arith.andi %eq3A_300, %eq3A_294 : vector<16xi1>
    %or3A_302 = arith.ori %gt3A_297, %and3A_301 : vector<16xi1>
    %add3A_303 = arith.constant 1 : i32
    %add3A_304 = vector.broadcast %add3A_303 : i32 to vector<16xi32>
    %add3A_305 = arith.addi %convert_element_type3A_286, %add3A_304 : vector<16xi32>
    %select_n3A_306 = arith.select %or3A_302, %add3A_305, %convert_element_type3A_286 : vector<16xi1>, vector<16xi32>
    %add3A_307 = arith.addi %mul3A_273, %select_n3A_306 : vector<16xi32>
    %swap3A_308 = arith.constant 48 : index
    %swap3A_309 = tpu.vector_load %arg8[%swap3A_308] {strides = array<i32>} : memref<512xi32, #tpu.memory_space<vmem>>, vector<16xi32>,
    %swap3A_310 = vector.shape_cast %swap3A_309 : vector<16xi32> to vector<16xi32>
    %swap3A_311 = vector.shape_cast %add3A_307 : vector<16xi32> to vector<16xi32>
    tpu.vector_store %arg8[%swap3A_308], %swap3A_311 {strides = array<i32>} : memref<512xi32, #tpu.memory_space<vmem>>, vector<16xi32>,
    %get3A_312 = arith.constant 64 : index
    %get3A_313 = tpu.vector_load %arg6[%get3A_312] {strides = array<i32>} : memref<512xf32, #tpu.memory_space<vmem>>, vector<16xf32>,
    %get3A_314 = vector.shape_cast %get3A_313 : vector<16xf32> to vector<16xf32>
    %get3A_315 = arith.constant 64 : index
    %get3A_316 = tpu.vector_load %arg7[%get3A_315] {strides = array<i32>} : memref<512xf32, #tpu.memory_space<vmem>>, vector<16xf32>,
    %get3A_317 = vector.shape_cast %get3A_316 : vector<16xf32> to vector<16xf32>
    %add3A_318 = arith.constant 5.000000e+01 : f32
    %add3A_319 = vector.broadcast %add3A_318 : f32 to vector<16xf32>
    %add3A_320 = arith.addf %get3A_314, %add3A_319 : vector<16xf32>
    %max3A_321 = arith.constant 9.99999993E-9 : f32
    %max3A_322 = vector.broadcast %max3A_321 : f32 to vector<16xf32>
    %max3A_323 = arith.maximumf %add3A_320, %max3A_322 : vector<16xf32>
    %min3A_324 = arith.constant 1.000000e+02 : f32
    %min3A_325 = vector.broadcast %min3A_324 : f32 to vector<16xf32>
    %min3A_326 = arith.minimumf %max3A_323, %min3A_325 : vector<16xf32>
    %mul3A_327 = arith.constant 9.98999977 : f32
    %mul3A_328 = vector.broadcast %mul3A_327 : f32 to vector<16xf32>
    %mul3A_329 = arith.mulf %min3A_326, %mul3A_328 : vector<16xf32>
    %convert_element_type3A_330 = arith.fptosi %mul3A_329 : vector<16xf32> to vector<16xi32>
    %convert_element_type3A_331 = arith.sitofp %convert_element_type3A_330 : vector<16xi32> to vector<16xf32>
    %sub3A_332 = arith.subf %mul3A_329, %convert_element_type3A_331 : vector<16xf32>
    %and3A_333 = arith.constant 1 : i32
    %and3A_334 = vector.broadcast %and3A_333 : i32 to vector<16xi32>
    %and3A_335 = arith.andi %convert_element_type3A_330, %and3A_334 : vector<16xi32>
    %eq3A_336 = arith.constant 1 : i32
    %eq3A_337 = vector.broadcast %eq3A_336 : i32 to vector<16xi32>
    %eq3A_338 = arith.cmpi eq, %and3A_335, %eq3A_337 : vector<16xi32>
    %gt3A_339 = arith.constant 5.000000e-01 : f32
    %gt3A_340 = vector.broadcast %gt3A_339 : f32 to vector<16xf32>
    %gt3A_341 = arith.cmpf ogt, %sub3A_332, %gt3A_340 : vector<16xf32>
    %eq3A_342 = arith.constant 5.000000e-01 : f32
    %eq3A_343 = vector.broadcast %eq3A_342 : f32 to vector<16xf32>
    %eq3A_344 = arith.cmpf oeq, %sub3A_332, %eq3A_343 : vector<16xf32>
    %and3A_345 = arith.andi %eq3A_344, %eq3A_338 : vector<16xi1>
    %or3A_346 = arith.ori %gt3A_341, %and3A_345 : vector<16xi1>
    %add3A_347 = arith.constant 1 : i32
    %add3A_348 = vector.broadcast %add3A_347 : i32 to vector<16xi32>
    %add3A_349 = arith.addi %convert_element_type3A_330, %add3A_348 : vector<16xi32>
    %select_n3A_350 = arith.select %or3A_346, %add3A_349, %convert_element_type3A_330 : vector<16xi1>, vector<16xi32>
    %mul3A_351 = arith.constant 1000 : i32
    %mul3A_352 = vector.broadcast %mul3A_351 : i32 to vector<16xi32>
    %mul3A_353 = arith.muli %select_n3A_350, %mul3A_352 : vector<16xi32>
    %add3A_354 = arith.constant 5.000000e+01 : f32
    %add3A_355 = vector.broadcast %add3A_354 : f32 to vector<16xf32>
    %add3A_356 = arith.addf %get3A_317, %add3A_355 : vector<16xf32>
    %max3A_357 = arith.constant 9.99999993E-9 : f32
    %max3A_358 = vector.broadcast %max3A_357 : f32 to vector<16xf32>
    %max3A_359 = arith.maximumf %add3A_356, %max3A_358 : vector<16xf32>
    %min3A_360 = arith.constant 1.000000e+02 : f32
    %min3A_361 = vector.broadcast %min3A_360 : f32 to vector<16xf32>
    %min3A_362 = arith.minimumf %max3A_359, %min3A_361 : vector<16xf32>
    %mul3A_363 = arith.constant 9.98999977 : f32
    %mul3A_364 = vector.broadcast %mul3A_363 : f32 to vector<16xf32>
    %mul3A_365 = arith.mulf %min3A_362, %mul3A_364 : vector<16xf32>
    %convert_element_type3A_366 = arith.fptosi %mul3A_365 : vector<16xf32> to vector<16xi32>
    %convert_element_type3A_367 = arith.sitofp %convert_element_type3A_366 : vector<16xi32> to vector<16xf32>
    %sub3A_368 = arith.subf %mul3A_365, %convert_element_type3A_367 : vector<16xf32>
    %and3A_369 = arith.constant 1 : i32
    %and3A_370 = vector.broadcast %and3A_369 : i32 to vector<16xi32>
    %and3A_371 = arith.andi %convert_element_type3A_366, %and3A_370 : vector<16xi32>
    %eq3A_372 = arith.constant 1 : i32
    %eq3A_373 = vector.broadcast %eq3A_372 : i32 to vector<16xi32>
    %eq3A_374 = arith.cmpi eq, %and3A_371, %eq3A_373 : vector<16xi32>
    %gt3A_375 = arith.constant 5.000000e-01 : f32
    %gt3A_376 = vector.broadcast %gt3A_375 : f32 to vector<16xf32>
    %gt3A_377 = arith.cmpf ogt, %sub3A_368, %gt3A_376 : vector<16xf32>
    %eq3A_378 = arith.constant 5.000000e-01 : f32
    %eq3A_379 = vector.broadcast %eq3A_378 : f32 to vector<16xf32>
    %eq3A_380 = arith.cmpf oeq, %sub3A_368, %eq3A_379 : vector<16xf32>
    %and3A_381 = arith.andi %eq3A_380, %eq3A_374 : vector<16xi1>
    %or3A_382 = arith.ori %gt3A_377, %and3A_381 : vector<16xi1>
    %add3A_383 = arith.constant 1 : i32
    %add3A_384 = vector.broadcast %add3A_383 : i32 to vector<16xi32>
    %add3A_385 = arith.addi %convert_element_type3A_366, %add3A_384 : vector<16xi32>
    %select_n3A_386 = arith.select %or3A_382, %add3A_385, %convert_element_type3A_366 : vector<16xi1>, vector<16xi32>
    %add3A_387 = arith.addi %mul3A_353, %select_n3A_386 : vector<16xi32>
    %swap3A_388 = arith.constant 64 : index
    %swap3A_389 = tpu.vector_load %arg8[%swap3A_388] {strides = array<i32>} : memref<512xi32, #tpu.memory_space<vmem>>, vector<16xi32>,
    %swap3A_390 = vector.shape_cast %swap3A_389 : vector<16xi32> to vector<16xi32>
    %swap3A_391 = vector.shape_cast %add3A_387 : vector<16xi32> to vector<16xi32>
    tpu.vector_store %arg8[%swap3A_388], %swap3A_391 {strides = array<i32>} : memref<512xi32, #tpu.memory_space<vmem>>, vector<16xi32>,
    %get3A_392 = arith.constant 80 : index
    %get3A_393 = tpu.vector_load %arg6[%get3A_392] {strides = array<i32>} : memref<512xf32, #tpu.memory_space<vmem>>, vector<16xf32>,
    %get3A_394 = vector.shape_cast %get3A_393 : vector<16xf32> to vector<16xf32>
    %get3A_395 = arith.constant 80 : index
    %get3A_396 = tpu.vector_load %arg7[%get3A_395] {strides = array<i32>} : memref<512xf32, #tpu.memory_space<vmem>>, vector<16xf32>,
    %get3A_397 = vector.shape_cast %get3A_396 : vector<16xf32> to vector<16xf32>
    %add3A_398 = arith.constant 5.000000e+01 : f32
    %add3A_399 = vector.broadcast %add3A_398 : f32 to vector<16xf32>
    %add3A_400 = arith.addf %get3A_394, %add3A_399 : vector<16xf32>
    %max3A_401 = arith.constant 9.99999993E-9 : f32
    %max3A_402 = vector.broadcast %max3A_401 : f32 to vector<16xf32>
    %max3A_403 = arith.maximumf %add3A_400, %max3A_402 : vector<16xf32>
    %min3A_404 = arith.constant 1.000000e+02 : f32
    %min3A_405 = vector.broadcast %min3A_404 : f32 to vector<16xf32>
    %min3A_406 = arith.minimumf %max3A_403, %min3A_405 : vector<16xf32>
    %mul3A_407 = arith.constant 9.98999977 : f32
    %mul3A_408 = vector.broadcast %mul3A_407 : f32 to vector<16xf32>
    %mul3A_409 = arith.mulf %min3A_406, %mul3A_408 : vector<16xf32>
    %convert_element_type3A_410 = arith.fptosi %mul3A_409 : vector<16xf32> to vector<16xi32>
    %convert_element_type3A_411 = arith.sitofp %convert_element_type3A_410 : vector<16xi32> to vector<16xf32>
    %sub3A_412 = arith.subf %mul3A_409, %convert_element_type3A_411 : vector<16xf32>
    %and3A_413 = arith.constant 1 : i32
    %and3A_414 = vector.broadcast %and3A_413 : i32 to vector<16xi32>
    %and3A_415 = arith.andi %convert_element_type3A_410, %and3A_414 : vector<16xi32>
    %eq3A_416 = arith.constant 1 : i32
    %eq3A_417 = vector.broadcast %eq3A_416 : i32 to vector<16xi32>
    %eq3A_418 = arith.cmpi eq, %and3A_415, %eq3A_417 : vector<16xi32>
    %gt3A_419 = arith.constant 5.000000e-01 : f32
    %gt3A_420 = vector.broadcast %gt3A_419 : f32 to vector<16xf32>
    %gt3A_421 = arith.cmpf ogt, %sub3A_412, %gt3A_420 : vector<16xf32>
    %eq3A_422 = arith.constant 5.000000e-01 : f32
    %eq3A_423 = vector.broadcast %eq3A_422 : f32 to vector<16xf32>
    %eq3A_424 = arith.cmpf oeq, %sub3A_412, %eq3A_423 : vector<16xf32>
    %and3A_425 = arith.andi %eq3A_424, %eq3A_418 : vector<16xi1>
    %or3A_426 = arith.ori %gt3A_421, %and3A_425 : vector<16xi1>
    %add3A_427 = arith.constant 1 : i32
    %add3A_428 = vector.broadcast %add3A_427 : i32 to vector<16xi32>
    %add3A_429 = arith.addi %convert_element_type3A_410, %add3A_428 : vector<16xi32>
    %select_n3A_430 = arith.select %or3A_426, %add3A_429, %convert_element_type3A_410 : vector<16xi1>, vector<16xi32>
    %mul3A_431 = arith.constant 1000 : i32
    %mul3A_432 = vector.broadcast %mul3A_431 : i32 to vector<16xi32>
    %mul3A_433 = arith.muli %select_n3A_430, %mul3A_432 : vector<16xi32>
    %add3A_434 = arith.constant 5.000000e+01 : f32
    %add3A_435 = vector.broadcast %add3A_434 : f32 to vector<16xf32>
    %add3A_436 = arith.addf %get3A_397, %add3A_435 : vector<16xf32>
    %max3A_437 = arith.constant 9.99999993E-9 : f32
    %max3A_438 = vector.broadcast %max3A_437 : f32 to vector<16xf32>
    %max3A_439 = arith.maximumf %add3A_436, %max3A_438 : vector<16xf32>
    %min3A_440 = arith.constant 1.000000e+02 : f32
    %min3A_441 = vector.broadcast %min3A_440 : f32 to vector<16xf32>
    %min3A_442 = arith.minimumf %max3A_439, %min3A_441 : vector<16xf32>
    %mul3A_443 = arith.constant 9.98999977 : f32
    %mul3A_444 = vector.broadcast %mul3A_443 : f32 to vector<16xf32>
    %mul3A_445 = arith.mulf %min3A_442, %mul3A_444 : vector<16xf32>
    %convert_element_type3A_446 = arith.fptosi %mul3A_445 : vector<16xf32> to vector<16xi32>
    %convert_element_type3A_447 = arith.sitofp %convert_element_type3A_446 : vector<16xi32> to vector<16xf32>
    %sub3A_448 = arith.subf %mul3A_445, %convert_element_type3A_447 : vector<16xf32>
    %and3A_449 = arith.constant 1 : i32
    %and3A_450 = vector.broadcast %and3A_449 : i32 to vector<16xi32>
    %and3A_451 = arith.andi %convert_element_type3A_446, %and3A_450 : vector<16xi32>
    %eq3A_452 = arith.constant 1 : i32
    %eq3A_453 = vector.broadcast %eq3A_452 : i32 to vector<16xi32>
    %eq3A_454 = arith.cmpi eq, %and3A_451, %eq3A_453 : vector<16xi32>
    %gt3A_455 = arith.constant 5.000000e-01 : f32
    %gt3A_456 = vector.broadcast %gt3A_455 : f32 to vector<16xf32>
    %gt3A_457 = arith.cmpf ogt, %sub3A_448, %gt3A_456 : vector<16xf32>
    %eq3A_458 = arith.constant 5.000000e-01 : f32
    %eq3A_459 = vector.broadcast %eq3A_458 : f32 to vector<16xf32>
    %eq3A_460 = arith.cmpf oeq, %sub3A_448, %eq3A_459 : vector<16xf32>
    %and3A_461 = arith.andi %eq3A_460, %eq3A_454 : vector<16xi1>
    %or3A_462 = arith.ori %gt3A_457, %and3A_461 : vector<16xi1>
    %add3A_463 = arith.constant 1 : i32
    %add3A_464 = vector.broadcast %add3A_463 : i32 to vector<16xi32>
    %add3A_465 = arith.addi %convert_element_type3A_446, %add3A_464 : vector<16xi32>
    %select_n3A_466 = arith.select %or3A_462, %add3A_465, %convert_element_type3A_446 : vector<16xi1>, vector<16xi32>
    %add3A_467 = arith.addi %mul3A_433, %select_n3A_466 : vector<16xi32>
    %swap3A_468 = arith.constant 80 : index
    %swap3A_469 = tpu.vector_load %arg8[%swap3A_468] {strides = array<i32>} : memref<512xi32, #tpu.memory_space<vmem>>, vector<16xi32>,
    %swap3A_470 = vector.shape_cast %swap3A_469 : vector<16xi32> to vector<16xi32>
    %swap3A_471 = vector.shape_cast %add3A_467 : vector<16xi32> to vector<16xi32>
    tpu.vector_store %arg8[%swap3A_468], %swap3A_471 {strides = array<i32>} : memref<512xi32, #tpu.memory_space<vmem>>, vector<16xi32>,
    %get3A_472 = arith.constant 96 : index
    %get3A_473 = tpu.vector_load %arg6[%get3A_472] {strides = array<i32>} : memref<512xf32, #tpu.memory_space<vmem>>, vector<16xf32>,
    %get3A_474 = vector.shape_cast %get3A_473 : vector<16xf32> to vector<16xf32>
    %get3A_475 = arith.constant 96 : index
    %get3A_476 = tpu.vector_load %arg7[%get3A_475] {strides = array<i32>} : memref<512xf32, #tpu.memory_space<vmem>>, vector<16xf32>,
    %get3A_477 = vector.shape_cast %get3A_476 : vector<16xf32> to vector<16xf32>
    %add3A_478 = arith.constant 5.000000e+01 : f32
    %add3A_479 = vector.broadcast %add3A_478 : f32 to vector<16xf32>
    %add3A_480 = arith.addf %get3A_474, %add3A_479 : vector<16xf32>
    %max3A_481 = arith.constant 9.99999993E-9 : f32
    %max3A_482 = vector.broadcast %max3A_481 : f32 to vector<16xf32>
    %max3A_483 = arith.maximumf %add3A_480, %max3A_482 : vector<16xf32>
    %min3A_484 = arith.constant 1.000000e+02 : f32
    %min3A_485 = vector.broadcast %min3A_484 : f32 to vector<16xf32>
    %min3A_486 = arith.minimumf %max3A_483, %min3A_485 : vector<16xf32>
    %mul3A_487 = arith.constant 9.98999977 : f32
    %mul3A_488 = vector.broadcast %mul3A_487 : f32 to vector<16xf32>
    %mul3A_489 = arith.mulf %min3A_486, %mul3A_488 : vector<16xf32>
    %convert_element_type3A_490 = arith.fptosi %mul3A_489 : vector<16xf32> to vector<16xi32>
    %convert_element_type3A_491 = arith.sitofp %convert_element_type3A_490 : vector<16xi32> to vector<16xf32>
    %sub3A_492 = arith.subf %mul3A_489, %convert_element_type3A_491 : vector<16xf32>
    %and3A_493 = arith.constant 1 : i32
    %and3A_494 = vector.broadcast %and3A_493 : i32 to vector<16xi32>
    %and3A_495 = arith.andi %convert_element_type3A_490, %and3A_494 : vector<16xi32>
    %eq3A_496 = arith.constant 1 : i32
    %eq3A_497 = vector.broadcast %eq3A_496 : i32 to vector<16xi32>
    %eq3A_498 = arith.cmpi eq, %and3A_495, %eq3A_497 : vector<16xi32>
    %gt3A_499 = arith.constant 5.000000e-01 : f32
    %gt3A_500 = vector.broadcast %gt3A_499 : f32 to vector<16xf32>
    %gt3A_501 = arith.cmpf ogt, %sub3A_492, %gt3A_500 : vector<16xf32>
    %eq3A_502 = arith.constant 5.000000e-01 : f32
    %eq3A_503 = vector.broadcast %eq3A_502 : f32 to vector<16xf32>
    %eq3A_504 = arith.cmpf oeq, %sub3A_492, %eq3A_503 : vector<16xf32>
    %and3A_505 = arith.andi %eq3A_504, %eq3A_498 : vector<16xi1>
    %or3A_506 = arith.ori %gt3A_501, %and3A_505 : vector<16xi1>
    %add3A_507 = arith.constant 1 : i32
    %add3A_508 = vector.broadcast %add3A_507 : i32 to vector<16xi32>
    %add3A_509 = arith.addi %convert_element_type3A_490, %add3A_508 : vector<16xi32>
    %select_n3A_510 = arith.select %or3A_506, %add3A_509, %convert_element_type3A_490 : vector<16xi1>, vector<16xi32>
    %mul3A_511 = arith.constant 1000 : i32
    %mul3A_512 = vector.broadcast %mul3A_511 : i32 to vector<16xi32>
    %mul3A_513 = arith.muli %select_n3A_510, %mul3A_512 : vector<16xi32>
    %add3A_514 = arith.constant 5.000000e+01 : f32
    %add3A_515 = vector.broadcast %add3A_514 : f32 to vector<16xf32>
    %add3A_516 = arith.addf %get3A_477, %add3A_515 : vector<16xf32>
    %max3A_517 = arith.constant 9.99999993E-9 : f32
    %max3A_518 = vector.broadcast %max3A_517 : f32 to vector<16xf32>
    %max3A_519 = arith.maximumf %add3A_516, %max3A_518 : vector<16xf32>
    %min3A_520 = arith.constant 1.000000e+02 : f32
    %min3A_521 = vector.broadcast %min3A_520 : f32 to vector<16xf32>
    %min3A_522 = arith.minimumf %max3A_519, %min3A_521 : vector<16xf32>
    %mul3A_523 = arith.constant 9.98999977 : f32
    %mul3A_524 = vector.broadcast %mul3A_523 : f32 to vector<16xf32>
    %mul3A_525 = arith.mulf %min3A_522, %mul3A_524 : vector<16xf32>
    %convert_element_type3A_526 = arith.fptosi %mul3A_525 : vector<16xf32> to vector<16xi32>
    %convert_element_type3A_527 = arith.sitofp %convert_element_type3A_526 : vector<16xi32> to vector<16xf32>
    %sub3A_528 = arith.subf %mul3A_525, %convert_element_type3A_527 : vector<16xf32>
    %and3A_529 = arith.constant 1 : i32
    %and3A_530 = vector.broadcast %and3A_529 : i32 to vector<16xi32>
    %and3A_531 = arith.andi %convert_element_type3A_526, %and3A_530 : vector<16xi32>
    %eq3A_532 = arith.constant 1 : i32
    %eq3A_533 = vector.broadcast %eq3A_532 : i32 to vector<16xi32>
    %eq3A_534 = arith.cmpi eq, %and3A_531, %eq3A_533 : vector<16xi32>
    %gt3A_535 = arith.constant 5.000000e-01 : f32
    %gt3A_536 = vector.broadcast %gt3A_535 : f32 to vector<16xf32>
    %gt3A_537 = arith.cmpf ogt, %sub3A_528, %gt3A_536 : vector<16xf32>
    %eq3A_538 = arith.constant 5.000000e-01 : f32
    %eq3A_539 = vector.broadcast %eq3A_538 : f32 to vector<16xf32>
    %eq3A_540 = arith.cmpf oeq, %sub3A_528, %eq3A_539 : vector<16xf32>
    %and3A_541 = arith.andi %eq3A_540, %eq3A_534 : vector<16xi1>
    %or3A_542 = arith.ori %gt3A_537, %and3A_541 : vector<16xi1>
    %add3A_543 = arith.constant 1 : i32
    %add3A_544 = vector.broadcast %add3A_543 : i32 to vector<16xi32>
    %add3A_545 = arith.addi %convert_element_type3A_526, %add3A_544 : vector<16xi32>
    %select_n3A_546 = arith.select %or3A_542, %add3A_545, %convert_element_type3A_526 : vector<16xi1>, vector<16xi32>
    %add3A_547 = arith.addi %mul3A_513, %select_n3A_546 : vector<16xi32>
    %swap3A_548 = arith.constant 96 : index
    %swap3A_549 = tpu.vector_load %arg8[%swap3A_548] {strides = array<i32>} : memref<512xi32, #tpu.memory_space<vmem>>, vector<16xi32>,
    %swap3A_550 = vector.shape_cast %swap3A_549 : vector<16xi32> to vector<16xi32>
    %swap3A_551 = vector.shape_cast %add3A_547 : vector<16xi32> to vector<16xi32>
    tpu.vector_store %arg8[%swap3A_548], %swap3A_551 {strides = array<i32>} : memref<512xi32, #tpu.memory_space<vmem>>, vector<16xi32>,
    %get3A_552 = arith.constant 112 : index
    %get3A_553 = tpu.vector_load %arg6[%get3A_552] {strides = array<i32>} : memref<512xf32, #tpu.memory_space<vmem>>, vector<16xf32>,
    %get3A_554 = vector.shape_cast %get3A_553 : vector<16xf32> to vector<16xf32>
    %get3A_555 = arith.constant 112 : index
    %get3A_556 = tpu.vector_load %arg7[%get3A_555] {strides = array<i32>} : memref<512xf32, #tpu.memory_space<vmem>>, vector<16xf32>,
    %get3A_557 = vector.shape_cast %get3A_556 : vector<16xf32> to vector<16xf32>
    %add3A_558 = arith.constant 5.000000e+01 : f32
    %add3A_559 = vector.broadcast %add3A_558 : f32 to vector<16xf32>
    %add3A_560 = arith.addf %get3A_554, %add3A_559 : vector<16xf32>
    %max3A_561 = arith.constant 9.99999993E-9 : f32
    %max3A_562 = vector.broadcast %max3A_561 : f32 to vector<16xf32>
    %max3A_563 = arith.maximumf %add3A_560, %max3A_562 : vector<16xf32>
    %min3A_564 = arith.constant 1.000000e+02 : f32
    %min3A_565 = vector.broadcast %min3A_564 : f32 to vector<16xf32>
    %min3A_566 = arith.minimumf %max3A_563, %min3A_565 : vector<16xf32>
    %mul3A_567 = arith.constant 9.98999977 : f32
    %mul3A_568 = vector.broadcast %mul3A_567 : f32 to vector<16xf32>
    %mul3A_569 = arith.mulf %min3A_566, %mul3A_568 : vector<16xf32>
    %convert_element_type3A_570 = arith.fptosi %mul3A_569 : vector<16xf32> to vector<16xi32>
    %convert_element_type3A_571 = arith.sitofp %convert_element_type3A_570 : vector<16xi32> to vector<16xf32>
    %sub3A_572 = arith.subf %mul3A_569, %convert_element_type3A_571 : vector<16xf32>
    %and3A_573 = arith.constant 1 : i32
    %and3A_574 = vector.broadcast %and3A_573 : i32 to vector<16xi32>
    %and3A_575 = arith.andi %convert_element_type3A_570, %and3A_574 : vector<16xi32>
    %eq3A_576 = arith.constant 1 : i32
    %eq3A_577 = vector.broadcast %eq3A_576 : i32 to vector<16xi32>
    %eq3A_578 = arith.cmpi eq, %and3A_575, %eq3A_577 : vector<16xi32>
    %gt3A_579 = arith.constant 5.000000e-01 : f32
    %gt3A_580 = vector.broadcast %gt3A_579 : f32 to vector<16xf32>
    %gt3A_581 = arith.cmpf ogt, %sub3A_572, %gt3A_580 : vector<16xf32>
    %eq3A_582 = arith.constant 5.000000e-01 : f32
    %eq3A_583 = vector.broadcast %eq3A_582 : f32 to vector<16xf32>
    %eq3A_584 = arith.cmpf oeq, %sub3A_572, %eq3A_583 : vector<16xf32>
    %and3A_585 = arith.andi %eq3A_584, %eq3A_578 : vector<16xi1>
    %or3A_586 = arith.ori %gt3A_581, %and3A_585 : vector<16xi1>
    %add3A_587 = arith.constant 1 : i32
    %add3A_588 = vector.broadcast %add3A_587 : i32 to vector<16xi32>
    %add3A_589 = arith.addi %convert_element_type3A_570, %add3A_588 : vector<16xi32>
    %select_n3A_590 = arith.select %or3A_586, %add3A_589, %convert_element_type3A_570 : vector<16xi1>, vector<16xi32>
    %mul3A_591 = arith.constant 1000 : i32
    %mul3A_592 = vector.broadcast %mul3A_591 : i32 to vector<16xi32>
    %mul3A_593 = arith.muli %select_n3A_590, %mul3A_592 : vector<16xi32>
    %add3A_594 = arith.constant 5.000000e+01 : f32
    %add3A_595 = vector.broadcast %add3A_594 : f32 to vector<16xf32>
    %add3A_596 = arith.addf %get3A_557, %add3A_595 : vector<16xf32>
    %max3A_597 = arith.constant 9.99999993E-9 : f32
    %max3A_598 = vector.broadcast %max3A_597 : f32 to vector<16xf32>
    %max3A_599 = arith.maximumf %add3A_596, %max3A_598 : vector<16xf32>
    %min3A_600 = arith.constant 1.000000e+02 : f32
    %min3A_601 = vector.broadcast %min3A_600 : f32 to vector<16xf32>
    %min3A_602 = arith.minimumf %max3A_599, %min3A_601 : vector<16xf32>
    %mul3A_603 = arith.constant 9.98999977 : f32
    %mul3A_604 = vector.broadcast %mul3A_603 : f32 to vector<16xf32>
    %mul3A_605 = arith.mulf %min3A_602, %mul3A_604 : vector<16xf32>
    %convert_element_type3A_606 = arith.fptosi %mul3A_605 : vector<16xf32> to vector<16xi32>
    %convert_element_type3A_607 = arith.sitofp %convert_element_type3A_606 : vector<16xi32> to vector<16xf32>
    %sub3A_608 = arith.subf %mul3A_605, %convert_element_type3A_607 : vector<16xf32>
    %and3A_609 = arith.constant 1 : i32
    %and3A_610 = vector.broadcast %and3A_609 : i32 to vector<16xi32>
    %and3A_611 = arith.andi %convert_element_type3A_606, %and3A_610 : vector<16xi32>
    %eq3A_612 = arith.constant 1 : i32
    %eq3A_613 = vector.broadcast %eq3A_612 : i32 to vector<16xi32>
    %eq3A_614 = arith.cmpi eq, %and3A_611, %eq3A_613 : vector<16xi32>
    %gt3A_615 = arith.constant 5.000000e-01 : f32
    %gt3A_616 = vector.broadcast %gt3A_615 : f32 to vector<16xf32>
    %gt3A_617 = arith.cmpf ogt, %sub3A_608, %gt3A_616 : vector<16xf32>
    %eq3A_618 = arith.constant 5.000000e-01 : f32
    %eq3A_619 = vector.broadcast %eq3A_618 : f32 to vector<16xf32>
    %eq3A_620 = arith.cmpf oeq, %sub3A_608, %eq3A_619 : vector<16xf32>
    %and3A_621 = arith.andi %eq3A_620, %eq3A_614 : vector<16xi1>
    %or3A_622 = arith.ori %gt3A_617, %and3A_621 : vector<16xi1>
    %add3A_623 = arith.constant 1 : i32
    %add3A_624 = vector.broadcast %add3A_623 : i32 to vector<16xi32>
    %add3A_625 = arith.addi %convert_element_type3A_606, %add3A_624 : vector<16xi32>
    %select_n3A_626 = arith.select %or3A_622, %add3A_625, %convert_element_type3A_606 : vector<16xi1>, vector<16xi32>
    %add3A_627 = arith.addi %mul3A_593, %select_n3A_626 : vector<16xi32>
    %swap3A_628 = arith.constant 112 : index
    %swap3A_629 = tpu.vector_load %arg8[%swap3A_628] {strides = array<i32>} : memref<512xi32, #tpu.memory_space<vmem>>, vector<16xi32>,
    %swap3A_630 = vector.shape_cast %swap3A_629 : vector<16xi32> to vector<16xi32>
    %swap3A_631 = vector.shape_cast %add3A_627 : vector<16xi32> to vector<16xi32>
    tpu.vector_store %arg8[%swap3A_628], %swap3A_631 {strides = array<i32>} : memref<512xi32, #tpu.memory_space<vmem>>, vector<16xi32>,
    %dma_start3A = arith.constant 0 : i32
    %dma_start3A_632 = arith.constant 0 : i32
    %dma_start3A_633 = tpu.memref_slice %arg9[%dma_start3A, %dma_start3A_632] : memref<512x32xf32, #tpu.memory_space<vmem>> -> memref<128x32xf32, #tpu.memory_space<vmem>>
    %dma_start3A_634 = arith.constant 0 : i32
    %dma_start3A_635 = tpu.memref_slice %arg8[%dma_start3A_634] : memref<512xi32, #tpu.memory_space<vmem>> -> memref<128xi32, #tpu.memory_space<vmem>>
    %dma_start3A_636 = arith.constant 0 : i32
    %dma_start3A_637 = arith.constant 0 : i32
    %dma_start3A_638 = tpu.memref_slice %arg4[%dma_start3A_636, %dma_start3A_637] : memref<1000000x32xf32, #tpu.memory_space<hbm>> -> memref<1000000x32xf32, #tpu.memory_space<hbm>>
    tpu.enqueue_indirect_dma source(%dma_start3A_638 : memref<1000000x32xf32, #tpu.memory_space<hbm>>) target(%dma_start3A_633 : memref<128x32xf32, #tpu.memory_space<vmem>>) offsets(%dma_start3A_635 : memref<128xi32, #tpu.memory_space<vmem>>) semaphore(%arg10 : memref<!tpu.dma_semaphore, #tpu.memory_space<semaphore_mem>>)
    %get3A_639 = arith.constant 128 : index
    %get3A_640 = tpu.vector_load %arg6[%get3A_639] {strides = array<i32>} : memref<512xf32, #tpu.memory_space<vmem>>, vector<16xf32>,
    %get3A_641 = vector.shape_cast %get3A_640 : vector<16xf32> to vector<16xf32>
    %get3A_642 = arith.constant 128 : index
    %get3A_643 = tpu.vector_load %arg7[%get3A_642] {strides = array<i32>} : memref<512xf32, #tpu.memory_space<vmem>>, vector<16xf32>,
    %get3A_644 = vector.shape_cast %get3A_643 : vector<16xf32> to vector<16xf32>
    %add3A_645 = arith.constant 5.000000e+01 : f32
    %add3A_646 = vector.broadcast %add3A_645 : f32 to vector<16xf32>
    %add3A_647 = arith.addf %get3A_641, %add3A_646 : vector<16xf32>
    %max3A_648 = arith.constant 9.99999993E-9 : f32
    %max3A_649 = vector.broadcast %max3A_648 : f32 to vector<16xf32>
    %max3A_650 = arith.maximumf %add3A_647, %max3A_649 : vector<16xf32>
    %min3A_651 = arith.constant 1.000000e+02 : f32
    %min3A_652 = vector.broadcast %min3A_651 : f32 to vector<16xf32>
    %min3A_653 = arith.minimumf %max3A_650, %min3A_652 : vector<16xf32>
    %mul3A_654 = arith.constant 9.98999977 : f32
    %mul3A_655 = vector.broadcast %mul3A_654 : f32 to vector<16xf32>
    %mul3A_656 = arith.mulf %min3A_653, %mul3A_655 : vector<16xf32>
    %convert_element_type3A_657 = arith.fptosi %mul3A_656 : vector<16xf32> to vector<16xi32>
    %convert_element_type3A_658 = arith.sitofp %convert_element_type3A_657 : vector<16xi32> to vector<16xf32>
    %sub3A_659 = arith.subf %mul3A_656, %convert_element_type3A_658 : vector<16xf32>
    %and3A_660 = arith.constant 1 : i32
    %and3A_661 = vector.broadcast %and3A_660 : i32 to vector<16xi32>
    %and3A_662 = arith.andi %convert_element_type3A_657, %and3A_661 : vector<16xi32>
    %eq3A_663 = arith.constant 1 : i32
    %eq3A_664 = vector.broadcast %eq3A_663 : i32 to vector<16xi32>
    %eq3A_665 = arith.cmpi eq, %and3A_662, %eq3A_664 : vector<16xi32>
    %gt3A_666 = arith.constant 5.000000e-01 : f32
    %gt3A_667 = vector.broadcast %gt3A_666 : f32 to vector<16xf32>
    %gt3A_668 = arith.cmpf ogt, %sub3A_659, %gt3A_667 : vector<16xf32>
    %eq3A_669 = arith.constant 5.000000e-01 : f32
    %eq3A_670 = vector.broadcast %eq3A_669 : f32 to vector<16xf32>
    %eq3A_671 = arith.cmpf oeq, %sub3A_659, %eq3A_670 : vector<16xf32>
    %and3A_672 = arith.andi %eq3A_671, %eq3A_665 : vector<16xi1>
    %or3A_673 = arith.ori %gt3A_668, %and3A_672 : vector<16xi1>
    %add3A_674 = arith.constant 1 : i32
    %add3A_675 = vector.broadcast %add3A_674 : i32 to vector<16xi32>
    %add3A_676 = arith.addi %convert_element_type3A_657, %add3A_675 : vector<16xi32>
    %select_n3A_677 = arith.select %or3A_673, %add3A_676, %convert_element_type3A_657 : vector<16xi1>, vector<16xi32>
    %mul3A_678 = arith.constant 1000 : i32
    %mul3A_679 = vector.broadcast %mul3A_678 : i32 to vector<16xi32>
    %mul3A_680 = arith.muli %select_n3A_677, %mul3A_679 : vector<16xi32>
    %add3A_681 = arith.constant 5.000000e+01 : f32
    %add3A_682 = vector.broadcast %add3A_681 : f32 to vector<16xf32>
    %add3A_683 = arith.addf %get3A_644, %add3A_682 : vector<16xf32>
    %max3A_684 = arith.constant 9.99999993E-9 : f32
    %max3A_685 = vector.broadcast %max3A_684 : f32 to vector<16xf32>
    %max3A_686 = arith.maximumf %add3A_683, %max3A_685 : vector<16xf32>
    %min3A_687 = arith.constant 1.000000e+02 : f32
    %min3A_688 = vector.broadcast %min3A_687 : f32 to vector<16xf32>
    %min3A_689 = arith.minimumf %max3A_686, %min3A_688 : vector<16xf32>
    %mul3A_690 = arith.constant 9.98999977 : f32
    %mul3A_691 = vector.broadcast %mul3A_690 : f32 to vector<16xf32>
    %mul3A_692 = arith.mulf %min3A_689, %mul3A_691 : vector<16xf32>
    %convert_element_type3A_693 = arith.fptosi %mul3A_692 : vector<16xf32> to vector<16xi32>
    %convert_element_type3A_694 = arith.sitofp %convert_element_type3A_693 : vector<16xi32> to vector<16xf32>
    %sub3A_695 = arith.subf %mul3A_692, %convert_element_type3A_694 : vector<16xf32>
    %and3A_696 = arith.constant 1 : i32
    %and3A_697 = vector.broadcast %and3A_696 : i32 to vector<16xi32>
    %and3A_698 = arith.andi %convert_element_type3A_693, %and3A_697 : vector<16xi32>
    %eq3A_699 = arith.constant 1 : i32
    %eq3A_700 = vector.broadcast %eq3A_699 : i32 to vector<16xi32>
    %eq3A_701 = arith.cmpi eq, %and3A_698, %eq3A_700 : vector<16xi32>
    %gt3A_702 = arith.constant 5.000000e-01 : f32
    %gt3A_703 = vector.broadcast %gt3A_702 : f32 to vector<16xf32>
    %gt3A_704 = arith.cmpf ogt, %sub3A_695, %gt3A_703 : vector<16xf32>
    %eq3A_705 = arith.constant 5.000000e-01 : f32
    %eq3A_706 = vector.broadcast %eq3A_705 : f32 to vector<16xf32>
    %eq3A_707 = arith.cmpf oeq, %sub3A_695, %eq3A_706 : vector<16xf32>
    %and3A_708 = arith.andi %eq3A_707, %eq3A_701 : vector<16xi1>
    %or3A_709 = arith.ori %gt3A_704, %and3A_708 : vector<16xi1>
    %add3A_710 = arith.constant 1 : i32
    %add3A_711 = vector.broadcast %add3A_710 : i32 to vector<16xi32>
    %add3A_712 = arith.addi %convert_element_type3A_693, %add3A_711 : vector<16xi32>
    %select_n3A_713 = arith.select %or3A_709, %add3A_712, %convert_element_type3A_693 : vector<16xi1>, vector<16xi32>
    %add3A_714 = arith.addi %mul3A_680, %select_n3A_713 : vector<16xi32>
    %swap3A_715 = arith.constant 128 : index
    %swap3A_716 = tpu.vector_load %arg8[%swap3A_715] {strides = array<i32>} : memref<512xi32, #tpu.memory_space<vmem>>, vector<16xi32>,
    %swap3A_717 = vector.shape_cast %swap3A_716 : vector<16xi32> to vector<16xi32>
    %swap3A_718 = vector.shape_cast %add3A_714 : vector<16xi32> to vector<16xi32>
    tpu.vector_store %arg8[%swap3A_715], %swap3A_718 {strides = array<i32>} : memref<512xi32, #tpu.memory_space<vmem>>, vector<16xi32>,
    %get3A_719 = arith.constant 144 : index
    %get3A_720 = tpu.vector_load %arg6[%get3A_719] {strides = array<i32>} : memref<512xf32, #tpu.memory_space<vmem>>, vector<16xf32>,
    %get3A_721 = vector.shape_cast %get3A_720 : vector<16xf32> to vector<16xf32>
    %get3A_722 = arith.constant 144 : index
    %get3A_723 = tpu.vector_load %arg7[%get3A_722] {strides = array<i32>} : memref<512xf32, #tpu.memory_space<vmem>>, vector<16xf32>,
    %get3A_724 = vector.shape_cast %get3A_723 : vector<16xf32> to vector<16xf32>
    %add3A_725 = arith.constant 5.000000e+01 : f32
    %add3A_726 = vector.broadcast %add3A_725 : f32 to vector<16xf32>
    %add3A_727 = arith.addf %get3A_721, %add3A_726 : vector<16xf32>
    %max3A_728 = arith.constant 9.99999993E-9 : f32
    %max3A_729 = vector.broadcast %max3A_728 : f32 to vector<16xf32>
    %max3A_730 = arith.maximumf %add3A_727, %max3A_729 : vector<16xf32>
    %min3A_731 = arith.constant 1.000000e+02 : f32
    %min3A_732 = vector.broadcast %min3A_731 : f32 to vector<16xf32>
    %min3A_733 = arith.minimumf %max3A_730, %min3A_732 : vector<16xf32>
    %mul3A_734 = arith.constant 9.98999977 : f32
    %mul3A_735 = vector.broadcast %mul3A_734 : f32 to vector<16xf32>
    %mul3A_736 = arith.mulf %min3A_733, %mul3A_735 : vector<16xf32>
    %convert_element_type3A_737 = arith.fptosi %mul3A_736 : vector<16xf32> to vector<16xi32>
    %convert_element_type3A_738 = arith.sitofp %convert_element_type3A_737 : vector<16xi32> to vector<16xf32>
    %sub3A_739 = arith.subf %mul3A_736, %convert_element_type3A_738 : vector<16xf32>
    %and3A_740 = arith.constant 1 : i32
    %and3A_741 = vector.broadcast %and3A_740 : i32 to vector<16xi32>
    %and3A_742 = arith.andi %convert_element_type3A_737, %and3A_741 : vector<16xi32>
    %eq3A_743 = arith.constant 1 : i32
    %eq3A_744 = vector.broadcast %eq3A_743 : i32 to vector<16xi32>
    %eq3A_745 = arith.cmpi eq, %and3A_742, %eq3A_744 : vector<16xi32>
    %gt3A_746 = arith.constant 5.000000e-01 : f32
    %gt3A_747 = vector.broadcast %gt3A_746 : f32 to vector<16xf32>
    %gt3A_748 = arith.cmpf ogt, %sub3A_739, %gt3A_747 : vector<16xf32>
    %eq3A_749 = arith.constant 5.000000e-01 : f32
    %eq3A_750 = vector.broadcast %eq3A_749 : f32 to vector<16xf32>
    %eq3A_751 = arith.cmpf oeq, %sub3A_739, %eq3A_750 : vector<16xf32>
    %and3A_752 = arith.andi %eq3A_751, %eq3A_745 : vector<16xi1>
    %or3A_753 = arith.ori %gt3A_748, %and3A_752 : vector<16xi1>
    %add3A_754 = arith.constant 1 : i32
    %add3A_755 = vector.broadcast %add3A_754 : i32 to vector<16xi32>
    %add3A_756 = arith.addi %convert_element_type3A_737, %add3A_755 : vector<16xi32>
    %select_n3A_757 = arith.select %or3A_753, %add3A_756, %convert_element_type3A_737 : vector<16xi1>, vector<16xi32>
    %mul3A_758 = arith.constant 1000 : i32
    %mul3A_759 = vector.broadcast %mul3A_758 : i32 to vector<16xi32>
    %mul3A_760 = arith.muli %select_n3A_757, %mul3A_759 : vector<16xi32>
    %add3A_761 = arith.constant 5.000000e+01 : f32
    %add3A_762 = vector.broadcast %add3A_761 : f32 to vector<16xf32>
    %add3A_763 = arith.addf %get3A_724, %add3A_762 : vector<16xf32>
    %max3A_764 = arith.constant 9.99999993E-9 : f32
    %max3A_765 = vector.broadcast %max3A_764 : f32 to vector<16xf32>
    %max3A_766 = arith.maximumf %add3A_763, %max3A_765 : vector<16xf32>
    %min3A_767 = arith.constant 1.000000e+02 : f32
    %min3A_768 = vector.broadcast %min3A_767 : f32 to vector<16xf32>
    %min3A_769 = arith.minimumf %max3A_766, %min3A_768 : vector<16xf32>
    %mul3A_770 = arith.constant 9.98999977 : f32
    %mul3A_771 = vector.broadcast %mul3A_770 : f32 to vector<16xf32>
    %mul3A_772 = arith.mulf %min3A_769, %mul3A_771 : vector<16xf32>
    %convert_element_type3A_773 = arith.fptosi %mul3A_772 : vector<16xf32> to vector<16xi32>
    %convert_element_type3A_774 = arith.sitofp %convert_element_type3A_773 : vector<16xi32> to vector<16xf32>
    %sub3A_775 = arith.subf %mul3A_772, %convert_element_type3A_774 : vector<16xf32>
    %and3A_776 = arith.constant 1 : i32
    %and3A_777 = vector.broadcast %and3A_776 : i32 to vector<16xi32>
    %and3A_778 = arith.andi %convert_element_type3A_773, %and3A_777 : vector<16xi32>
    %eq3A_779 = arith.constant 1 : i32
    %eq3A_780 = vector.broadcast %eq3A_779 : i32 to vector<16xi32>
    %eq3A_781 = arith.cmpi eq, %and3A_778, %eq3A_780 : vector<16xi32>
    %gt3A_782 = arith.constant 5.000000e-01 : f32
    %gt3A_783 = vector.broadcast %gt3A_782 : f32 to vector<16xf32>
    %gt3A_784 = arith.cmpf ogt, %sub3A_775, %gt3A_783 : vector<16xf32>
    %eq3A_785 = arith.constant 5.000000e-01 : f32
    %eq3A_786 = vector.broadcast %eq3A_785 : f32 to vector<16xf32>
    %eq3A_787 = arith.cmpf oeq, %sub3A_775, %eq3A_786 : vector<16xf32>
    %and3A_788 = arith.andi %eq3A_787, %eq3A_781 : vector<16xi1>
    %or3A_789 = arith.ori %gt3A_784, %and3A_788 : vector<16xi1>
    %add3A_790 = arith.constant 1 : i32
    %add3A_791 = vector.broadcast %add3A_790 : i32 to vector<16xi32>
    %add3A_792 = arith.addi %convert_element_type3A_773, %add3A_791 : vector<16xi32>
    %select_n3A_793 = arith.select %or3A_789, %add3A_792, %convert_element_type3A_773 : vector<16xi1>, vector<16xi32>
    %add3A_794 = arith.addi %mul3A_760, %select_n3A_793 : vector<16xi32>
    %swap3A_795 = arith.constant 144 : index
    %swap3A_796 = tpu.vector_load %arg8[%swap3A_795] {strides = array<i32>} : memref<512xi32, #tpu.memory_space<vmem>>, vector<16xi32>,
    %swap3A_797 = vector.shape_cast %swap3A_796 : vector<16xi32> to vector<16xi32>
    %swap3A_798 = vector.shape_cast %add3A_794 : vector<16xi32> to vector<16xi32>
    tpu.vector_store %arg8[%swap3A_795], %swap3A_798 {strides = array<i32>} : memref<512xi32, #tpu.memory_space<vmem>>, vector<16xi32>,
    %get3A_799 = arith.constant 160 : index
    %get3A_800 = tpu.vector_load %arg6[%get3A_799] {strides = array<i32>} : memref<512xf32, #tpu.memory_space<vmem>>, vector<16xf32>,
    %get3A_801 = vector.shape_cast %get3A_800 : vector<16xf32> to vector<16xf32>
    %get3A_802 = arith.constant 160 : index
    %get3A_803 = tpu.vector_load %arg7[%get3A_802] {strides = array<i32>} : memref<512xf32, #tpu.memory_space<vmem>>, vector<16xf32>,
    %get3A_804 = vector.shape_cast %get3A_803 : vector<16xf32> to vector<16xf32>
    %add3A_805 = arith.constant 5.000000e+01 : f32
    %add3A_806 = vector.broadcast %add3A_805 : f32 to vector<16xf32>
    %add3A_807 = arith.addf %get3A_801, %add3A_806 : vector<16xf32>
    %max3A_808 = arith.constant 9.99999993E-9 : f32
    %max3A_809 = vector.broadcast %max3A_808 : f32 to vector<16xf32>
    %max3A_810 = arith.maximumf %add3A_807, %max3A_809 : vector<16xf32>
    %min3A_811 = arith.constant 1.000000e+02 : f32
    %min3A_812 = vector.broadcast %min3A_811 : f32 to vector<16xf32>
    %min3A_813 = arith.minimumf %max3A_810, %min3A_812 : vector<16xf32>
    %mul3A_814 = arith.constant 9.98999977 : f32
    %mul3A_815 = vector.broadcast %mul3A_814 : f32 to vector<16xf32>
    %mul3A_816 = arith.mulf %min3A_813, %mul3A_815 : vector<16xf32>
    %convert_element_type3A_817 = arith.fptosi %mul3A_816 : vector<16xf32> to vector<16xi32>
    %convert_element_type3A_818 = arith.sitofp %convert_element_type3A_817 : vector<16xi32> to vector<16xf32>
    %sub3A_819 = arith.subf %mul3A_816, %convert_element_type3A_818 : vector<16xf32>
    %and3A_820 = arith.constant 1 : i32
    %and3A_821 = vector.broadcast %and3A_820 : i32 to vector<16xi32>
    %and3A_822 = arith.andi %convert_element_type3A_817, %and3A_821 : vector<16xi32>
    %eq3A_823 = arith.constant 1 : i32
    %eq3A_824 = vector.broadcast %eq3A_823 : i32 to vector<16xi32>
    %eq3A_825 = arith.cmpi eq, %and3A_822, %eq3A_824 : vector<16xi32>
    %gt3A_826 = arith.constant 5.000000e-01 : f32
    %gt3A_827 = vector.broadcast %gt3A_826 : f32 to vector<16xf32>
    %gt3A_828 = arith.cmpf ogt, %sub3A_819, %gt3A_827 : vector<16xf32>
    %eq3A_829 = arith.constant 5.000000e-01 : f32
    %eq3A_830 = vector.broadcast %eq3A_829 : f32 to vector<16xf32>
    %eq3A_831 = arith.cmpf oeq, %sub3A_819, %eq3A_830 : vector<16xf32>
    %and3A_832 = arith.andi %eq3A_831, %eq3A_825 : vector<16xi1>
    %or3A_833 = arith.ori %gt3A_828, %and3A_832 : vector<16xi1>
    %add3A_834 = arith.constant 1 : i32
    %add3A_835 = vector.broadcast %add3A_834 : i32 to vector<16xi32>
    %add3A_836 = arith.addi %convert_element_type3A_817, %add3A_835 : vector<16xi32>
    %select_n3A_837 = arith.select %or3A_833, %add3A_836, %convert_element_type3A_817 : vector<16xi1>, vector<16xi32>
    %mul3A_838 = arith.constant 1000 : i32
    %mul3A_839 = vector.broadcast %mul3A_838 : i32 to vector<16xi32>
    %mul3A_840 = arith.muli %select_n3A_837, %mul3A_839 : vector<16xi32>
    %add3A_841 = arith.constant 5.000000e+01 : f32
    %add3A_842 = vector.broadcast %add3A_841 : f32 to vector<16xf32>
    %add3A_843 = arith.addf %get3A_804, %add3A_842 : vector<16xf32>
    %max3A_844 = arith.constant 9.99999993E-9 : f32
    %max3A_845 = vector.broadcast %max3A_844 : f32 to vector<16xf32>
    %max3A_846 = arith.maximumf %add3A_843, %max3A_845 : vector<16xf32>
    %min3A_847 = arith.constant 1.000000e+02 : f32
    %min3A_848 = vector.broadcast %min3A_847 : f32 to vector<16xf32>
    %min3A_849 = arith.minimumf %max3A_846, %min3A_848 : vector<16xf32>
    %mul3A_850 = arith.constant 9.98999977 : f32
    %mul3A_851 = vector.broadcast %mul3A_850 : f32 to vector<16xf32>
    %mul3A_852 = arith.mulf %min3A_849, %mul3A_851 : vector<16xf32>
    %convert_element_type3A_853 = arith.fptosi %mul3A_852 : vector<16xf32> to vector<16xi32>
    %convert_element_type3A_854 = arith.sitofp %convert_element_type3A_853 : vector<16xi32> to vector<16xf32>
    %sub3A_855 = arith.subf %mul3A_852, %convert_element_type3A_854 : vector<16xf32>
    %and3A_856 = arith.constant 1 : i32
    %and3A_857 = vector.broadcast %and3A_856 : i32 to vector<16xi32>
    %and3A_858 = arith.andi %convert_element_type3A_853, %and3A_857 : vector<16xi32>
    %eq3A_859 = arith.constant 1 : i32
    %eq3A_860 = vector.broadcast %eq3A_859 : i32 to vector<16xi32>
    %eq3A_861 = arith.cmpi eq, %and3A_858, %eq3A_860 : vector<16xi32>
    %gt3A_862 = arith.constant 5.000000e-01 : f32
    %gt3A_863 = vector.broadcast %gt3A_862 : f32 to vector<16xf32>
    %gt3A_864 = arith.cmpf ogt, %sub3A_855, %gt3A_863 : vector<16xf32>
    %eq3A_865 = arith.constant 5.000000e-01 : f32
    %eq3A_866 = vector.broadcast %eq3A_865 : f32 to vector<16xf32>
    %eq3A_867 = arith.cmpf oeq, %sub3A_855, %eq3A_866 : vector<16xf32>
    %and3A_868 = arith.andi %eq3A_867, %eq3A_861 : vector<16xi1>
    %or3A_869 = arith.ori %gt3A_864, %and3A_868 : vector<16xi1>
    %add3A_870 = arith.constant 1 : i32
    %add3A_871 = vector.broadcast %add3A_870 : i32 to vector<16xi32>
    %add3A_872 = arith.addi %convert_element_type3A_853, %add3A_871 : vector<16xi32>
    %select_n3A_873 = arith.select %or3A_869, %add3A_872, %convert_element_type3A_853 : vector<16xi1>, vector<16xi32>
    %add3A_874 = arith.addi %mul3A_840, %select_n3A_873 : vector<16xi32>
    %swap3A_875 = arith.constant 160 : index
    %swap3A_876 = tpu.vector_load %arg8[%swap3A_875] {strides = array<i32>} : memref<512xi32, #tpu.memory_space<vmem>>, vector<16xi32>,
    %swap3A_877 = vector.shape_cast %swap3A_876 : vector<16xi32> to vector<16xi32>
    %swap3A_878 = vector.shape_cast %add3A_874 : vector<16xi32> to vector<16xi32>
    tpu.vector_store %arg8[%swap3A_875], %swap3A_878 {strides = array<i32>} : memref<512xi32, #tpu.memory_space<vmem>>, vector<16xi32>,
    %get3A_879 = arith.constant 176 : index
    %get3A_880 = tpu.vector_load %arg6[%get3A_879] {strides = array<i32>} : memref<512xf32, #tpu.memory_space<vmem>>, vector<16xf32>,
    %get3A_881 = vector.shape_cast %get3A_880 : vector<16xf32> to vector<16xf32>
    %get3A_882 = arith.constant 176 : index
    %get3A_883 = tpu.vector_load %arg7[%get3A_882] {strides = array<i32>} : memref<512xf32, #tpu.memory_space<vmem>>, vector<16xf32>,
    %get3A_884 = vector.shape_cast %get3A_883 : vector<16xf32> to vector<16xf32>
    %add3A_885 = arith.constant 5.000000e+01 : f32
    %add3A_886 = vector.broadcast %add3A_885 : f32 to vector<16xf32>
    %add3A_887 = arith.addf %get3A_881, %add3A_886 : vector<16xf32>
    %max3A_888 = arith.constant 9.99999993E-9 : f32
    %max3A_889 = vector.broadcast %max3A_888 : f32 to vector<16xf32>
    %max3A_890 = arith.maximumf %add3A_887, %max3A_889 : vector<16xf32>
    %min3A_891 = arith.constant 1.000000e+02 : f32
    %min3A_892 = vector.broadcast %min3A_891 : f32 to vector<16xf32>
    %min3A_893 = arith.minimumf %max3A_890, %min3A_892 : vector<16xf32>
    %mul3A_894 = arith.constant 9.98999977 : f32
    %mul3A_895 = vector.broadcast %mul3A_894 : f32 to vector<16xf32>
    %mul3A_896 = arith.mulf %min3A_893, %mul3A_895 : vector<16xf32>
    %convert_element_type3A_897 = arith.fptosi %mul3A_896 : vector<16xf32> to vector<16xi32>
    %convert_element_type3A_898 = arith.sitofp %convert_element_type3A_897 : vector<16xi32> to vector<16xf32>
    %sub3A_899 = arith.subf %mul3A_896, %convert_element_type3A_898 : vector<16xf32>
    %and3A_900 = arith.constant 1 : i32
    %and3A_901 = vector.broadcast %and3A_900 : i32 to vector<16xi32>
    %and3A_902 = arith.andi %convert_element_type3A_897, %and3A_901 : vector<16xi32>
    %eq3A_903 = arith.constant 1 : i32
    %eq3A_904 = vector.broadcast %eq3A_903 : i32 to vector<16xi32>
    %eq3A_905 = arith.cmpi eq, %and3A_902, %eq3A_904 : vector<16xi32>
    %gt3A_906 = arith.constant 5.000000e-01 : f32
    %gt3A_907 = vector.broadcast %gt3A_906 : f32 to vector<16xf32>
    %gt3A_908 = arith.cmpf ogt, %sub3A_899, %gt3A_907 : vector<16xf32>
    %eq3A_909 = arith.constant 5.000000e-01 : f32
    %eq3A_910 = vector.broadcast %eq3A_909 : f32 to vector<16xf32>
    %eq3A_911 = arith.cmpf oeq, %sub3A_899, %eq3A_910 : vector<16xf32>
    %and3A_912 = arith.andi %eq3A_911, %eq3A_905 : vector<16xi1>
    %or3A_913 = arith.ori %gt3A_908, %and3A_912 : vector<16xi1>
    %add3A_914 = arith.constant 1 : i32
    %add3A_915 = vector.broadcast %add3A_914 : i32 to vector<16xi32>
    %add3A_916 = arith.addi %convert_element_type3A_897, %add3A_915 : vector<16xi32>
    %select_n3A_917 = arith.select %or3A_913, %add3A_916, %convert_element_type3A_897 : vector<16xi1>, vector<16xi32>
    %mul3A_918 = arith.constant 1000 : i32
    %mul3A_919 = vector.broadcast %mul3A_918 : i32 to vector<16xi32>
    %mul3A_920 = arith.muli %select_n3A_917, %mul3A_919 : vector<16xi32>
    %add3A_921 = arith.constant 5.000000e+01 : f32
    %add3A_922 = vector.broadcast %add3A_921 : f32 to vector<16xf32>
    %add3A_923 = arith.addf %get3A_884, %add3A_922 : vector<16xf32>
    %max3A_924 = arith.constant 9.99999993E-9 : f32
    %max3A_925 = vector.broadcast %max3A_924 : f32 to vector<16xf32>
    %max3A_926 = arith.maximumf %add3A_923, %max3A_925 : vector<16xf32>
    %min3A_927 = arith.constant 1.000000e+02 : f32
    %min3A_928 = vector.broadcast %min3A_927 : f32 to vector<16xf32>
    %min3A_929 = arith.minimumf %max3A_926, %min3A_928 : vector<16xf32>
    %mul3A_930 = arith.constant 9.98999977 : f32
    %mul3A_931 = vector.broadcast %mul3A_930 : f32 to vector<16xf32>
    %mul3A_932 = arith.mulf %min3A_929, %mul3A_931 : vector<16xf32>
    %convert_element_type3A_933 = arith.fptosi %mul3A_932 : vector<16xf32> to vector<16xi32>
    %convert_element_type3A_934 = arith.sitofp %convert_element_type3A_933 : vector<16xi32> to vector<16xf32>
    %sub3A_935 = arith.subf %mul3A_932, %convert_element_type3A_934 : vector<16xf32>
    %and3A_936 = arith.constant 1 : i32
    %and3A_937 = vector.broadcast %and3A_936 : i32 to vector<16xi32>
    %and3A_938 = arith.andi %convert_element_type3A_933, %and3A_937 : vector<16xi32>
    %eq3A_939 = arith.constant 1 : i32
    %eq3A_940 = vector.broadcast %eq3A_939 : i32 to vector<16xi32>
    %eq3A_941 = arith.cmpi eq, %and3A_938, %eq3A_940 : vector<16xi32>
    %gt3A_942 = arith.constant 5.000000e-01 : f32
    %gt3A_943 = vector.broadcast %gt3A_942 : f32 to vector<16xf32>
    %gt3A_944 = arith.cmpf ogt, %sub3A_935, %gt3A_943 : vector<16xf32>
    %eq3A_945 = arith.constant 5.000000e-01 : f32
    %eq3A_946 = vector.broadcast %eq3A_945 : f32 to vector<16xf32>
    %eq3A_947 = arith.cmpf oeq, %sub3A_935, %eq3A_946 : vector<16xf32>
    %and3A_948 = arith.andi %eq3A_947, %eq3A_941 : vector<16xi1>
    %or3A_949 = arith.ori %gt3A_944, %and3A_948 : vector<16xi1>
    %add3A_950 = arith.constant 1 : i32
    %add3A_951 = vector.broadcast %add3A_950 : i32 to vector<16xi32>
    %add3A_952 = arith.addi %convert_element_type3A_933, %add3A_951 : vector<16xi32>
    %select_n3A_953 = arith.select %or3A_949, %add3A_952, %convert_element_type3A_933 : vector<16xi1>, vector<16xi32>
    %add3A_954 = arith.addi %mul3A_920, %select_n3A_953 : vector<16xi32>
    %swap3A_955 = arith.constant 176 : index
    %swap3A_956 = tpu.vector_load %arg8[%swap3A_955] {strides = array<i32>} : memref<512xi32, #tpu.memory_space<vmem>>, vector<16xi32>,
    %swap3A_957 = vector.shape_cast %swap3A_956 : vector<16xi32> to vector<16xi32>
    %swap3A_958 = vector.shape_cast %add3A_954 : vector<16xi32> to vector<16xi32>
    tpu.vector_store %arg8[%swap3A_955], %swap3A_958 {strides = array<i32>} : memref<512xi32, #tpu.memory_space<vmem>>, vector<16xi32>,
    %get3A_959 = arith.constant 192 : index
    %get3A_960 = tpu.vector_load %arg6[%get3A_959] {strides = array<i32>} : memref<512xf32, #tpu.memory_space<vmem>>, vector<16xf32>,
    %get3A_961 = vector.shape_cast %get3A_960 : vector<16xf32> to vector<16xf32>
    %get3A_962 = arith.constant 192 : index
    %get3A_963 = tpu.vector_load %arg7[%get3A_962] {strides = array<i32>} : memref<512xf32, #tpu.memory_space<vmem>>, vector<16xf32>,
    %get3A_964 = vector.shape_cast %get3A_963 : vector<16xf32> to vector<16xf32>
    %add3A_965 = arith.constant 5.000000e+01 : f32
    %add3A_966 = vector.broadcast %add3A_965 : f32 to vector<16xf32>
    %add3A_967 = arith.addf %get3A_961, %add3A_966 : vector<16xf32>
    %max3A_968 = arith.constant 9.99999993E-9 : f32
    %max3A_969 = vector.broadcast %max3A_968 : f32 to vector<16xf32>
    %max3A_970 = arith.maximumf %add3A_967, %max3A_969 : vector<16xf32>
    %min3A_971 = arith.constant 1.000000e+02 : f32
    %min3A_972 = vector.broadcast %min3A_971 : f32 to vector<16xf32>
    %min3A_973 = arith.minimumf %max3A_970, %min3A_972 : vector<16xf32>
    %mul3A_974 = arith.constant 9.98999977 : f32
    %mul3A_975 = vector.broadcast %mul3A_974 : f32 to vector<16xf32>
    %mul3A_976 = arith.mulf %min3A_973, %mul3A_975 : vector<16xf32>
    %convert_element_type3A_977 = arith.fptosi %mul3A_976 : vector<16xf32> to vector<16xi32>
    %convert_element_type3A_978 = arith.sitofp %convert_element_type3A_977 : vector<16xi32> to vector<16xf32>
    %sub3A_979 = arith.subf %mul3A_976, %convert_element_type3A_978 : vector<16xf32>
    %and3A_980 = arith.constant 1 : i32
    %and3A_981 = vector.broadcast %and3A_980 : i32 to vector<16xi32>
    %and3A_982 = arith.andi %convert_element_type3A_977, %and3A_981 : vector<16xi32>
    %eq3A_983 = arith.constant 1 : i32
    %eq3A_984 = vector.broadcast %eq3A_983 : i32 to vector<16xi32>
    %eq3A_985 = arith.cmpi eq, %and3A_982, %eq3A_984 : vector<16xi32>
    %gt3A_986 = arith.constant 5.000000e-01 : f32
    %gt3A_987 = vector.broadcast %gt3A_986 : f32 to vector<16xf32>
    %gt3A_988 = arith.cmpf ogt, %sub3A_979, %gt3A_987 : vector<16xf32>
    %eq3A_989 = arith.constant 5.000000e-01 : f32
    %eq3A_990 = vector.broadcast %eq3A_989 : f32 to vector<16xf32>
    %eq3A_991 = arith.cmpf oeq, %sub3A_979, %eq3A_990 : vector<16xf32>
    %and3A_992 = arith.andi %eq3A_991, %eq3A_985 : vector<16xi1>
    %or3A_993 = arith.ori %gt3A_988, %and3A_992 : vector<16xi1>
    %add3A_994 = arith.constant 1 : i32
    %add3A_995 = vector.broadcast %add3A_994 : i32 to vector<16xi32>
    %add3A_996 = arith.addi %convert_element_type3A_977, %add3A_995 : vector<16xi32>
    %select_n3A_997 = arith.select %or3A_993, %add3A_996, %convert_element_type3A_977 : vector<16xi1>, vector<16xi32>
    %mul3A_998 = arith.constant 1000 : i32
    %mul3A_999 = vector.broadcast %mul3A_998 : i32 to vector<16xi32>
    %mul3A_1000 = arith.muli %select_n3A_997, %mul3A_999 : vector<16xi32>
    %add3A_1001 = arith.constant 5.000000e+01 : f32
    %add3A_1002 = vector.broadcast %add3A_1001 : f32 to vector<16xf32>
    %add3A_1003 = arith.addf %get3A_964, %add3A_1002 : vector<16xf32>
    %max3A_1004 = arith.constant 9.99999993E-9 : f32
    %max3A_1005 = vector.broadcast %max3A_1004 : f32 to vector<16xf32>
    %max3A_1006 = arith.maximumf %add3A_1003, %max3A_1005 : vector<16xf32>
    %min3A_1007 = arith.constant 1.000000e+02 : f32
    %min3A_1008 = vector.broadcast %min3A_1007 : f32 to vector<16xf32>
    %min3A_1009 = arith.minimumf %max3A_1006, %min3A_1008 : vector<16xf32>
    %mul3A_1010 = arith.constant 9.98999977 : f32
    %mul3A_1011 = vector.broadcast %mul3A_1010 : f32 to vector<16xf32>
    %mul3A_1012 = arith.mulf %min3A_1009, %mul3A_1011 : vector<16xf32>
    %convert_element_type3A_1013 = arith.fptosi %mul3A_1012 : vector<16xf32> to vector<16xi32>
    %convert_element_type3A_1014 = arith.sitofp %convert_element_type3A_1013 : vector<16xi32> to vector<16xf32>
    %sub3A_1015 = arith.subf %mul3A_1012, %convert_element_type3A_1014 : vector<16xf32>
    %and3A_1016 = arith.constant 1 : i32
    %and3A_1017 = vector.broadcast %and3A_1016 : i32 to vector<16xi32>
    %and3A_1018 = arith.andi %convert_element_type3A_1013, %and3A_1017 : vector<16xi32>
    %eq3A_1019 = arith.constant 1 : i32
    %eq3A_1020 = vector.broadcast %eq3A_1019 : i32 to vector<16xi32>
    %eq3A_1021 = arith.cmpi eq, %and3A_1018, %eq3A_1020 : vector<16xi32>
    %gt3A_1022 = arith.constant 5.000000e-01 : f32
    %gt3A_1023 = vector.broadcast %gt3A_1022 : f32 to vector<16xf32>
    %gt3A_1024 = arith.cmpf ogt, %sub3A_1015, %gt3A_1023 : vector<16xf32>
    %eq3A_1025 = arith.constant 5.000000e-01 : f32
    %eq3A_1026 = vector.broadcast %eq3A_1025 : f32 to vector<16xf32>
    %eq3A_1027 = arith.cmpf oeq, %sub3A_1015, %eq3A_1026 : vector<16xf32>
    %and3A_1028 = arith.andi %eq3A_1027, %eq3A_1021 : vector<16xi1>
    %or3A_1029 = arith.ori %gt3A_1024, %and3A_1028 : vector<16xi1>
    %add3A_1030 = arith.constant 1 : i32
    %add3A_1031 = vector.broadcast %add3A_1030 : i32 to vector<16xi32>
    %add3A_1032 = arith.addi %convert_element_type3A_1013, %add3A_1031 : vector<16xi32>
    %select_n3A_1033 = arith.select %or3A_1029, %add3A_1032, %convert_element_type3A_1013 : vector<16xi1>, vector<16xi32>
    %add3A_1034 = arith.addi %mul3A_1000, %select_n3A_1033 : vector<16xi32>
    %swap3A_1035 = arith.constant 192 : index
    %swap3A_1036 = tpu.vector_load %arg8[%swap3A_1035] {strides = array<i32>} : memref<512xi32, #tpu.memory_space<vmem>>, vector<16xi32>,
    %swap3A_1037 = vector.shape_cast %swap3A_1036 : vector<16xi32> to vector<16xi32>
    %swap3A_1038 = vector.shape_cast %add3A_1034 : vector<16xi32> to vector<16xi32>
    tpu.vector_store %arg8[%swap3A_1035], %swap3A_1038 {strides = array<i32>} : memref<512xi32, #tpu.memory_space<vmem>>, vector<16xi32>,
    %get3A_1039 = arith.constant 208 : index
    %get3A_1040 = tpu.vector_load %arg6[%get3A_1039] {strides = array<i32>} : memref<512xf32, #tpu.memory_space<vmem>>, vector<16xf32>,
    %get3A_1041 = vector.shape_cast %get3A_1040 : vector<16xf32> to vector<16xf32>
    %get3A_1042 = arith.constant 208 : index
    %get3A_1043 = tpu.vector_load %arg7[%get3A_1042] {strides = array<i32>} : memref<512xf32, #tpu.memory_space<vmem>>, vector<16xf32>,
    %get3A_1044 = vector.shape_cast %get3A_1043 : vector<16xf32> to vector<16xf32>
    %add3A_1045 = arith.constant 5.000000e+01 : f32
    %add3A_1046 = vector.broadcast %add3A_1045 : f32 to vector<16xf32>
    %add3A_1047 = arith.addf %get3A_1041, %add3A_1046 : vector<16xf32>
    %max3A_1048 = arith.constant 9.99999993E-9 : f32
    %max3A_1049 = vector.broadcast %max3A_1048 : f32 to vector<16xf32>
    %max3A_1050 = arith.maximumf %add3A_1047, %max3A_1049 : vector<16xf32>
    %min3A_1051 = arith.constant 1.000000e+02 : f32
    %min3A_1052 = vector.broadcast %min3A_1051 : f32 to vector<16xf32>
    %min3A_1053 = arith.minimumf %max3A_1050, %min3A_1052 : vector<16xf32>
    %mul3A_1054 = arith.constant 9.98999977 : f32
    %mul3A_1055 = vector.broadcast %mul3A_1054 : f32 to vector<16xf32>
    %mul3A_1056 = arith.mulf %min3A_1053, %mul3A_1055 : vector<16xf32>
    %convert_element_type3A_1057 = arith.fptosi %mul3A_1056 : vector<16xf32> to vector<16xi32>
    %convert_element_type3A_1058 = arith.sitofp %convert_element_type3A_1057 : vector<16xi32> to vector<16xf32>
    %sub3A_1059 = arith.subf %mul3A_1056, %convert_element_type3A_1058 : vector<16xf32>
    %and3A_1060 = arith.constant 1 : i32
    %and3A_1061 = vector.broadcast %and3A_1060 : i32 to vector<16xi32>
    %and3A_1062 = arith.andi %convert_element_type3A_1057, %and3A_1061 : vector<16xi32>
    %eq3A_1063 = arith.constant 1 : i32
    %eq3A_1064 = vector.broadcast %eq3A_1063 : i32 to vector<16xi32>
    %eq3A_1065 = arith.cmpi eq, %and3A_1062, %eq3A_1064 : vector<16xi32>
    %gt3A_1066 = arith.constant 5.000000e-01 : f32
    %gt3A_1067 = vector.broadcast %gt3A_1066 : f32 to vector<16xf32>
    %gt3A_1068 = arith.cmpf ogt, %sub3A_1059, %gt3A_1067 : vector<16xf32>
    %eq3A_1069 = arith.constant 5.000000e-01 : f32
    %eq3A_1070 = vector.broadcast %eq3A_1069 : f32 to vector<16xf32>
    %eq3A_1071 = arith.cmpf oeq, %sub3A_1059, %eq3A_1070 : vector<16xf32>
    %and3A_1072 = arith.andi %eq3A_1071, %eq3A_1065 : vector<16xi1>
    %or3A_1073 = arith.ori %gt3A_1068, %and3A_1072 : vector<16xi1>
    %add3A_1074 = arith.constant 1 : i32
    %add3A_1075 = vector.broadcast %add3A_1074 : i32 to vector<16xi32>
    %add3A_1076 = arith.addi %convert_element_type3A_1057, %add3A_1075 : vector<16xi32>
    %select_n3A_1077 = arith.select %or3A_1073, %add3A_1076, %convert_element_type3A_1057 : vector<16xi1>, vector<16xi32>
    %mul3A_1078 = arith.constant 1000 : i32
    %mul3A_1079 = vector.broadcast %mul3A_1078 : i32 to vector<16xi32>
    %mul3A_1080 = arith.muli %select_n3A_1077, %mul3A_1079 : vector<16xi32>
    %add3A_1081 = arith.constant 5.000000e+01 : f32
    %add3A_1082 = vector.broadcast %add3A_1081 : f32 to vector<16xf32>
    %add3A_1083 = arith.addf %get3A_1044, %add3A_1082 : vector<16xf32>
    %max3A_1084 = arith.constant 9.99999993E-9 : f32
    %max3A_1085 = vector.broadcast %max3A_1084 : f32 to vector<16xf32>
    %max3A_1086 = arith.maximumf %add3A_1083, %max3A_1085 : vector<16xf32>
    %min3A_1087 = arith.constant 1.000000e+02 : f32
    %min3A_1088 = vector.broadcast %min3A_1087 : f32 to vector<16xf32>
    %min3A_1089 = arith.minimumf %max3A_1086, %min3A_1088 : vector<16xf32>
    %mul3A_1090 = arith.constant 9.98999977 : f32
    %mul3A_1091 = vector.broadcast %mul3A_1090 : f32 to vector<16xf32>
    %mul3A_1092 = arith.mulf %min3A_1089, %mul3A_1091 : vector<16xf32>
    %convert_element_type3A_1093 = arith.fptosi %mul3A_1092 : vector<16xf32> to vector<16xi32>
    %convert_element_type3A_1094 = arith.sitofp %convert_element_type3A_1093 : vector<16xi32> to vector<16xf32>
    %sub3A_1095 = arith.subf %mul3A_1092, %convert_element_type3A_1094 : vector<16xf32>
    %and3A_1096 = arith.constant 1 : i32
    %and3A_1097 = vector.broadcast %and3A_1096 : i32 to vector<16xi32>
    %and3A_1098 = arith.andi %convert_element_type3A_1093, %and3A_1097 : vector<16xi32>
    %eq3A_1099 = arith.constant 1 : i32
    %eq3A_1100 = vector.broadcast %eq3A_1099 : i32 to vector<16xi32>
    %eq3A_1101 = arith.cmpi eq, %and3A_1098, %eq3A_1100 : vector<16xi32>
    %gt3A_1102 = arith.constant 5.000000e-01 : f32
    %gt3A_1103 = vector.broadcast %gt3A_1102 : f32 to vector<16xf32>
    %gt3A_1104 = arith.cmpf ogt, %sub3A_1095, %gt3A_1103 : vector<16xf32>
    %eq3A_1105 = arith.constant 5.000000e-01 : f32
    %eq3A_1106 = vector.broadcast %eq3A_1105 : f32 to vector<16xf32>
    %eq3A_1107 = arith.cmpf oeq, %sub3A_1095, %eq3A_1106 : vector<16xf32>
    %and3A_1108 = arith.andi %eq3A_1107, %eq3A_1101 : vector<16xi1>
    %or3A_1109 = arith.ori %gt3A_1104, %and3A_1108 : vector<16xi1>
    %add3A_1110 = arith.constant 1 : i32
    %add3A_1111 = vector.broadcast %add3A_1110 : i32 to vector<16xi32>
    %add3A_1112 = arith.addi %convert_element_type3A_1093, %add3A_1111 : vector<16xi32>
    %select_n3A_1113 = arith.select %or3A_1109, %add3A_1112, %convert_element_type3A_1093 : vector<16xi1>, vector<16xi32>
    %add3A_1114 = arith.addi %mul3A_1080, %select_n3A_1113 : vector<16xi32>
    %swap3A_1115 = arith.constant 208 : index
    %swap3A_1116 = tpu.vector_load %arg8[%swap3A_1115] {strides = array<i32>} : memref<512xi32, #tpu.memory_space<vmem>>, vector<16xi32>,
    %swap3A_1117 = vector.shape_cast %swap3A_1116 : vector<16xi32> to vector<16xi32>
    %swap3A_1118 = vector.shape_cast %add3A_1114 : vector<16xi32> to vector<16xi32>
    tpu.vector_store %arg8[%swap3A_1115], %swap3A_1118 {strides = array<i32>} : memref<512xi32, #tpu.memory_space<vmem>>, vector<16xi32>,
    %get3A_1119 = arith.constant 224 : index
    %get3A_1120 = tpu.vector_load %arg6[%get3A_1119] {strides = array<i32>} : memref<512xf32, #tpu.memory_space<vmem>>, vector<16xf32>,
    %get3A_1121 = vector.shape_cast %get3A_1120 : vector<16xf32> to vector<16xf32>
    %get3A_1122 = arith.constant 224 : index
    %get3A_1123 = tpu.vector_load %arg7[%get3A_1122] {strides = array<i32>} : memref<512xf32, #tpu.memory_space<vmem>>, vector<16xf32>,
    %get3A_1124 = vector.shape_cast %get3A_1123 : vector<16xf32> to vector<16xf32>
    %add3A_1125 = arith.constant 5.000000e+01 : f32
    %add3A_1126 = vector.broadcast %add3A_1125 : f32 to vector<16xf32>
    %add3A_1127 = arith.addf %get3A_1121, %add3A_1126 : vector<16xf32>
    %max3A_1128 = arith.constant 9.99999993E-9 : f32
    %max3A_1129 = vector.broadcast %max3A_1128 : f32 to vector<16xf32>
    %max3A_1130 = arith.maximumf %add3A_1127, %max3A_1129 : vector<16xf32>
    %min3A_1131 = arith.constant 1.000000e+02 : f32
    %min3A_1132 = vector.broadcast %min3A_1131 : f32 to vector<16xf32>
    %min3A_1133 = arith.minimumf %max3A_1130, %min3A_1132 : vector<16xf32>
    %mul3A_1134 = arith.constant 9.98999977 : f32
    %mul3A_1135 = vector.broadcast %mul3A_1134 : f32 to vector<16xf32>
    %mul3A_1136 = arith.mulf %min3A_1133, %mul3A_1135 : vector<16xf32>
    %convert_element_type3A_1137 = arith.fptosi %mul3A_1136 : vector<16xf32> to vector<16xi32>
    %convert_element_type3A_1138 = arith.sitofp %convert_element_type3A_1137 : vector<16xi32> to vector<16xf32>
    %sub3A_1139 = arith.subf %mul3A_1136, %convert_element_type3A_1138 : vector<16xf32>
    %and3A_1140 = arith.constant 1 : i32
    %and3A_1141 = vector.broadcast %and3A_1140 : i32 to vector<16xi32>
    %and3A_1142 = arith.andi %convert_element_type3A_1137, %and3A_1141 : vector<16xi32>
    %eq3A_1143 = arith.constant 1 : i32
    %eq3A_1144 = vector.broadcast %eq3A_1143 : i32 to vector<16xi32>
    %eq3A_1145 = arith.cmpi eq, %and3A_1142, %eq3A_1144 : vector<16xi32>
    %gt3A_1146 = arith.constant 5.000000e-01 : f32
    %gt3A_1147 = vector.broadcast %gt3A_1146 : f32 to vector<16xf32>
    %gt3A_1148 = arith.cmpf ogt, %sub3A_1139, %gt3A_1147 : vector<16xf32>
    %eq3A_1149 = arith.constant 5.000000e-01 : f32
    %eq3A_1150 = vector.broadcast %eq3A_1149 : f32 to vector<16xf32>
    %eq3A_1151 = arith.cmpf oeq, %sub3A_1139, %eq3A_1150 : vector<16xf32>
    %and3A_1152 = arith.andi %eq3A_1151, %eq3A_1145 : vector<16xi1>
    %or3A_1153 = arith.ori %gt3A_1148, %and3A_1152 : vector<16xi1>
    %add3A_1154 = arith.constant 1 : i32
    %add3A_1155 = vector.broadcast %add3A_1154 : i32 to vector<16xi32>
    %add3A_1156 = arith.addi %convert_element_type3A_1137, %add3A_1155 : vector<16xi32>
    %select_n3A_1157 = arith.select %or3A_1153, %add3A_1156, %convert_element_type3A_1137 : vector<16xi1>, vector<16xi32>
    %mul3A_1158 = arith.constant 1000 : i32
    %mul3A_1159 = vector.broadcast %mul3A_1158 : i32 to vector<16xi32>
    %mul3A_1160 = arith.muli %select_n3A_1157, %mul3A_1159 : vector<16xi32>
    %add3A_1161 = arith.constant 5.000000e+01 : f32
    %add3A_1162 = vector.broadcast %add3A_1161 : f32 to vector<16xf32>
    %add3A_1163 = arith.addf %get3A_1124, %add3A_1162 : vector<16xf32>
    %max3A_1164 = arith.constant 9.99999993E-9 : f32
    %max3A_1165 = vector.broadcast %max3A_1164 : f32 to vector<16xf32>
    %max3A_1166 = arith.maximumf %add3A_1163, %max3A_1165 : vector<16xf32>
    %min3A_1167 = arith.constant 1.000000e+02 : f32
    %min3A_1168 = vector.broadcast %min3A_1167 : f32 to vector<16xf32>
    %min3A_1169 = arith.minimumf %max3A_1166, %min3A_1168 : vector<16xf32>
    %mul3A_1170 = arith.constant 9.98999977 : f32
    %mul3A_1171 = vector.broadcast %mul3A_1170 : f32 to vector<16xf32>
    %mul3A_1172 = arith.mulf %min3A_1169, %mul3A_1171 : vector<16xf32>
    %convert_element_type3A_1173 = arith.fptosi %mul3A_1172 : vector<16xf32> to vector<16xi32>
    %convert_element_type3A_1174 = arith.sitofp %convert_element_type3A_1173 : vector<16xi32> to vector<16xf32>
    %sub3A_1175 = arith.subf %mul3A_1172, %convert_element_type3A_1174 : vector<16xf32>
    %and3A_1176 = arith.constant 1 : i32
    %and3A_1177 = vector.broadcast %and3A_1176 : i32 to vector<16xi32>
    %and3A_1178 = arith.andi %convert_element_type3A_1173, %and3A_1177 : vector<16xi32>
    %eq3A_1179 = arith.constant 1 : i32
    %eq3A_1180 = vector.broadcast %eq3A_1179 : i32 to vector<16xi32>
    %eq3A_1181 = arith.cmpi eq, %and3A_1178, %eq3A_1180 : vector<16xi32>
    %gt3A_1182 = arith.constant 5.000000e-01 : f32
    %gt3A_1183 = vector.broadcast %gt3A_1182 : f32 to vector<16xf32>
    %gt3A_1184 = arith.cmpf ogt, %sub3A_1175, %gt3A_1183 : vector<16xf32>
    %eq3A_1185 = arith.constant 5.000000e-01 : f32
    %eq3A_1186 = vector.broadcast %eq3A_1185 : f32 to vector<16xf32>
    %eq3A_1187 = arith.cmpf oeq, %sub3A_1175, %eq3A_1186 : vector<16xf32>
    %and3A_1188 = arith.andi %eq3A_1187, %eq3A_1181 : vector<16xi1>
    %or3A_1189 = arith.ori %gt3A_1184, %and3A_1188 : vector<16xi1>
    %add3A_1190 = arith.constant 1 : i32
    %add3A_1191 = vector.broadcast %add3A_1190 : i32 to vector<16xi32>
    %add3A_1192 = arith.addi %convert_element_type3A_1173, %add3A_1191 : vector<16xi32>
    %select_n3A_1193 = arith.select %or3A_1189, %add3A_1192, %convert_element_type3A_1173 : vector<16xi1>, vector<16xi32>
    %add3A_1194 = arith.addi %mul3A_1160, %select_n3A_1193 : vector<16xi32>
    %swap3A_1195 = arith.constant 224 : index
    %swap3A_1196 = tpu.vector_load %arg8[%swap3A_1195] {strides = array<i32>} : memref<512xi32, #tpu.memory_space<vmem>>, vector<16xi32>,
    %swap3A_1197 = vector.shape_cast %swap3A_1196 : vector<16xi32> to vector<16xi32>
    %swap3A_1198 = vector.shape_cast %add3A_1194 : vector<16xi32> to vector<16xi32>
    tpu.vector_store %arg8[%swap3A_1195], %swap3A_1198 {strides = array<i32>} : memref<512xi32, #tpu.memory_space<vmem>>, vector<16xi32>,
    %get3A_1199 = arith.constant 240 : index
    %get3A_1200 = tpu.vector_load %arg6[%get3A_1199] {strides = array<i32>} : memref<512xf32, #tpu.memory_space<vmem>>, vector<16xf32>,
    %get3A_1201 = vector.shape_cast %get3A_1200 : vector<16xf32> to vector<16xf32>
    %get3A_1202 = arith.constant 240 : index
    %get3A_1203 = tpu.vector_load %arg7[%get3A_1202] {strides = array<i32>} : memref<512xf32, #tpu.memory_space<vmem>>, vector<16xf32>,
    %get3A_1204 = vector.shape_cast %get3A_1203 : vector<16xf32> to vector<16xf32>
    %add3A_1205 = arith.constant 5.000000e+01 : f32
    %add3A_1206 = vector.broadcast %add3A_1205 : f32 to vector<16xf32>
    %add3A_1207 = arith.addf %get3A_1201, %add3A_1206 : vector<16xf32>
    %max3A_1208 = arith.constant 9.99999993E-9 : f32
    %max3A_1209 = vector.broadcast %max3A_1208 : f32 to vector<16xf32>
    %max3A_1210 = arith.maximumf %add3A_1207, %max3A_1209 : vector<16xf32>
    %min3A_1211 = arith.constant 1.000000e+02 : f32
    %min3A_1212 = vector.broadcast %min3A_1211 : f32 to vector<16xf32>
    %min3A_1213 = arith.minimumf %max3A_1210, %min3A_1212 : vector<16xf32>
    %mul3A_1214 = arith.constant 9.98999977 : f32
    %mul3A_1215 = vector.broadcast %mul3A_1214 : f32 to vector<16xf32>
    %mul3A_1216 = arith.mulf %min3A_1213, %mul3A_1215 : vector<16xf32>
    %convert_element_type3A_1217 = arith.fptosi %mul3A_1216 : vector<16xf32> to vector<16xi32>
    %convert_element_type3A_1218 = arith.sitofp %convert_element_type3A_1217 : vector<16xi32> to vector<16xf32>
    %sub3A_1219 = arith.subf %mul3A_1216, %convert_element_type3A_1218 : vector<16xf32>
    %and3A_1220 = arith.constant 1 : i32
    %and3A_1221 = vector.broadcast %and3A_1220 : i32 to vector<16xi32>
    %and3A_1222 = arith.andi %convert_element_type3A_1217, %and3A_1221 : vector<16xi32>
    %eq3A_1223 = arith.constant 1 : i32
    %eq3A_1224 = vector.broadcast %eq3A_1223 : i32 to vector<16xi32>
    %eq3A_1225 = arith.cmpi eq, %and3A_1222, %eq3A_1224 : vector<16xi32>
    %gt3A_1226 = arith.constant 5.000000e-01 : f32
    %gt3A_1227 = vector.broadcast %gt3A_1226 : f32 to vector<16xf32>
    %gt3A_1228 = arith.cmpf ogt, %sub3A_1219, %gt3A_1227 : vector<16xf32>
    %eq3A_1229 = arith.constant 5.000000e-01 : f32
    %eq3A_1230 = vector.broadcast %eq3A_1229 : f32 to vector<16xf32>
    %eq3A_1231 = arith.cmpf oeq, %sub3A_1219, %eq3A_1230 : vector<16xf32>
    %and3A_1232 = arith.andi %eq3A_1231, %eq3A_1225 : vector<16xi1>
    %or3A_1233 = arith.ori %gt3A_1228, %and3A_1232 : vector<16xi1>
    %add3A_1234 = arith.constant 1 : i32
    %add3A_1235 = vector.broadcast %add3A_1234 : i32 to vector<16xi32>
    %add3A_1236 = arith.addi %convert_element_type3A_1217, %add3A_1235 : vector<16xi32>
    %select_n3A_1237 = arith.select %or3A_1233, %add3A_1236, %convert_element_type3A_1217 : vector<16xi1>, vector<16xi32>
    %mul3A_1238 = arith.constant 1000 : i32
    %mul3A_1239 = vector.broadcast %mul3A_1238 : i32 to vector<16xi32>
    %mul3A_1240 = arith.muli %select_n3A_1237, %mul3A_1239 : vector<16xi32>
    %add3A_1241 = arith.constant 5.000000e+01 : f32
    %add3A_1242 = vector.broadcast %add3A_1241 : f32 to vector<16xf32>
    %add3A_1243 = arith.addf %get3A_1204, %add3A_1242 : vector<16xf32>
    %max3A_1244 = arith.constant 9.99999993E-9 : f32
    %max3A_1245 = vector.broadcast %max3A_1244 : f32 to vector<16xf32>
    %max3A_1246 = arith.maximumf %add3A_1243, %max3A_1245 : vector<16xf32>
    %min3A_1247 = arith.constant 1.000000e+02 : f32
    %min3A_1248 = vector.broadcast %min3A_1247 : f32 to vector<16xf32>
    %min3A_1249 = arith.minimumf %max3A_1246, %min3A_1248 : vector<16xf32>
    %mul3A_1250 = arith.constant 9.98999977 : f32
    %mul3A_1251 = vector.broadcast %mul3A_1250 : f32 to vector<16xf32>
    %mul3A_1252 = arith.mulf %min3A_1249, %mul3A_1251 : vector<16xf32>
    %convert_element_type3A_1253 = arith.fptosi %mul3A_1252 : vector<16xf32> to vector<16xi32>
    %convert_element_type3A_1254 = arith.sitofp %convert_element_type3A_1253 : vector<16xi32> to vector<16xf32>
    %sub3A_1255 = arith.subf %mul3A_1252, %convert_element_type3A_1254 : vector<16xf32>
    %and3A_1256 = arith.constant 1 : i32
    %and3A_1257 = vector.broadcast %and3A_1256 : i32 to vector<16xi32>
    %and3A_1258 = arith.andi %convert_element_type3A_1253, %and3A_1257 : vector<16xi32>
    %eq3A_1259 = arith.constant 1 : i32
    %eq3A_1260 = vector.broadcast %eq3A_1259 : i32 to vector<16xi32>
    %eq3A_1261 = arith.cmpi eq, %and3A_1258, %eq3A_1260 : vector<16xi32>
    %gt3A_1262 = arith.constant 5.000000e-01 : f32
    %gt3A_1263 = vector.broadcast %gt3A_1262 : f32 to vector<16xf32>
    %gt3A_1264 = arith.cmpf ogt, %sub3A_1255, %gt3A_1263 : vector<16xf32>
    %eq3A_1265 = arith.constant 5.000000e-01 : f32
    %eq3A_1266 = vector.broadcast %eq3A_1265 : f32 to vector<16xf32>
    %eq3A_1267 = arith.cmpf oeq, %sub3A_1255, %eq3A_1266 : vector<16xf32>
    %and3A_1268 = arith.andi %eq3A_1267, %eq3A_1261 : vector<16xi1>
    %or3A_1269 = arith.ori %gt3A_1264, %and3A_1268 : vector<16xi1>
    %add3A_1270 = arith.constant 1 : i32
    %add3A_1271 = vector.broadcast %add3A_1270 : i32 to vector<16xi32>
    %add3A_1272 = arith.addi %convert_element_type3A_1253, %add3A_1271 : vector<16xi32>
    %select_n3A_1273 = arith.select %or3A_1269, %add3A_1272, %convert_element_type3A_1253 : vector<16xi1>, vector<16xi32>
    %add3A_1274 = arith.addi %mul3A_1240, %select_n3A_1273 : vector<16xi32>
    %swap3A_1275 = arith.constant 240 : index
    %swap3A_1276 = tpu.vector_load %arg8[%swap3A_1275] {strides = array<i32>} : memref<512xi32, #tpu.memory_space<vmem>>, vector<16xi32>,
    %swap3A_1277 = vector.shape_cast %swap3A_1276 : vector<16xi32> to vector<16xi32>
    %swap3A_1278 = vector.shape_cast %add3A_1274 : vector<16xi32> to vector<16xi32>
    tpu.vector_store %arg8[%swap3A_1275], %swap3A_1278 {strides = array<i32>} : memref<512xi32, #tpu.memory_space<vmem>>, vector<16xi32>,
    %dma_start3A_1279 = arith.constant 128 : i32
    %dma_start3A_1280 = arith.constant 0 : i32
    %dma_start3A_1281 = tpu.memref_slice %arg9[%dma_start3A_1279, %dma_start3A_1280] : memref<512x32xf32, #tpu.memory_space<vmem>> -> memref<128x32xf32, #tpu.memory_space<vmem>>
    %dma_start3A_1282 = arith.constant 128 : i32
    %dma_start3A_1283 = tpu.memref_slice %arg8[%dma_start3A_1282] : memref<512xi32, #tpu.memory_space<vmem>> -> memref<128xi32, #tpu.memory_space<vmem>>
    %dma_start3A_1284 = arith.constant 0 : i32
    %dma_start3A_1285 = arith.constant 0 : i32
    %dma_start3A_1286 = tpu.memref_slice %arg4[%dma_start3A_1284, %dma_start3A_1285] : memref<1000000x32xf32, #tpu.memory_space<hbm>> -> memref<1000000x32xf32, #tpu.memory_space<hbm>>
    tpu.enqueue_indirect_dma source(%dma_start3A_1286 : memref<1000000x32xf32, #tpu.memory_space<hbm>>) target(%dma_start3A_1281 : memref<128x32xf32, #tpu.memory_space<vmem>>) offsets(%dma_start3A_1283 : memref<128xi32, #tpu.memory_space<vmem>>) semaphore(%arg10 : memref<!tpu.dma_semaphore, #tpu.memory_space<semaphore_mem>>)
    %get3A_1287 = arith.constant 256 : index
    %get3A_1288 = tpu.vector_load %arg6[%get3A_1287] {strides = array<i32>} : memref<512xf32, #tpu.memory_space<vmem>>, vector<16xf32>,
    %get3A_1289 = vector.shape_cast %get3A_1288 : vector<16xf32> to vector<16xf32>
    %get3A_1290 = arith.constant 256 : index
    %get3A_1291 = tpu.vector_load %arg7[%get3A_1290] {strides = array<i32>} : memref<512xf32, #tpu.memory_space<vmem>>, vector<16xf32>,
    %get3A_1292 = vector.shape_cast %get3A_1291 : vector<16xf32> to vector<16xf32>
    %add3A_1293 = arith.constant 5.000000e+01 : f32
    %add3A_1294 = vector.broadcast %add3A_1293 : f32 to vector<16xf32>
    %add3A_1295 = arith.addf %get3A_1289, %add3A_1294 : vector<16xf32>
    %max3A_1296 = arith.constant 9.99999993E-9 : f32
    %max3A_1297 = vector.broadcast %max3A_1296 : f32 to vector<16xf32>
    %max3A_1298 = arith.maximumf %add3A_1295, %max3A_1297 : vector<16xf32>
    %min3A_1299 = arith.constant 1.000000e+02 : f32
    %min3A_1300 = vector.broadcast %min3A_1299 : f32 to vector<16xf32>
    %min3A_1301 = arith.minimumf %max3A_1298, %min3A_1300 : vector<16xf32>
    %mul3A_1302 = arith.constant 9.98999977 : f32
    %mul3A_1303 = vector.broadcast %mul3A_1302 : f32 to vector<16xf32>
    %mul3A_1304 = arith.mulf %min3A_1301, %mul3A_1303 : vector<16xf32>
    %convert_element_type3A_1305 = arith.fptosi %mul3A_1304 : vector<16xf32> to vector<16xi32>
    %convert_element_type3A_1306 = arith.sitofp %convert_element_type3A_1305 : vector<16xi32> to vector<16xf32>
    %sub3A_1307 = arith.subf %mul3A_1304, %convert_element_type3A_1306 : vector<16xf32>
    %and3A_1308 = arith.constant 1 : i32
    %and3A_1309 = vector.broadcast %and3A_1308 : i32 to vector<16xi32>
    %and3A_1310 = arith.andi %convert_element_type3A_1305, %and3A_1309 : vector<16xi32>
    %eq3A_1311 = arith.constant 1 : i32
    %eq3A_1312 = vector.broadcast %eq3A_1311 : i32 to vector<16xi32>
    %eq3A_1313 = arith.cmpi eq, %and3A_1310, %eq3A_1312 : vector<16xi32>
    %gt3A_1314 = arith.constant 5.000000e-01 : f32
    %gt3A_1315 = vector.broadcast %gt3A_1314 : f32 to vector<16xf32>
    %gt3A_1316 = arith.cmpf ogt, %sub3A_1307, %gt3A_1315 : vector<16xf32>
    %eq3A_1317 = arith.constant 5.000000e-01 : f32
    %eq3A_1318 = vector.broadcast %eq3A_1317 : f32 to vector<16xf32>
    %eq3A_1319 = arith.cmpf oeq, %sub3A_1307, %eq3A_1318 : vector<16xf32>
    %and3A_1320 = arith.andi %eq3A_1319, %eq3A_1313 : vector<16xi1>
    %or3A_1321 = arith.ori %gt3A_1316, %and3A_1320 : vector<16xi1>
    %add3A_1322 = arith.constant 1 : i32
    %add3A_1323 = vector.broadcast %add3A_1322 : i32 to vector<16xi32>
    %add3A_1324 = arith.addi %convert_element_type3A_1305, %add3A_1323 : vector<16xi32>
    %select_n3A_1325 = arith.select %or3A_1321, %add3A_1324, %convert_element_type3A_1305 : vector<16xi1>, vector<16xi32>
    %mul3A_1326 = arith.constant 1000 : i32
    %mul3A_1327 = vector.broadcast %mul3A_1326 : i32 to vector<16xi32>
    %mul3A_1328 = arith.muli %select_n3A_1325, %mul3A_1327 : vector<16xi32>
    %add3A_1329 = arith.constant 5.000000e+01 : f32
    %add3A_1330 = vector.broadcast %add3A_1329 : f32 to vector<16xf32>
    %add3A_1331 = arith.addf %get3A_1292, %add3A_1330 : vector<16xf32>
    %max3A_1332 = arith.constant 9.99999993E-9 : f32
    %max3A_1333 = vector.broadcast %max3A_1332 : f32 to vector<16xf32>
    %max3A_1334 = arith.maximumf %add3A_1331, %max3A_1333 : vector<16xf32>
    %min3A_1335 = arith.constant 1.000000e+02 : f32
    %min3A_1336 = vector.broadcast %min3A_1335 : f32 to vector<16xf32>
    %min3A_1337 = arith.minimumf %max3A_1334, %min3A_1336 : vector<16xf32>
    %mul3A_1338 = arith.constant 9.98999977 : f32
    %mul3A_1339 = vector.broadcast %mul3A_1338 : f32 to vector<16xf32>
    %mul3A_1340 = arith.mulf %min3A_1337, %mul3A_1339 : vector<16xf32>
    %convert_element_type3A_1341 = arith.fptosi %mul3A_1340 : vector<16xf32> to vector<16xi32>
    %convert_element_type3A_1342 = arith.sitofp %convert_element_type3A_1341 : vector<16xi32> to vector<16xf32>
    %sub3A_1343 = arith.subf %mul3A_1340, %convert_element_type3A_1342 : vector<16xf32>
    %and3A_1344 = arith.constant 1 : i32
    %and3A_1345 = vector.broadcast %and3A_1344 : i32 to vector<16xi32>
    %and3A_1346 = arith.andi %convert_element_type3A_1341, %and3A_1345 : vector<16xi32>
    %eq3A_1347 = arith.constant 1 : i32
    %eq3A_1348 = vector.broadcast %eq3A_1347 : i32 to vector<16xi32>
    %eq3A_1349 = arith.cmpi eq, %and3A_1346, %eq3A_1348 : vector<16xi32>
    %gt3A_1350 = arith.constant 5.000000e-01 : f32
    %gt3A_1351 = vector.broadcast %gt3A_1350 : f32 to vector<16xf32>
    %gt3A_1352 = arith.cmpf ogt, %sub3A_1343, %gt3A_1351 : vector<16xf32>
    %eq3A_1353 = arith.constant 5.000000e-01 : f32
    %eq3A_1354 = vector.broadcast %eq3A_1353 : f32 to vector<16xf32>
    %eq3A_1355 = arith.cmpf oeq, %sub3A_1343, %eq3A_1354 : vector<16xf32>
    %and3A_1356 = arith.andi %eq3A_1355, %eq3A_1349 : vector<16xi1>
    %or3A_1357 = arith.ori %gt3A_1352, %and3A_1356 : vector<16xi1>
    %add3A_1358 = arith.constant 1 : i32
    %add3A_1359 = vector.broadcast %add3A_1358 : i32 to vector<16xi32>
    %add3A_1360 = arith.addi %convert_element_type3A_1341, %add3A_1359 : vector<16xi32>
    %select_n3A_1361 = arith.select %or3A_1357, %add3A_1360, %convert_element_type3A_1341 : vector<16xi1>, vector<16xi32>
    %add3A_1362 = arith.addi %mul3A_1328, %select_n3A_1361 : vector<16xi32>
    %swap3A_1363 = arith.constant 256 : index
    %swap3A_1364 = tpu.vector_load %arg8[%swap3A_1363] {strides = array<i32>} : memref<512xi32, #tpu.memory_space<vmem>>, vector<16xi32>,
    %swap3A_1365 = vector.shape_cast %swap3A_1364 : vector<16xi32> to vector<16xi32>
    %swap3A_1366 = vector.shape_cast %add3A_1362 : vector<16xi32> to vector<16xi32>
    tpu.vector_store %arg8[%swap3A_1363], %swap3A_1366 {strides = array<i32>} : memref<512xi32, #tpu.memory_space<vmem>>, vector<16xi32>,
    %get3A_1367 = arith.constant 272 : index
    %get3A_1368 = tpu.vector_load %arg6[%get3A_1367] {strides = array<i32>} : memref<512xf32, #tpu.memory_space<vmem>>, vector<16xf32>,
    %get3A_1369 = vector.shape_cast %get3A_1368 : vector<16xf32> to vector<16xf32>
    %get3A_1370 = arith.constant 272 : index
    %get3A_1371 = tpu.vector_load %arg7[%get3A_1370] {strides = array<i32>} : memref<512xf32, #tpu.memory_space<vmem>>, vector<16xf32>,
    %get3A_1372 = vector.shape_cast %get3A_1371 : vector<16xf32> to vector<16xf32>
    %add3A_1373 = arith.constant 5.000000e+01 : f32
    %add3A_1374 = vector.broadcast %add3A_1373 : f32 to vector<16xf32>
    %add3A_1375 = arith.addf %get3A_1369, %add3A_1374 : vector<16xf32>
    %max3A_1376 = arith.constant 9.99999993E-9 : f32
    %max3A_1377 = vector.broadcast %max3A_1376 : f32 to vector<16xf32>
    %max3A_1378 = arith.maximumf %add3A_1375, %max3A_1377 : vector<16xf32>
    %min3A_1379 = arith.constant 1.000000e+02 : f32
    %min3A_1380 = vector.broadcast %min3A_1379 : f32 to vector<16xf32>
    %min3A_1381 = arith.minimumf %max3A_1378, %min3A_1380 : vector<16xf32>
    %mul3A_1382 = arith.constant 9.98999977 : f32
    %mul3A_1383 = vector.broadcast %mul3A_1382 : f32 to vector<16xf32>
    %mul3A_1384 = arith.mulf %min3A_1381, %mul3A_1383 : vector<16xf32>
    %convert_element_type3A_1385 = arith.fptosi %mul3A_1384 : vector<16xf32> to vector<16xi32>
    %convert_element_type3A_1386 = arith.sitofp %convert_element_type3A_1385 : vector<16xi32> to vector<16xf32>
    %sub3A_1387 = arith.subf %mul3A_1384, %convert_element_type3A_1386 : vector<16xf32>
    %and3A_1388 = arith.constant 1 : i32
    %and3A_1389 = vector.broadcast %and3A_1388 : i32 to vector<16xi32>
    %and3A_1390 = arith.andi %convert_element_type3A_1385, %and3A_1389 : vector<16xi32>
    %eq3A_1391 = arith.constant 1 : i32
    %eq3A_1392 = vector.broadcast %eq3A_1391 : i32 to vector<16xi32>
    %eq3A_1393 = arith.cmpi eq, %and3A_1390, %eq3A_1392 : vector<16xi32>
    %gt3A_1394 = arith.constant 5.000000e-01 : f32
    %gt3A_1395 = vector.broadcast %gt3A_1394 : f32 to vector<16xf32>
    %gt3A_1396 = arith.cmpf ogt, %sub3A_1387, %gt3A_1395 : vector<16xf32>
    %eq3A_1397 = arith.constant 5.000000e-01 : f32
    %eq3A_1398 = vector.broadcast %eq3A_1397 : f32 to vector<16xf32>
    %eq3A_1399 = arith.cmpf oeq, %sub3A_1387, %eq3A_1398 : vector<16xf32>
    %and3A_1400 = arith.andi %eq3A_1399, %eq3A_1393 : vector<16xi1>
    %or3A_1401 = arith.ori %gt3A_1396, %and3A_1400 : vector<16xi1>
    %add3A_1402 = arith.constant 1 : i32
    %add3A_1403 = vector.broadcast %add3A_1402 : i32 to vector<16xi32>
    %add3A_1404 = arith.addi %convert_element_type3A_1385, %add3A_1403 : vector<16xi32>
    %select_n3A_1405 = arith.select %or3A_1401, %add3A_1404, %convert_element_type3A_1385 : vector<16xi1>, vector<16xi32>
    %mul3A_1406 = arith.constant 1000 : i32
    %mul3A_1407 = vector.broadcast %mul3A_1406 : i32 to vector<16xi32>
    %mul3A_1408 = arith.muli %select_n3A_1405, %mul3A_1407 : vector<16xi32>
    %add3A_1409 = arith.constant 5.000000e+01 : f32
    %add3A_1410 = vector.broadcast %add3A_1409 : f32 to vector<16xf32>
    %add3A_1411 = arith.addf %get3A_1372, %add3A_1410 : vector<16xf32>
    %max3A_1412 = arith.constant 9.99999993E-9 : f32
    %max3A_1413 = vector.broadcast %max3A_1412 : f32 to vector<16xf32>
    %max3A_1414 = arith.maximumf %add3A_1411, %max3A_1413 : vector<16xf32>
    %min3A_1415 = arith.constant 1.000000e+02 : f32
    %min3A_1416 = vector.broadcast %min3A_1415 : f32 to vector<16xf32>
    %min3A_1417 = arith.minimumf %max3A_1414, %min3A_1416 : vector<16xf32>
    %mul3A_1418 = arith.constant 9.98999977 : f32
    %mul3A_1419 = vector.broadcast %mul3A_1418 : f32 to vector<16xf32>
    %mul3A_1420 = arith.mulf %min3A_1417, %mul3A_1419 : vector<16xf32>
    %convert_element_type3A_1421 = arith.fptosi %mul3A_1420 : vector<16xf32> to vector<16xi32>
    %convert_element_type3A_1422 = arith.sitofp %convert_element_type3A_1421 : vector<16xi32> to vector<16xf32>
    %sub3A_1423 = arith.subf %mul3A_1420, %convert_element_type3A_1422 : vector<16xf32>
    %and3A_1424 = arith.constant 1 : i32
    %and3A_1425 = vector.broadcast %and3A_1424 : i32 to vector<16xi32>
    %and3A_1426 = arith.andi %convert_element_type3A_1421, %and3A_1425 : vector<16xi32>
    %eq3A_1427 = arith.constant 1 : i32
    %eq3A_1428 = vector.broadcast %eq3A_1427 : i32 to vector<16xi32>
    %eq3A_1429 = arith.cmpi eq, %and3A_1426, %eq3A_1428 : vector<16xi32>
    %gt3A_1430 = arith.constant 5.000000e-01 : f32
    %gt3A_1431 = vector.broadcast %gt3A_1430 : f32 to vector<16xf32>
    %gt3A_1432 = arith.cmpf ogt, %sub3A_1423, %gt3A_1431 : vector<16xf32>
    %eq3A_1433 = arith.constant 5.000000e-01 : f32
    %eq3A_1434 = vector.broadcast %eq3A_1433 : f32 to vector<16xf32>
    %eq3A_1435 = arith.cmpf oeq, %sub3A_1423, %eq3A_1434 : vector<16xf32>
    %and3A_1436 = arith.andi %eq3A_1435, %eq3A_1429 : vector<16xi1>
    %or3A_1437 = arith.ori %gt3A_1432, %and3A_1436 : vector<16xi1>
    %add3A_1438 = arith.constant 1 : i32
    %add3A_1439 = vector.broadcast %add3A_1438 : i32 to vector<16xi32>
    %add3A_1440 = arith.addi %convert_element_type3A_1421, %add3A_1439 : vector<16xi32>
    %select_n3A_1441 = arith.select %or3A_1437, %add3A_1440, %convert_element_type3A_1421 : vector<16xi1>, vector<16xi32>
    %add3A_1442 = arith.addi %mul3A_1408, %select_n3A_1441 : vector<16xi32>
    %swap3A_1443 = arith.constant 272 : index
    %swap3A_1444 = tpu.vector_load %arg8[%swap3A_1443] {strides = array<i32>} : memref<512xi32, #tpu.memory_space<vmem>>, vector<16xi32>,
    %swap3A_1445 = vector.shape_cast %swap3A_1444 : vector<16xi32> to vector<16xi32>
    %swap3A_1446 = vector.shape_cast %add3A_1442 : vector<16xi32> to vector<16xi32>
    tpu.vector_store %arg8[%swap3A_1443], %swap3A_1446 {strides = array<i32>} : memref<512xi32, #tpu.memory_space<vmem>>, vector<16xi32>,
    %get3A_1447 = arith.constant 288 : index
    %get3A_1448 = tpu.vector_load %arg6[%get3A_1447] {strides = array<i32>} : memref<512xf32, #tpu.memory_space<vmem>>, vector<16xf32>,
    %get3A_1449 = vector.shape_cast %get3A_1448 : vector<16xf32> to vector<16xf32>
    %get3A_1450 = arith.constant 288 : index
    %get3A_1451 = tpu.vector_load %arg7[%get3A_1450] {strides = array<i32>} : memref<512xf32, #tpu.memory_space<vmem>>, vector<16xf32>,
    %get3A_1452 = vector.shape_cast %get3A_1451 : vector<16xf32> to vector<16xf32>
    %add3A_1453 = arith.constant 5.000000e+01 : f32
    %add3A_1454 = vector.broadcast %add3A_1453 : f32 to vector<16xf32>
    %add3A_1455 = arith.addf %get3A_1449, %add3A_1454 : vector<16xf32>
    %max3A_1456 = arith.constant 9.99999993E-9 : f32
    %max3A_1457 = vector.broadcast %max3A_1456 : f32 to vector<16xf32>
    %max3A_1458 = arith.maximumf %add3A_1455, %max3A_1457 : vector<16xf32>
    %min3A_1459 = arith.constant 1.000000e+02 : f32
    %min3A_1460 = vector.broadcast %min3A_1459 : f32 to vector<16xf32>
    %min3A_1461 = arith.minimumf %max3A_1458, %min3A_1460 : vector<16xf32>
    %mul3A_1462 = arith.constant 9.98999977 : f32
    %mul3A_1463 = vector.broadcast %mul3A_1462 : f32 to vector<16xf32>
    %mul3A_1464 = arith.mulf %min3A_1461, %mul3A_1463 : vector<16xf32>
    %convert_element_type3A_1465 = arith.fptosi %mul3A_1464 : vector<16xf32> to vector<16xi32>
    %convert_element_type3A_1466 = arith.sitofp %convert_element_type3A_1465 : vector<16xi32> to vector<16xf32>
    %sub3A_1467 = arith.subf %mul3A_1464, %convert_element_type3A_1466 : vector<16xf32>
    %and3A_1468 = arith.constant 1 : i32
    %and3A_1469 = vector.broadcast %and3A_1468 : i32 to vector<16xi32>
    %and3A_1470 = arith.andi %convert_element_type3A_1465, %and3A_1469 : vector<16xi32>
    %eq3A_1471 = arith.constant 1 : i32
    %eq3A_1472 = vector.broadcast %eq3A_1471 : i32 to vector<16xi32>
    %eq3A_1473 = arith.cmpi eq, %and3A_1470, %eq3A_1472 : vector<16xi32>
    %gt3A_1474 = arith.constant 5.000000e-01 : f32
    %gt3A_1475 = vector.broadcast %gt3A_1474 : f32 to vector<16xf32>
    %gt3A_1476 = arith.cmpf ogt, %sub3A_1467, %gt3A_1475 : vector<16xf32>
    %eq3A_1477 = arith.constant 5.000000e-01 : f32
    %eq3A_1478 = vector.broadcast %eq3A_1477 : f32 to vector<16xf32>
    %eq3A_1479 = arith.cmpf oeq, %sub3A_1467, %eq3A_1478 : vector<16xf32>
    %and3A_1480 = arith.andi %eq3A_1479, %eq3A_1473 : vector<16xi1>
    %or3A_1481 = arith.ori %gt3A_1476, %and3A_1480 : vector<16xi1>
    %add3A_1482 = arith.constant 1 : i32
    %add3A_1483 = vector.broadcast %add3A_1482 : i32 to vector<16xi32>
    %add3A_1484 = arith.addi %convert_element_type3A_1465, %add3A_1483 : vector<16xi32>
    %select_n3A_1485 = arith.select %or3A_1481, %add3A_1484, %convert_element_type3A_1465 : vector<16xi1>, vector<16xi32>
    %mul3A_1486 = arith.constant 1000 : i32
    %mul3A_1487 = vector.broadcast %mul3A_1486 : i32 to vector<16xi32>
    %mul3A_1488 = arith.muli %select_n3A_1485, %mul3A_1487 : vector<16xi32>
    %add3A_1489 = arith.constant 5.000000e+01 : f32
    %add3A_1490 = vector.broadcast %add3A_1489 : f32 to vector<16xf32>
    %add3A_1491 = arith.addf %get3A_1452, %add3A_1490 : vector<16xf32>
    %max3A_1492 = arith.constant 9.99999993E-9 : f32
    %max3A_1493 = vector.broadcast %max3A_1492 : f32 to vector<16xf32>
    %max3A_1494 = arith.maximumf %add3A_1491, %max3A_1493 : vector<16xf32>
    %min3A_1495 = arith.constant 1.000000e+02 : f32
    %min3A_1496 = vector.broadcast %min3A_1495 : f32 to vector<16xf32>
    %min3A_1497 = arith.minimumf %max3A_1494, %min3A_1496 : vector<16xf32>
    %mul3A_1498 = arith.constant 9.98999977 : f32
    %mul3A_1499 = vector.broadcast %mul3A_1498 : f32 to vector<16xf32>
    %mul3A_1500 = arith.mulf %min3A_1497, %mul3A_1499 : vector<16xf32>
    %convert_element_type3A_1501 = arith.fptosi %mul3A_1500 : vector<16xf32> to vector<16xi32>
    %convert_element_type3A_1502 = arith.sitofp %convert_element_type3A_1501 : vector<16xi32> to vector<16xf32>
    %sub3A_1503 = arith.subf %mul3A_1500, %convert_element_type3A_1502 : vector<16xf32>
    %and3A_1504 = arith.constant 1 : i32
    %and3A_1505 = vector.broadcast %and3A_1504 : i32 to vector<16xi32>
    %and3A_1506 = arith.andi %convert_element_type3A_1501, %and3A_1505 : vector<16xi32>
    %eq3A_1507 = arith.constant 1 : i32
    %eq3A_1508 = vector.broadcast %eq3A_1507 : i32 to vector<16xi32>
    %eq3A_1509 = arith.cmpi eq, %and3A_1506, %eq3A_1508 : vector<16xi32>
    %gt3A_1510 = arith.constant 5.000000e-01 : f32
    %gt3A_1511 = vector.broadcast %gt3A_1510 : f32 to vector<16xf32>
    %gt3A_1512 = arith.cmpf ogt, %sub3A_1503, %gt3A_1511 : vector<16xf32>
    %eq3A_1513 = arith.constant 5.000000e-01 : f32
    %eq3A_1514 = vector.broadcast %eq3A_1513 : f32 to vector<16xf32>
    %eq3A_1515 = arith.cmpf oeq, %sub3A_1503, %eq3A_1514 : vector<16xf32>
    %and3A_1516 = arith.andi %eq3A_1515, %eq3A_1509 : vector<16xi1>
    %or3A_1517 = arith.ori %gt3A_1512, %and3A_1516 : vector<16xi1>
    %add3A_1518 = arith.constant 1 : i32
    %add3A_1519 = vector.broadcast %add3A_1518 : i32 to vector<16xi32>
    %add3A_1520 = arith.addi %convert_element_type3A_1501, %add3A_1519 : vector<16xi32>
    %select_n3A_1521 = arith.select %or3A_1517, %add3A_1520, %convert_element_type3A_1501 : vector<16xi1>, vector<16xi32>
    %add3A_1522 = arith.addi %mul3A_1488, %select_n3A_1521 : vector<16xi32>
    %swap3A_1523 = arith.constant 288 : index
    %swap3A_1524 = tpu.vector_load %arg8[%swap3A_1523] {strides = array<i32>} : memref<512xi32, #tpu.memory_space<vmem>>, vector<16xi32>,
    %swap3A_1525 = vector.shape_cast %swap3A_1524 : vector<16xi32> to vector<16xi32>
    %swap3A_1526 = vector.shape_cast %add3A_1522 : vector<16xi32> to vector<16xi32>
    tpu.vector_store %arg8[%swap3A_1523], %swap3A_1526 {strides = array<i32>} : memref<512xi32, #tpu.memory_space<vmem>>, vector<16xi32>,
    %get3A_1527 = arith.constant 304 : index
    %get3A_1528 = tpu.vector_load %arg6[%get3A_1527] {strides = array<i32>} : memref<512xf32, #tpu.memory_space<vmem>>, vector<16xf32>,
    %get3A_1529 = vector.shape_cast %get3A_1528 : vector<16xf32> to vector<16xf32>
    %get3A_1530 = arith.constant 304 : index
    %get3A_1531 = tpu.vector_load %arg7[%get3A_1530] {strides = array<i32>} : memref<512xf32, #tpu.memory_space<vmem>>, vector<16xf32>,
    %get3A_1532 = vector.shape_cast %get3A_1531 : vector<16xf32> to vector<16xf32>
    %add3A_1533 = arith.constant 5.000000e+01 : f32
    %add3A_1534 = vector.broadcast %add3A_1533 : f32 to vector<16xf32>
    %add3A_1535 = arith.addf %get3A_1529, %add3A_1534 : vector<16xf32>
    %max3A_1536 = arith.constant 9.99999993E-9 : f32
    %max3A_1537 = vector.broadcast %max3A_1536 : f32 to vector<16xf32>
    %max3A_1538 = arith.maximumf %add3A_1535, %max3A_1537 : vector<16xf32>
    %min3A_1539 = arith.constant 1.000000e+02 : f32
    %min3A_1540 = vector.broadcast %min3A_1539 : f32 to vector<16xf32>
    %min3A_1541 = arith.minimumf %max3A_1538, %min3A_1540 : vector<16xf32>
    %mul3A_1542 = arith.constant 9.98999977 : f32
    %mul3A_1543 = vector.broadcast %mul3A_1542 : f32 to vector<16xf32>
    %mul3A_1544 = arith.mulf %min3A_1541, %mul3A_1543 : vector<16xf32>
    %convert_element_type3A_1545 = arith.fptosi %mul3A_1544 : vector<16xf32> to vector<16xi32>
    %convert_element_type3A_1546 = arith.sitofp %convert_element_type3A_1545 : vector<16xi32> to vector<16xf32>
    %sub3A_1547 = arith.subf %mul3A_1544, %convert_element_type3A_1546 : vector<16xf32>
    %and3A_1548 = arith.constant 1 : i32
    %and3A_1549 = vector.broadcast %and3A_1548 : i32 to vector<16xi32>
    %and3A_1550 = arith.andi %convert_element_type3A_1545, %and3A_1549 : vector<16xi32>
    %eq3A_1551 = arith.constant 1 : i32
    %eq3A_1552 = vector.broadcast %eq3A_1551 : i32 to vector<16xi32>
    %eq3A_1553 = arith.cmpi eq, %and3A_1550, %eq3A_1552 : vector<16xi32>
    %gt3A_1554 = arith.constant 5.000000e-01 : f32
    %gt3A_1555 = vector.broadcast %gt3A_1554 : f32 to vector<16xf32>
    %gt3A_1556 = arith.cmpf ogt, %sub3A_1547, %gt3A_1555 : vector<16xf32>
    %eq3A_1557 = arith.constant 5.000000e-01 : f32
    %eq3A_1558 = vector.broadcast %eq3A_1557 : f32 to vector<16xf32>
    %eq3A_1559 = arith.cmpf oeq, %sub3A_1547, %eq3A_1558 : vector<16xf32>
    %and3A_1560 = arith.andi %eq3A_1559, %eq3A_1553 : vector<16xi1>
    %or3A_1561 = arith.ori %gt3A_1556, %and3A_1560 : vector<16xi1>
    %add3A_1562 = arith.constant 1 : i32
    %add3A_1563 = vector.broadcast %add3A_1562 : i32 to vector<16xi32>
    %add3A_1564 = arith.addi %convert_element_type3A_1545, %add3A_1563 : vector<16xi32>
    %select_n3A_1565 = arith.select %or3A_1561, %add3A_1564, %convert_element_type3A_1545 : vector<16xi1>, vector<16xi32>
    %mul3A_1566 = arith.constant 1000 : i32
    %mul3A_1567 = vector.broadcast %mul3A_1566 : i32 to vector<16xi32>
    %mul3A_1568 = arith.muli %select_n3A_1565, %mul3A_1567 : vector<16xi32>
    %add3A_1569 = arith.constant 5.000000e+01 : f32
    %add3A_1570 = vector.broadcast %add3A_1569 : f32 to vector<16xf32>
    %add3A_1571 = arith.addf %get3A_1532, %add3A_1570 : vector<16xf32>
    %max3A_1572 = arith.constant 9.99999993E-9 : f32
    %max3A_1573 = vector.broadcast %max3A_1572 : f32 to vector<16xf32>
    %max3A_1574 = arith.maximumf %add3A_1571, %max3A_1573 : vector<16xf32>
    %min3A_1575 = arith.constant 1.000000e+02 : f32
    %min3A_1576 = vector.broadcast %min3A_1575 : f32 to vector<16xf32>
    %min3A_1577 = arith.minimumf %max3A_1574, %min3A_1576 : vector<16xf32>
    %mul3A_1578 = arith.constant 9.98999977 : f32
    %mul3A_1579 = vector.broadcast %mul3A_1578 : f32 to vector<16xf32>
    %mul3A_1580 = arith.mulf %min3A_1577, %mul3A_1579 : vector<16xf32>
    %convert_element_type3A_1581 = arith.fptosi %mul3A_1580 : vector<16xf32> to vector<16xi32>
    %convert_element_type3A_1582 = arith.sitofp %convert_element_type3A_1581 : vector<16xi32> to vector<16xf32>
    %sub3A_1583 = arith.subf %mul3A_1580, %convert_element_type3A_1582 : vector<16xf32>
    %and3A_1584 = arith.constant 1 : i32
    %and3A_1585 = vector.broadcast %and3A_1584 : i32 to vector<16xi32>
    %and3A_1586 = arith.andi %convert_element_type3A_1581, %and3A_1585 : vector<16xi32>
    %eq3A_1587 = arith.constant 1 : i32
    %eq3A_1588 = vector.broadcast %eq3A_1587 : i32 to vector<16xi32>
    %eq3A_1589 = arith.cmpi eq, %and3A_1586, %eq3A_1588 : vector<16xi32>
    %gt3A_1590 = arith.constant 5.000000e-01 : f32
    %gt3A_1591 = vector.broadcast %gt3A_1590 : f32 to vector<16xf32>
    %gt3A_1592 = arith.cmpf ogt, %sub3A_1583, %gt3A_1591 : vector<16xf32>
    %eq3A_1593 = arith.constant 5.000000e-01 : f32
    %eq3A_1594 = vector.broadcast %eq3A_1593 : f32 to vector<16xf32>
    %eq3A_1595 = arith.cmpf oeq, %sub3A_1583, %eq3A_1594 : vector<16xf32>
    %and3A_1596 = arith.andi %eq3A_1595, %eq3A_1589 : vector<16xi1>
    %or3A_1597 = arith.ori %gt3A_1592, %and3A_1596 : vector<16xi1>
    %add3A_1598 = arith.constant 1 : i32
    %add3A_1599 = vector.broadcast %add3A_1598 : i32 to vector<16xi32>
    %add3A_1600 = arith.addi %convert_element_type3A_1581, %add3A_1599 : vector<16xi32>
    %select_n3A_1601 = arith.select %or3A_1597, %add3A_1600, %convert_element_type3A_1581 : vector<16xi1>, vector<16xi32>
    %add3A_1602 = arith.addi %mul3A_1568, %select_n3A_1601 : vector<16xi32>
    %swap3A_1603 = arith.constant 304 : index
    %swap3A_1604 = tpu.vector_load %arg8[%swap3A_1603] {strides = array<i32>} : memref<512xi32, #tpu.memory_space<vmem>>, vector<16xi32>,
    %swap3A_1605 = vector.shape_cast %swap3A_1604 : vector<16xi32> to vector<16xi32>
    %swap3A_1606 = vector.shape_cast %add3A_1602 : vector<16xi32> to vector<16xi32>
    tpu.vector_store %arg8[%swap3A_1603], %swap3A_1606 {strides = array<i32>} : memref<512xi32, #tpu.memory_space<vmem>>, vector<16xi32>,
    %get3A_1607 = arith.constant 320 : index
    %get3A_1608 = tpu.vector_load %arg6[%get3A_1607] {strides = array<i32>} : memref<512xf32, #tpu.memory_space<vmem>>, vector<16xf32>,
    %get3A_1609 = vector.shape_cast %get3A_1608 : vector<16xf32> to vector<16xf32>
    %get3A_1610 = arith.constant 320 : index
    %get3A_1611 = tpu.vector_load %arg7[%get3A_1610] {strides = array<i32>} : memref<512xf32, #tpu.memory_space<vmem>>, vector<16xf32>,
    %get3A_1612 = vector.shape_cast %get3A_1611 : vector<16xf32> to vector<16xf32>
    %add3A_1613 = arith.constant 5.000000e+01 : f32
    %add3A_1614 = vector.broadcast %add3A_1613 : f32 to vector<16xf32>
    %add3A_1615 = arith.addf %get3A_1609, %add3A_1614 : vector<16xf32>
    %max3A_1616 = arith.constant 9.99999993E-9 : f32
    %max3A_1617 = vector.broadcast %max3A_1616 : f32 to vector<16xf32>
    %max3A_1618 = arith.maximumf %add3A_1615, %max3A_1617 : vector<16xf32>
    %min3A_1619 = arith.constant 1.000000e+02 : f32
    %min3A_1620 = vector.broadcast %min3A_1619 : f32 to vector<16xf32>
    %min3A_1621 = arith.minimumf %max3A_1618, %min3A_1620 : vector<16xf32>
    %mul3A_1622 = arith.constant 9.98999977 : f32
    %mul3A_1623 = vector.broadcast %mul3A_1622 : f32 to vector<16xf32>
    %mul3A_1624 = arith.mulf %min3A_1621, %mul3A_1623 : vector<16xf32>
    %convert_element_type3A_1625 = arith.fptosi %mul3A_1624 : vector<16xf32> to vector<16xi32>
    %convert_element_type3A_1626 = arith.sitofp %convert_element_type3A_1625 : vector<16xi32> to vector<16xf32>
    %sub3A_1627 = arith.subf %mul3A_1624, %convert_element_type3A_1626 : vector<16xf32>
    %and3A_1628 = arith.constant 1 : i32
    %and3A_1629 = vector.broadcast %and3A_1628 : i32 to vector<16xi32>
    %and3A_1630 = arith.andi %convert_element_type3A_1625, %and3A_1629 : vector<16xi32>
    %eq3A_1631 = arith.constant 1 : i32
    %eq3A_1632 = vector.broadcast %eq3A_1631 : i32 to vector<16xi32>
    %eq3A_1633 = arith.cmpi eq, %and3A_1630, %eq3A_1632 : vector<16xi32>
    %gt3A_1634 = arith.constant 5.000000e-01 : f32
    %gt3A_1635 = vector.broadcast %gt3A_1634 : f32 to vector<16xf32>
    %gt3A_1636 = arith.cmpf ogt, %sub3A_1627, %gt3A_1635 : vector<16xf32>
    %eq3A_1637 = arith.constant 5.000000e-01 : f32
    %eq3A_1638 = vector.broadcast %eq3A_1637 : f32 to vector<16xf32>
    %eq3A_1639 = arith.cmpf oeq, %sub3A_1627, %eq3A_1638 : vector<16xf32>
    %and3A_1640 = arith.andi %eq3A_1639, %eq3A_1633 : vector<16xi1>
    %or3A_1641 = arith.ori %gt3A_1636, %and3A_1640 : vector<16xi1>
    %add3A_1642 = arith.constant 1 : i32
    %add3A_1643 = vector.broadcast %add3A_1642 : i32 to vector<16xi32>
    %add3A_1644 = arith.addi %convert_element_type3A_1625, %add3A_1643 : vector<16xi32>
    %select_n3A_1645 = arith.select %or3A_1641, %add3A_1644, %convert_element_type3A_1625 : vector<16xi1>, vector<16xi32>
    %mul3A_1646 = arith.constant 1000 : i32
    %mul3A_1647 = vector.broadcast %mul3A_1646 : i32 to vector<16xi32>
    %mul3A_1648 = arith.muli %select_n3A_1645, %mul3A_1647 : vector<16xi32>
    %add3A_1649 = arith.constant 5.000000e+01 : f32
    %add3A_1650 = vector.broadcast %add3A_1649 : f32 to vector<16xf32>
    %add3A_1651 = arith.addf %get3A_1612, %add3A_1650 : vector<16xf32>
    %max3A_1652 = arith.constant 9.99999993E-9 : f32
    %max3A_1653 = vector.broadcast %max3A_1652 : f32 to vector<16xf32>
    %max3A_1654 = arith.maximumf %add3A_1651, %max3A_1653 : vector<16xf32>
    %min3A_1655 = arith.constant 1.000000e+02 : f32
    %min3A_1656 = vector.broadcast %min3A_1655 : f32 to vector<16xf32>
    %min3A_1657 = arith.minimumf %max3A_1654, %min3A_1656 : vector<16xf32>
    %mul3A_1658 = arith.constant 9.98999977 : f32
    %mul3A_1659 = vector.broadcast %mul3A_1658 : f32 to vector<16xf32>
    %mul3A_1660 = arith.mulf %min3A_1657, %mul3A_1659 : vector<16xf32>
    %convert_element_type3A_1661 = arith.fptosi %mul3A_1660 : vector<16xf32> to vector<16xi32>
    %convert_element_type3A_1662 = arith.sitofp %convert_element_type3A_1661 : vector<16xi32> to vector<16xf32>
    %sub3A_1663 = arith.subf %mul3A_1660, %convert_element_type3A_1662 : vector<16xf32>
    %and3A_1664 = arith.constant 1 : i32
    %and3A_1665 = vector.broadcast %and3A_1664 : i32 to vector<16xi32>
    %and3A_1666 = arith.andi %convert_element_type3A_1661, %and3A_1665 : vector<16xi32>
    %eq3A_1667 = arith.constant 1 : i32
    %eq3A_1668 = vector.broadcast %eq3A_1667 : i32 to vector<16xi32>
    %eq3A_1669 = arith.cmpi eq, %and3A_1666, %eq3A_1668 : vector<16xi32>
    %gt3A_1670 = arith.constant 5.000000e-01 : f32
    %gt3A_1671 = vector.broadcast %gt3A_1670 : f32 to vector<16xf32>
    %gt3A_1672 = arith.cmpf ogt, %sub3A_1663, %gt3A_1671 : vector<16xf32>
    %eq3A_1673 = arith.constant 5.000000e-01 : f32
    %eq3A_1674 = vector.broadcast %eq3A_1673 : f32 to vector<16xf32>
    %eq3A_1675 = arith.cmpf oeq, %sub3A_1663, %eq3A_1674 : vector<16xf32>
    %and3A_1676 = arith.andi %eq3A_1675, %eq3A_1669 : vector<16xi1>
    %or3A_1677 = arith.ori %gt3A_1672, %and3A_1676 : vector<16xi1>
    %add3A_1678 = arith.constant 1 : i32
    %add3A_1679 = vector.broadcast %add3A_1678 : i32 to vector<16xi32>
    %add3A_1680 = arith.addi %convert_element_type3A_1661, %add3A_1679 : vector<16xi32>
    %select_n3A_1681 = arith.select %or3A_1677, %add3A_1680, %convert_element_type3A_1661 : vector<16xi1>, vector<16xi32>
    %add3A_1682 = arith.addi %mul3A_1648, %select_n3A_1681 : vector<16xi32>
    %swap3A_1683 = arith.constant 320 : index
    %swap3A_1684 = tpu.vector_load %arg8[%swap3A_1683] {strides = array<i32>} : memref<512xi32, #tpu.memory_space<vmem>>, vector<16xi32>,
    %swap3A_1685 = vector.shape_cast %swap3A_1684 : vector<16xi32> to vector<16xi32>
    %swap3A_1686 = vector.shape_cast %add3A_1682 : vector<16xi32> to vector<16xi32>
    tpu.vector_store %arg8[%swap3A_1683], %swap3A_1686 {strides = array<i32>} : memref<512xi32, #tpu.memory_space<vmem>>, vector<16xi32>,
    %get3A_1687 = arith.constant 336 : index
    %get3A_1688 = tpu.vector_load %arg6[%get3A_1687] {strides = array<i32>} : memref<512xf32, #tpu.memory_space<vmem>>, vector<16xf32>,
    %get3A_1689 = vector.shape_cast %get3A_1688 : vector<16xf32> to vector<16xf32>
    %get3A_1690 = arith.constant 336 : index
    %get3A_1691 = tpu.vector_load %arg7[%get3A_1690] {strides = array<i32>} : memref<512xf32, #tpu.memory_space<vmem>>, vector<16xf32>,
    %get3A_1692 = vector.shape_cast %get3A_1691 : vector<16xf32> to vector<16xf32>
    %add3A_1693 = arith.constant 5.000000e+01 : f32
    %add3A_1694 = vector.broadcast %add3A_1693 : f32 to vector<16xf32>
    %add3A_1695 = arith.addf %get3A_1689, %add3A_1694 : vector<16xf32>
    %max3A_1696 = arith.constant 9.99999993E-9 : f32
    %max3A_1697 = vector.broadcast %max3A_1696 : f32 to vector<16xf32>
    %max3A_1698 = arith.maximumf %add3A_1695, %max3A_1697 : vector<16xf32>
    %min3A_1699 = arith.constant 1.000000e+02 : f32
    %min3A_1700 = vector.broadcast %min3A_1699 : f32 to vector<16xf32>
    %min3A_1701 = arith.minimumf %max3A_1698, %min3A_1700 : vector<16xf32>
    %mul3A_1702 = arith.constant 9.98999977 : f32
    %mul3A_1703 = vector.broadcast %mul3A_1702 : f32 to vector<16xf32>
    %mul3A_1704 = arith.mulf %min3A_1701, %mul3A_1703 : vector<16xf32>
    %convert_element_type3A_1705 = arith.fptosi %mul3A_1704 : vector<16xf32> to vector<16xi32>
    %convert_element_type3A_1706 = arith.sitofp %convert_element_type3A_1705 : vector<16xi32> to vector<16xf32>
    %sub3A_1707 = arith.subf %mul3A_1704, %convert_element_type3A_1706 : vector<16xf32>
    %and3A_1708 = arith.constant 1 : i32
    %and3A_1709 = vector.broadcast %and3A_1708 : i32 to vector<16xi32>
    %and3A_1710 = arith.andi %convert_element_type3A_1705, %and3A_1709 : vector<16xi32>
    %eq3A_1711 = arith.constant 1 : i32
    %eq3A_1712 = vector.broadcast %eq3A_1711 : i32 to vector<16xi32>
    %eq3A_1713 = arith.cmpi eq, %and3A_1710, %eq3A_1712 : vector<16xi32>
    %gt3A_1714 = arith.constant 5.000000e-01 : f32
    %gt3A_1715 = vector.broadcast %gt3A_1714 : f32 to vector<16xf32>
    %gt3A_1716 = arith.cmpf ogt, %sub3A_1707, %gt3A_1715 : vector<16xf32>
    %eq3A_1717 = arith.constant 5.000000e-01 : f32
    %eq3A_1718 = vector.broadcast %eq3A_1717 : f32 to vector<16xf32>
    %eq3A_1719 = arith.cmpf oeq, %sub3A_1707, %eq3A_1718 : vector<16xf32>
    %and3A_1720 = arith.andi %eq3A_1719, %eq3A_1713 : vector<16xi1>
    %or3A_1721 = arith.ori %gt3A_1716, %and3A_1720 : vector<16xi1>
    %add3A_1722 = arith.constant 1 : i32
    %add3A_1723 = vector.broadcast %add3A_1722 : i32 to vector<16xi32>
    %add3A_1724 = arith.addi %convert_element_type3A_1705, %add3A_1723 : vector<16xi32>
    %select_n3A_1725 = arith.select %or3A_1721, %add3A_1724, %convert_element_type3A_1705 : vector<16xi1>, vector<16xi32>
    %mul3A_1726 = arith.constant 1000 : i32
    %mul3A_1727 = vector.broadcast %mul3A_1726 : i32 to vector<16xi32>
    %mul3A_1728 = arith.muli %select_n3A_1725, %mul3A_1727 : vector<16xi32>
    %add3A_1729 = arith.constant 5.000000e+01 : f32
    %add3A_1730 = vector.broadcast %add3A_1729 : f32 to vector<16xf32>
    %add3A_1731 = arith.addf %get3A_1692, %add3A_1730 : vector<16xf32>
    %max3A_1732 = arith.constant 9.99999993E-9 : f32
    %max3A_1733 = vector.broadcast %max3A_1732 : f32 to vector<16xf32>
    %max3A_1734 = arith.maximumf %add3A_1731, %max3A_1733 : vector<16xf32>
    %min3A_1735 = arith.constant 1.000000e+02 : f32
    %min3A_1736 = vector.broadcast %min3A_1735 : f32 to vector<16xf32>
    %min3A_1737 = arith.minimumf %max3A_1734, %min3A_1736 : vector<16xf32>
    %mul3A_1738 = arith.constant 9.98999977 : f32
    %mul3A_1739 = vector.broadcast %mul3A_1738 : f32 to vector<16xf32>
    %mul3A_1740 = arith.mulf %min3A_1737, %mul3A_1739 : vector<16xf32>
    %convert_element_type3A_1741 = arith.fptosi %mul3A_1740 : vector<16xf32> to vector<16xi32>
    %convert_element_type3A_1742 = arith.sitofp %convert_element_type3A_1741 : vector<16xi32> to vector<16xf32>
    %sub3A_1743 = arith.subf %mul3A_1740, %convert_element_type3A_1742 : vector<16xf32>
    %and3A_1744 = arith.constant 1 : i32
    %and3A_1745 = vector.broadcast %and3A_1744 : i32 to vector<16xi32>
    %and3A_1746 = arith.andi %convert_element_type3A_1741, %and3A_1745 : vector<16xi32>
    %eq3A_1747 = arith.constant 1 : i32
    %eq3A_1748 = vector.broadcast %eq3A_1747 : i32 to vector<16xi32>
    %eq3A_1749 = arith.cmpi eq, %and3A_1746, %eq3A_1748 : vector<16xi32>
    %gt3A_1750 = arith.constant 5.000000e-01 : f32
    %gt3A_1751 = vector.broadcast %gt3A_1750 : f32 to vector<16xf32>
    %gt3A_1752 = arith.cmpf ogt, %sub3A_1743, %gt3A_1751 : vector<16xf32>
    %eq3A_1753 = arith.constant 5.000000e-01 : f32
    %eq3A_1754 = vector.broadcast %eq3A_1753 : f32 to vector<16xf32>
    %eq3A_1755 = arith.cmpf oeq, %sub3A_1743, %eq3A_1754 : vector<16xf32>
    %and3A_1756 = arith.andi %eq3A_1755, %eq3A_1749 : vector<16xi1>
    %or3A_1757 = arith.ori %gt3A_1752, %and3A_1756 : vector<16xi1>
    %add3A_1758 = arith.constant 1 : i32
    %add3A_1759 = vector.broadcast %add3A_1758 : i32 to vector<16xi32>
    %add3A_1760 = arith.addi %convert_element_type3A_1741, %add3A_1759 : vector<16xi32>
    %select_n3A_1761 = arith.select %or3A_1757, %add3A_1760, %convert_element_type3A_1741 : vector<16xi1>, vector<16xi32>
    %add3A_1762 = arith.addi %mul3A_1728, %select_n3A_1761 : vector<16xi32>
    %swap3A_1763 = arith.constant 336 : index
    %swap3A_1764 = tpu.vector_load %arg8[%swap3A_1763] {strides = array<i32>} : memref<512xi32, #tpu.memory_space<vmem>>, vector<16xi32>,
    %swap3A_1765 = vector.shape_cast %swap3A_1764 : vector<16xi32> to vector<16xi32>
    %swap3A_1766 = vector.shape_cast %add3A_1762 : vector<16xi32> to vector<16xi32>
    tpu.vector_store %arg8[%swap3A_1763], %swap3A_1766 {strides = array<i32>} : memref<512xi32, #tpu.memory_space<vmem>>, vector<16xi32>,
    %get3A_1767 = arith.constant 352 : index
    %get3A_1768 = tpu.vector_load %arg6[%get3A_1767] {strides = array<i32>} : memref<512xf32, #tpu.memory_space<vmem>>, vector<16xf32>,
    %get3A_1769 = vector.shape_cast %get3A_1768 : vector<16xf32> to vector<16xf32>
    %get3A_1770 = arith.constant 352 : index
    %get3A_1771 = tpu.vector_load %arg7[%get3A_1770] {strides = array<i32>} : memref<512xf32, #tpu.memory_space<vmem>>, vector<16xf32>,
    %get3A_1772 = vector.shape_cast %get3A_1771 : vector<16xf32> to vector<16xf32>
    %add3A_1773 = arith.constant 5.000000e+01 : f32
    %add3A_1774 = vector.broadcast %add3A_1773 : f32 to vector<16xf32>
    %add3A_1775 = arith.addf %get3A_1769, %add3A_1774 : vector<16xf32>
    %max3A_1776 = arith.constant 9.99999993E-9 : f32
    %max3A_1777 = vector.broadcast %max3A_1776 : f32 to vector<16xf32>
    %max3A_1778 = arith.maximumf %add3A_1775, %max3A_1777 : vector<16xf32>
    %min3A_1779 = arith.constant 1.000000e+02 : f32
    %min3A_1780 = vector.broadcast %min3A_1779 : f32 to vector<16xf32>
    %min3A_1781 = arith.minimumf %max3A_1778, %min3A_1780 : vector<16xf32>
    %mul3A_1782 = arith.constant 9.98999977 : f32
    %mul3A_1783 = vector.broadcast %mul3A_1782 : f32 to vector<16xf32>
    %mul3A_1784 = arith.mulf %min3A_1781, %mul3A_1783 : vector<16xf32>
    %convert_element_type3A_1785 = arith.fptosi %mul3A_1784 : vector<16xf32> to vector<16xi32>
    %convert_element_type3A_1786 = arith.sitofp %convert_element_type3A_1785 : vector<16xi32> to vector<16xf32>
    %sub3A_1787 = arith.subf %mul3A_1784, %convert_element_type3A_1786 : vector<16xf32>
    %and3A_1788 = arith.constant 1 : i32
    %and3A_1789 = vector.broadcast %and3A_1788 : i32 to vector<16xi32>
    %and3A_1790 = arith.andi %convert_element_type3A_1785, %and3A_1789 : vector<16xi32>
    %eq3A_1791 = arith.constant 1 : i32
    %eq3A_1792 = vector.broadcast %eq3A_1791 : i32 to vector<16xi32>
    %eq3A_1793 = arith.cmpi eq, %and3A_1790, %eq3A_1792 : vector<16xi32>
    %gt3A_1794 = arith.constant 5.000000e-01 : f32
    %gt3A_1795 = vector.broadcast %gt3A_1794 : f32 to vector<16xf32>
    %gt3A_1796 = arith.cmpf ogt, %sub3A_1787, %gt3A_1795 : vector<16xf32>
    %eq3A_1797 = arith.constant 5.000000e-01 : f32
    %eq3A_1798 = vector.broadcast %eq3A_1797 : f32 to vector<16xf32>
    %eq3A_1799 = arith.cmpf oeq, %sub3A_1787, %eq3A_1798 : vector<16xf32>
    %and3A_1800 = arith.andi %eq3A_1799, %eq3A_1793 : vector<16xi1>
    %or3A_1801 = arith.ori %gt3A_1796, %and3A_1800 : vector<16xi1>
    %add3A_1802 = arith.constant 1 : i32
    %add3A_1803 = vector.broadcast %add3A_1802 : i32 to vector<16xi32>
    %add3A_1804 = arith.addi %convert_element_type3A_1785, %add3A_1803 : vector<16xi32>
    %select_n3A_1805 = arith.select %or3A_1801, %add3A_1804, %convert_element_type3A_1785 : vector<16xi1>, vector<16xi32>
    %mul3A_1806 = arith.constant 1000 : i32
    %mul3A_1807 = vector.broadcast %mul3A_1806 : i32 to vector<16xi32>
    %mul3A_1808 = arith.muli %select_n3A_1805, %mul3A_1807 : vector<16xi32>
    %add3A_1809 = arith.constant 5.000000e+01 : f32
    %add3A_1810 = vector.broadcast %add3A_1809 : f32 to vector<16xf32>
    %add3A_1811 = arith.addf %get3A_1772, %add3A_1810 : vector<16xf32>
    %max3A_1812 = arith.constant 9.99999993E-9 : f32
    %max3A_1813 = vector.broadcast %max3A_1812 : f32 to vector<16xf32>
    %max3A_1814 = arith.maximumf %add3A_1811, %max3A_1813 : vector<16xf32>
    %min3A_1815 = arith.constant 1.000000e+02 : f32
    %min3A_1816 = vector.broadcast %min3A_1815 : f32 to vector<16xf32>
    %min3A_1817 = arith.minimumf %max3A_1814, %min3A_1816 : vector<16xf32>
    %mul3A_1818 = arith.constant 9.98999977 : f32
    %mul3A_1819 = vector.broadcast %mul3A_1818 : f32 to vector<16xf32>
    %mul3A_1820 = arith.mulf %min3A_1817, %mul3A_1819 : vector<16xf32>
    %convert_element_type3A_1821 = arith.fptosi %mul3A_1820 : vector<16xf32> to vector<16xi32>
    %convert_element_type3A_1822 = arith.sitofp %convert_element_type3A_1821 : vector<16xi32> to vector<16xf32>
    %sub3A_1823 = arith.subf %mul3A_1820, %convert_element_type3A_1822 : vector<16xf32>
    %and3A_1824 = arith.constant 1 : i32
    %and3A_1825 = vector.broadcast %and3A_1824 : i32 to vector<16xi32>
    %and3A_1826 = arith.andi %convert_element_type3A_1821, %and3A_1825 : vector<16xi32>
    %eq3A_1827 = arith.constant 1 : i32
    %eq3A_1828 = vector.broadcast %eq3A_1827 : i32 to vector<16xi32>
    %eq3A_1829 = arith.cmpi eq, %and3A_1826, %eq3A_1828 : vector<16xi32>
    %gt3A_1830 = arith.constant 5.000000e-01 : f32
    %gt3A_1831 = vector.broadcast %gt3A_1830 : f32 to vector<16xf32>
    %gt3A_1832 = arith.cmpf ogt, %sub3A_1823, %gt3A_1831 : vector<16xf32>
    %eq3A_1833 = arith.constant 5.000000e-01 : f32
    %eq3A_1834 = vector.broadcast %eq3A_1833 : f32 to vector<16xf32>
    %eq3A_1835 = arith.cmpf oeq, %sub3A_1823, %eq3A_1834 : vector<16xf32>
    %and3A_1836 = arith.andi %eq3A_1835, %eq3A_1829 : vector<16xi1>
    %or3A_1837 = arith.ori %gt3A_1832, %and3A_1836 : vector<16xi1>
    %add3A_1838 = arith.constant 1 : i32
    %add3A_1839 = vector.broadcast %add3A_1838 : i32 to vector<16xi32>
    %add3A_1840 = arith.addi %convert_element_type3A_1821, %add3A_1839 : vector<16xi32>
    %select_n3A_1841 = arith.select %or3A_1837, %add3A_1840, %convert_element_type3A_1821 : vector<16xi1>, vector<16xi32>
    %add3A_1842 = arith.addi %mul3A_1808, %select_n3A_1841 : vector<16xi32>
    %swap3A_1843 = arith.constant 352 : index
    %swap3A_1844 = tpu.vector_load %arg8[%swap3A_1843] {strides = array<i32>} : memref<512xi32, #tpu.memory_space<vmem>>, vector<16xi32>,
    %swap3A_1845 = vector.shape_cast %swap3A_1844 : vector<16xi32> to vector<16xi32>
    %swap3A_1846 = vector.shape_cast %add3A_1842 : vector<16xi32> to vector<16xi32>
    tpu.vector_store %arg8[%swap3A_1843], %swap3A_1846 {strides = array<i32>} : memref<512xi32, #tpu.memory_space<vmem>>, vector<16xi32>,
    %get3A_1847 = arith.constant 368 : index
    %get3A_1848 = tpu.vector_load %arg6[%get3A_1847] {strides = array<i32>} : memref<512xf32, #tpu.memory_space<vmem>>, vector<16xf32>,
    %get3A_1849 = vector.shape_cast %get3A_1848 : vector<16xf32> to vector<16xf32>
    %get3A_1850 = arith.constant 368 : index
    %get3A_1851 = tpu.vector_load %arg7[%get3A_1850] {strides = array<i32>} : memref<512xf32, #tpu.memory_space<vmem>>, vector<16xf32>,
    %get3A_1852 = vector.shape_cast %get3A_1851 : vector<16xf32> to vector<16xf32>
    %add3A_1853 = arith.constant 5.000000e+01 : f32
    %add3A_1854 = vector.broadcast %add3A_1853 : f32 to vector<16xf32>
    %add3A_1855 = arith.addf %get3A_1849, %add3A_1854 : vector<16xf32>
    %max3A_1856 = arith.constant 9.99999993E-9 : f32
    %max3A_1857 = vector.broadcast %max3A_1856 : f32 to vector<16xf32>
    %max3A_1858 = arith.maximumf %add3A_1855, %max3A_1857 : vector<16xf32>
    %min3A_1859 = arith.constant 1.000000e+02 : f32
    %min3A_1860 = vector.broadcast %min3A_1859 : f32 to vector<16xf32>
    %min3A_1861 = arith.minimumf %max3A_1858, %min3A_1860 : vector<16xf32>
    %mul3A_1862 = arith.constant 9.98999977 : f32
    %mul3A_1863 = vector.broadcast %mul3A_1862 : f32 to vector<16xf32>
    %mul3A_1864 = arith.mulf %min3A_1861, %mul3A_1863 : vector<16xf32>
    %convert_element_type3A_1865 = arith.fptosi %mul3A_1864 : vector<16xf32> to vector<16xi32>
    %convert_element_type3A_1866 = arith.sitofp %convert_element_type3A_1865 : vector<16xi32> to vector<16xf32>
    %sub3A_1867 = arith.subf %mul3A_1864, %convert_element_type3A_1866 : vector<16xf32>
    %and3A_1868 = arith.constant 1 : i32
    %and3A_1869 = vector.broadcast %and3A_1868 : i32 to vector<16xi32>
    %and3A_1870 = arith.andi %convert_element_type3A_1865, %and3A_1869 : vector<16xi32>
    %eq3A_1871 = arith.constant 1 : i32
    %eq3A_1872 = vector.broadcast %eq3A_1871 : i32 to vector<16xi32>
    %eq3A_1873 = arith.cmpi eq, %and3A_1870, %eq3A_1872 : vector<16xi32>
    %gt3A_1874 = arith.constant 5.000000e-01 : f32
    %gt3A_1875 = vector.broadcast %gt3A_1874 : f32 to vector<16xf32>
    %gt3A_1876 = arith.cmpf ogt, %sub3A_1867, %gt3A_1875 : vector<16xf32>
    %eq3A_1877 = arith.constant 5.000000e-01 : f32
    %eq3A_1878 = vector.broadcast %eq3A_1877 : f32 to vector<16xf32>
    %eq3A_1879 = arith.cmpf oeq, %sub3A_1867, %eq3A_1878 : vector<16xf32>
    %and3A_1880 = arith.andi %eq3A_1879, %eq3A_1873 : vector<16xi1>
    %or3A_1881 = arith.ori %gt3A_1876, %and3A_1880 : vector<16xi1>
    %add3A_1882 = arith.constant 1 : i32
    %add3A_1883 = vector.broadcast %add3A_1882 : i32 to vector<16xi32>
    %add3A_1884 = arith.addi %convert_element_type3A_1865, %add3A_1883 : vector<16xi32>
    %select_n3A_1885 = arith.select %or3A_1881, %add3A_1884, %convert_element_type3A_1865 : vector<16xi1>, vector<16xi32>
    %mul3A_1886 = arith.constant 1000 : i32
    %mul3A_1887 = vector.broadcast %mul3A_1886 : i32 to vector<16xi32>
    %mul3A_1888 = arith.muli %select_n3A_1885, %mul3A_1887 : vector<16xi32>
    %add3A_1889 = arith.constant 5.000000e+01 : f32
    %add3A_1890 = vector.broadcast %add3A_1889 : f32 to vector<16xf32>
    %add3A_1891 = arith.addf %get3A_1852, %add3A_1890 : vector<16xf32>
    %max3A_1892 = arith.constant 9.99999993E-9 : f32
    %max3A_1893 = vector.broadcast %max3A_1892 : f32 to vector<16xf32>
    %max3A_1894 = arith.maximumf %add3A_1891, %max3A_1893 : vector<16xf32>
    %min3A_1895 = arith.constant 1.000000e+02 : f32
    %min3A_1896 = vector.broadcast %min3A_1895 : f32 to vector<16xf32>
    %min3A_1897 = arith.minimumf %max3A_1894, %min3A_1896 : vector<16xf32>
    %mul3A_1898 = arith.constant 9.98999977 : f32
    %mul3A_1899 = vector.broadcast %mul3A_1898 : f32 to vector<16xf32>
    %mul3A_1900 = arith.mulf %min3A_1897, %mul3A_1899 : vector<16xf32>
    %convert_element_type3A_1901 = arith.fptosi %mul3A_1900 : vector<16xf32> to vector<16xi32>
    %convert_element_type3A_1902 = arith.sitofp %convert_element_type3A_1901 : vector<16xi32> to vector<16xf32>
    %sub3A_1903 = arith.subf %mul3A_1900, %convert_element_type3A_1902 : vector<16xf32>
    %and3A_1904 = arith.constant 1 : i32
    %and3A_1905 = vector.broadcast %and3A_1904 : i32 to vector<16xi32>
    %and3A_1906 = arith.andi %convert_element_type3A_1901, %and3A_1905 : vector<16xi32>
    %eq3A_1907 = arith.constant 1 : i32
    %eq3A_1908 = vector.broadcast %eq3A_1907 : i32 to vector<16xi32>
    %eq3A_1909 = arith.cmpi eq, %and3A_1906, %eq3A_1908 : vector<16xi32>
    %gt3A_1910 = arith.constant 5.000000e-01 : f32
    %gt3A_1911 = vector.broadcast %gt3A_1910 : f32 to vector<16xf32>
    %gt3A_1912 = arith.cmpf ogt, %sub3A_1903, %gt3A_1911 : vector<16xf32>
    %eq3A_1913 = arith.constant 5.000000e-01 : f32
    %eq3A_1914 = vector.broadcast %eq3A_1913 : f32 to vector<16xf32>
    %eq3A_1915 = arith.cmpf oeq, %sub3A_1903, %eq3A_1914 : vector<16xf32>
    %and3A_1916 = arith.andi %eq3A_1915, %eq3A_1909 : vector<16xi1>
    %or3A_1917 = arith.ori %gt3A_1912, %and3A_1916 : vector<16xi1>
    %add3A_1918 = arith.constant 1 : i32
    %add3A_1919 = vector.broadcast %add3A_1918 : i32 to vector<16xi32>
    %add3A_1920 = arith.addi %convert_element_type3A_1901, %add3A_1919 : vector<16xi32>
    %select_n3A_1921 = arith.select %or3A_1917, %add3A_1920, %convert_element_type3A_1901 : vector<16xi1>, vector<16xi32>
    %add3A_1922 = arith.addi %mul3A_1888, %select_n3A_1921 : vector<16xi32>
    %swap3A_1923 = arith.constant 368 : index
    %swap3A_1924 = tpu.vector_load %arg8[%swap3A_1923] {strides = array<i32>} : memref<512xi32, #tpu.memory_space<vmem>>, vector<16xi32>,
    %swap3A_1925 = vector.shape_cast %swap3A_1924 : vector<16xi32> to vector<16xi32>
    %swap3A_1926 = vector.shape_cast %add3A_1922 : vector<16xi32> to vector<16xi32>
    tpu.vector_store %arg8[%swap3A_1923], %swap3A_1926 {strides = array<i32>} : memref<512xi32, #tpu.memory_space<vmem>>, vector<16xi32>,
    %dma_start3A_1927 = arith.constant 256 : i32
    %dma_start3A_1928 = arith.constant 0 : i32
    %dma_start3A_1929 = tpu.memref_slice %arg9[%dma_start3A_1927, %dma_start3A_1928] : memref<512x32xf32, #tpu.memory_space<vmem>> -> memref<128x32xf32, #tpu.memory_space<vmem>>
    %dma_start3A_1930 = arith.constant 256 : i32
    %dma_start3A_1931 = tpu.memref_slice %arg8[%dma_start3A_1930] : memref<512xi32, #tpu.memory_space<vmem>> -> memref<128xi32, #tpu.memory_space<vmem>>
    %dma_start3A_1932 = arith.constant 0 : i32
    %dma_start3A_1933 = arith.constant 0 : i32
    %dma_start3A_1934 = tpu.memref_slice %arg4[%dma_start3A_1932, %dma_start3A_1933] : memref<1000000x32xf32, #tpu.memory_space<hbm>> -> memref<1000000x32xf32, #tpu.memory_space<hbm>>
    tpu.enqueue_indirect_dma source(%dma_start3A_1934 : memref<1000000x32xf32, #tpu.memory_space<hbm>>) target(%dma_start3A_1929 : memref<128x32xf32, #tpu.memory_space<vmem>>) offsets(%dma_start3A_1931 : memref<128xi32, #tpu.memory_space<vmem>>) semaphore(%arg10 : memref<!tpu.dma_semaphore, #tpu.memory_space<semaphore_mem>>)
    %get3A_1935 = arith.constant 384 : index
    %get3A_1936 = tpu.vector_load %arg6[%get3A_1935] {strides = array<i32>} : memref<512xf32, #tpu.memory_space<vmem>>, vector<16xf32>,
    %get3A_1937 = vector.shape_cast %get3A_1936 : vector<16xf32> to vector<16xf32>
    %get3A_1938 = arith.constant 384 : index
    %get3A_1939 = tpu.vector_load %arg7[%get3A_1938] {strides = array<i32>} : memref<512xf32, #tpu.memory_space<vmem>>, vector<16xf32>,
    %get3A_1940 = vector.shape_cast %get3A_1939 : vector<16xf32> to vector<16xf32>
    %add3A_1941 = arith.constant 5.000000e+01 : f32
    %add3A_1942 = vector.broadcast %add3A_1941 : f32 to vector<16xf32>
    %add3A_1943 = arith.addf %get3A_1937, %add3A_1942 : vector<16xf32>
    %max3A_1944 = arith.constant 9.99999993E-9 : f32
    %max3A_1945 = vector.broadcast %max3A_1944 : f32 to vector<16xf32>
    %max3A_1946 = arith.maximumf %add3A_1943, %max3A_1945 : vector<16xf32>
    %min3A_1947 = arith.constant 1.000000e+02 : f32
    %min3A_1948 = vector.broadcast %min3A_1947 : f32 to vector<16xf32>
    %min3A_1949 = arith.minimumf %max3A_1946, %min3A_1948 : vector<16xf32>
    %mul3A_1950 = arith.constant 9.98999977 : f32
    %mul3A_1951 = vector.broadcast %mul3A_1950 : f32 to vector<16xf32>
    %mul3A_1952 = arith.mulf %min3A_1949, %mul3A_1951 : vector<16xf32>
    %convert_element_type3A_1953 = arith.fptosi %mul3A_1952 : vector<16xf32> to vector<16xi32>
    %convert_element_type3A_1954 = arith.sitofp %convert_element_type3A_1953 : vector<16xi32> to vector<16xf32>
    %sub3A_1955 = arith.subf %mul3A_1952, %convert_element_type3A_1954 : vector<16xf32>
    %and3A_1956 = arith.constant 1 : i32
    %and3A_1957 = vector.broadcast %and3A_1956 : i32 to vector<16xi32>
    %and3A_1958 = arith.andi %convert_element_type3A_1953, %and3A_1957 : vector<16xi32>
    %eq3A_1959 = arith.constant 1 : i32
    %eq3A_1960 = vector.broadcast %eq3A_1959 : i32 to vector<16xi32>
    %eq3A_1961 = arith.cmpi eq, %and3A_1958, %eq3A_1960 : vector<16xi32>
    %gt3A_1962 = arith.constant 5.000000e-01 : f32
    %gt3A_1963 = vector.broadcast %gt3A_1962 : f32 to vector<16xf32>
    %gt3A_1964 = arith.cmpf ogt, %sub3A_1955, %gt3A_1963 : vector<16xf32>
    %eq3A_1965 = arith.constant 5.000000e-01 : f32
    %eq3A_1966 = vector.broadcast %eq3A_1965 : f32 to vector<16xf32>
    %eq3A_1967 = arith.cmpf oeq, %sub3A_1955, %eq3A_1966 : vector<16xf32>
    %and3A_1968 = arith.andi %eq3A_1967, %eq3A_1961 : vector<16xi1>
    %or3A_1969 = arith.ori %gt3A_1964, %and3A_1968 : vector<16xi1>
    %add3A_1970 = arith.constant 1 : i32
    %add3A_1971 = vector.broadcast %add3A_1970 : i32 to vector<16xi32>
    %add3A_1972 = arith.addi %convert_element_type3A_1953, %add3A_1971 : vector<16xi32>
    %select_n3A_1973 = arith.select %or3A_1969, %add3A_1972, %convert_element_type3A_1953 : vector<16xi1>, vector<16xi32>
    %mul3A_1974 = arith.constant 1000 : i32
    %mul3A_1975 = vector.broadcast %mul3A_1974 : i32 to vector<16xi32>
    %mul3A_1976 = arith.muli %select_n3A_1973, %mul3A_1975 : vector<16xi32>
    %add3A_1977 = arith.constant 5.000000e+01 : f32
    %add3A_1978 = vector.broadcast %add3A_1977 : f32 to vector<16xf32>
    %add3A_1979 = arith.addf %get3A_1940, %add3A_1978 : vector<16xf32>
    %max3A_1980 = arith.constant 9.99999993E-9 : f32
    %max3A_1981 = vector.broadcast %max3A_1980 : f32 to vector<16xf32>
    %max3A_1982 = arith.maximumf %add3A_1979, %max3A_1981 : vector<16xf32>
    %min3A_1983 = arith.constant 1.000000e+02 : f32
    %min3A_1984 = vector.broadcast %min3A_1983 : f32 to vector<16xf32>
    %min3A_1985 = arith.minimumf %max3A_1982, %min3A_1984 : vector<16xf32>
    %mul3A_1986 = arith.constant 9.98999977 : f32
    %mul3A_1987 = vector.broadcast %mul3A_1986 : f32 to vector<16xf32>
    %mul3A_1988 = arith.mulf %min3A_1985, %mul3A_1987 : vector<16xf32>
    %convert_element_type3A_1989 = arith.fptosi %mul3A_1988 : vector<16xf32> to vector<16xi32>
    %convert_element_type3A_1990 = arith.sitofp %convert_element_type3A_1989 : vector<16xi32> to vector<16xf32>
    %sub3A_1991 = arith.subf %mul3A_1988, %convert_element_type3A_1990 : vector<16xf32>
    %and3A_1992 = arith.constant 1 : i32
    %and3A_1993 = vector.broadcast %and3A_1992 : i32 to vector<16xi32>
    %and3A_1994 = arith.andi %convert_element_type3A_1989, %and3A_1993 : vector<16xi32>
    %eq3A_1995 = arith.constant 1 : i32
    %eq3A_1996 = vector.broadcast %eq3A_1995 : i32 to vector<16xi32>
    %eq3A_1997 = arith.cmpi eq, %and3A_1994, %eq3A_1996 : vector<16xi32>
    %gt3A_1998 = arith.constant 5.000000e-01 : f32
    %gt3A_1999 = vector.broadcast %gt3A_1998 : f32 to vector<16xf32>
    %gt3A_2000 = arith.cmpf ogt, %sub3A_1991, %gt3A_1999 : vector<16xf32>
    %eq3A_2001 = arith.constant 5.000000e-01 : f32
    %eq3A_2002 = vector.broadcast %eq3A_2001 : f32 to vector<16xf32>
    %eq3A_2003 = arith.cmpf oeq, %sub3A_1991, %eq3A_2002 : vector<16xf32>
    %and3A_2004 = arith.andi %eq3A_2003, %eq3A_1997 : vector<16xi1>
    %or3A_2005 = arith.ori %gt3A_2000, %and3A_2004 : vector<16xi1>
    %add3A_2006 = arith.constant 1 : i32
    %add3A_2007 = vector.broadcast %add3A_2006 : i32 to vector<16xi32>
    %add3A_2008 = arith.addi %convert_element_type3A_1989, %add3A_2007 : vector<16xi32>
    %select_n3A_2009 = arith.select %or3A_2005, %add3A_2008, %convert_element_type3A_1989 : vector<16xi1>, vector<16xi32>
    %add3A_2010 = arith.addi %mul3A_1976, %select_n3A_2009 : vector<16xi32>
    %swap3A_2011 = arith.constant 384 : index
    %swap3A_2012 = tpu.vector_load %arg8[%swap3A_2011] {strides = array<i32>} : memref<512xi32, #tpu.memory_space<vmem>>, vector<16xi32>,
    %swap3A_2013 = vector.shape_cast %swap3A_2012 : vector<16xi32> to vector<16xi32>
    %swap3A_2014 = vector.shape_cast %add3A_2010 : vector<16xi32> to vector<16xi32>
    tpu.vector_store %arg8[%swap3A_2011], %swap3A_2014 {strides = array<i32>} : memref<512xi32, #tpu.memory_space<vmem>>, vector<16xi32>,
    %get3A_2015 = arith.constant 400 : index
    %get3A_2016 = tpu.vector_load %arg6[%get3A_2015] {strides = array<i32>} : memref<512xf32, #tpu.memory_space<vmem>>, vector<16xf32>,
    %get3A_2017 = vector.shape_cast %get3A_2016 : vector<16xf32> to vector<16xf32>
    %get3A_2018 = arith.constant 400 : index
    %get3A_2019 = tpu.vector_load %arg7[%get3A_2018] {strides = array<i32>} : memref<512xf32, #tpu.memory_space<vmem>>, vector<16xf32>,
    %get3A_2020 = vector.shape_cast %get3A_2019 : vector<16xf32> to vector<16xf32>
    %add3A_2021 = arith.constant 5.000000e+01 : f32
    %add3A_2022 = vector.broadcast %add3A_2021 : f32 to vector<16xf32>
    %add3A_2023 = arith.addf %get3A_2017, %add3A_2022 : vector<16xf32>
    %max3A_2024 = arith.constant 9.99999993E-9 : f32
    %max3A_2025 = vector.broadcast %max3A_2024 : f32 to vector<16xf32>
    %max3A_2026 = arith.maximumf %add3A_2023, %max3A_2025 : vector<16xf32>
    %min3A_2027 = arith.constant 1.000000e+02 : f32
    %min3A_2028 = vector.broadcast %min3A_2027 : f32 to vector<16xf32>
    %min3A_2029 = arith.minimumf %max3A_2026, %min3A_2028 : vector<16xf32>
    %mul3A_2030 = arith.constant 9.98999977 : f32
    %mul3A_2031 = vector.broadcast %mul3A_2030 : f32 to vector<16xf32>
    %mul3A_2032 = arith.mulf %min3A_2029, %mul3A_2031 : vector<16xf32>
    %convert_element_type3A_2033 = arith.fptosi %mul3A_2032 : vector<16xf32> to vector<16xi32>
    %convert_element_type3A_2034 = arith.sitofp %convert_element_type3A_2033 : vector<16xi32> to vector<16xf32>
    %sub3A_2035 = arith.subf %mul3A_2032, %convert_element_type3A_2034 : vector<16xf32>
    %and3A_2036 = arith.constant 1 : i32
    %and3A_2037 = vector.broadcast %and3A_2036 : i32 to vector<16xi32>
    %and3A_2038 = arith.andi %convert_element_type3A_2033, %and3A_2037 : vector<16xi32>
    %eq3A_2039 = arith.constant 1 : i32
    %eq3A_2040 = vector.broadcast %eq3A_2039 : i32 to vector<16xi32>
    %eq3A_2041 = arith.cmpi eq, %and3A_2038, %eq3A_2040 : vector<16xi32>
    %gt3A_2042 = arith.constant 5.000000e-01 : f32
    %gt3A_2043 = vector.broadcast %gt3A_2042 : f32 to vector<16xf32>
    %gt3A_2044 = arith.cmpf ogt, %sub3A_2035, %gt3A_2043 : vector<16xf32>
    %eq3A_2045 = arith.constant 5.000000e-01 : f32
    %eq3A_2046 = vector.broadcast %eq3A_2045 : f32 to vector<16xf32>
    %eq3A_2047 = arith.cmpf oeq, %sub3A_2035, %eq3A_2046 : vector<16xf32>
    %and3A_2048 = arith.andi %eq3A_2047, %eq3A_2041 : vector<16xi1>
    %or3A_2049 = arith.ori %gt3A_2044, %and3A_2048 : vector<16xi1>
    %add3A_2050 = arith.constant 1 : i32
    %add3A_2051 = vector.broadcast %add3A_2050 : i32 to vector<16xi32>
    %add3A_2052 = arith.addi %convert_element_type3A_2033, %add3A_2051 : vector<16xi32>
    %select_n3A_2053 = arith.select %or3A_2049, %add3A_2052, %convert_element_type3A_2033 : vector<16xi1>, vector<16xi32>
    %mul3A_2054 = arith.constant 1000 : i32
    %mul3A_2055 = vector.broadcast %mul3A_2054 : i32 to vector<16xi32>
    %mul3A_2056 = arith.muli %select_n3A_2053, %mul3A_2055 : vector<16xi32>
    %add3A_2057 = arith.constant 5.000000e+01 : f32
    %add3A_2058 = vector.broadcast %add3A_2057 : f32 to vector<16xf32>
    %add3A_2059 = arith.addf %get3A_2020, %add3A_2058 : vector<16xf32>
    %max3A_2060 = arith.constant 9.99999993E-9 : f32
    %max3A_2061 = vector.broadcast %max3A_2060 : f32 to vector<16xf32>
    %max3A_2062 = arith.maximumf %add3A_2059, %max3A_2061 : vector<16xf32>
    %min3A_2063 = arith.constant 1.000000e+02 : f32
    %min3A_2064 = vector.broadcast %min3A_2063 : f32 to vector<16xf32>
    %min3A_2065 = arith.minimumf %max3A_2062, %min3A_2064 : vector<16xf32>
    %mul3A_2066 = arith.constant 9.98999977 : f32
    %mul3A_2067 = vector.broadcast %mul3A_2066 : f32 to vector<16xf32>
    %mul3A_2068 = arith.mulf %min3A_2065, %mul3A_2067 : vector<16xf32>
    %convert_element_type3A_2069 = arith.fptosi %mul3A_2068 : vector<16xf32> to vector<16xi32>
    %convert_element_type3A_2070 = arith.sitofp %convert_element_type3A_2069 : vector<16xi32> to vector<16xf32>
    %sub3A_2071 = arith.subf %mul3A_2068, %convert_element_type3A_2070 : vector<16xf32>
    %and3A_2072 = arith.constant 1 : i32
    %and3A_2073 = vector.broadcast %and3A_2072 : i32 to vector<16xi32>
    %and3A_2074 = arith.andi %convert_element_type3A_2069, %and3A_2073 : vector<16xi32>
    %eq3A_2075 = arith.constant 1 : i32
    %eq3A_2076 = vector.broadcast %eq3A_2075 : i32 to vector<16xi32>
    %eq3A_2077 = arith.cmpi eq, %and3A_2074, %eq3A_2076 : vector<16xi32>
    %gt3A_2078 = arith.constant 5.000000e-01 : f32
    %gt3A_2079 = vector.broadcast %gt3A_2078 : f32 to vector<16xf32>
    %gt3A_2080 = arith.cmpf ogt, %sub3A_2071, %gt3A_2079 : vector<16xf32>
    %eq3A_2081 = arith.constant 5.000000e-01 : f32
    %eq3A_2082 = vector.broadcast %eq3A_2081 : f32 to vector<16xf32>
    %eq3A_2083 = arith.cmpf oeq, %sub3A_2071, %eq3A_2082 : vector<16xf32>
    %and3A_2084 = arith.andi %eq3A_2083, %eq3A_2077 : vector<16xi1>
    %or3A_2085 = arith.ori %gt3A_2080, %and3A_2084 : vector<16xi1>
    %add3A_2086 = arith.constant 1 : i32
    %add3A_2087 = vector.broadcast %add3A_2086 : i32 to vector<16xi32>
    %add3A_2088 = arith.addi %convert_element_type3A_2069, %add3A_2087 : vector<16xi32>
    %select_n3A_2089 = arith.select %or3A_2085, %add3A_2088, %convert_element_type3A_2069 : vector<16xi1>, vector<16xi32>
    %add3A_2090 = arith.addi %mul3A_2056, %select_n3A_2089 : vector<16xi32>
    %swap3A_2091 = arith.constant 400 : index
    %swap3A_2092 = tpu.vector_load %arg8[%swap3A_2091] {strides = array<i32>} : memref<512xi32, #tpu.memory_space<vmem>>, vector<16xi32>,
    %swap3A_2093 = vector.shape_cast %swap3A_2092 : vector<16xi32> to vector<16xi32>
    %swap3A_2094 = vector.shape_cast %add3A_2090 : vector<16xi32> to vector<16xi32>
    tpu.vector_store %arg8[%swap3A_2091], %swap3A_2094 {strides = array<i32>} : memref<512xi32, #tpu.memory_space<vmem>>, vector<16xi32>,
    %get3A_2095 = arith.constant 416 : index
    %get3A_2096 = tpu.vector_load %arg6[%get3A_2095] {strides = array<i32>} : memref<512xf32, #tpu.memory_space<vmem>>, vector<16xf32>,
    %get3A_2097 = vector.shape_cast %get3A_2096 : vector<16xf32> to vector<16xf32>
    %get3A_2098 = arith.constant 416 : index
    %get3A_2099 = tpu.vector_load %arg7[%get3A_2098] {strides = array<i32>} : memref<512xf32, #tpu.memory_space<vmem>>, vector<16xf32>,
    %get3A_2100 = vector.shape_cast %get3A_2099 : vector<16xf32> to vector<16xf32>
    %add3A_2101 = arith.constant 5.000000e+01 : f32
    %add3A_2102 = vector.broadcast %add3A_2101 : f32 to vector<16xf32>
    %add3A_2103 = arith.addf %get3A_2097, %add3A_2102 : vector<16xf32>
    %max3A_2104 = arith.constant 9.99999993E-9 : f32
    %max3A_2105 = vector.broadcast %max3A_2104 : f32 to vector<16xf32>
    %max3A_2106 = arith.maximumf %add3A_2103, %max3A_2105 : vector<16xf32>
    %min3A_2107 = arith.constant 1.000000e+02 : f32
    %min3A_2108 = vector.broadcast %min3A_2107 : f32 to vector<16xf32>
    %min3A_2109 = arith.minimumf %max3A_2106, %min3A_2108 : vector<16xf32>
    %mul3A_2110 = arith.constant 9.98999977 : f32
    %mul3A_2111 = vector.broadcast %mul3A_2110 : f32 to vector<16xf32>
    %mul3A_2112 = arith.mulf %min3A_2109, %mul3A_2111 : vector<16xf32>
    %convert_element_type3A_2113 = arith.fptosi %mul3A_2112 : vector<16xf32> to vector<16xi32>
    %convert_element_type3A_2114 = arith.sitofp %convert_element_type3A_2113 : vector<16xi32> to vector<16xf32>
    %sub3A_2115 = arith.subf %mul3A_2112, %convert_element_type3A_2114 : vector<16xf32>
    %and3A_2116 = arith.constant 1 : i32
    %and3A_2117 = vector.broadcast %and3A_2116 : i32 to vector<16xi32>
    %and3A_2118 = arith.andi %convert_element_type3A_2113, %and3A_2117 : vector<16xi32>
    %eq3A_2119 = arith.constant 1 : i32
    %eq3A_2120 = vector.broadcast %eq3A_2119 : i32 to vector<16xi32>
    %eq3A_2121 = arith.cmpi eq, %and3A_2118, %eq3A_2120 : vector<16xi32>
    %gt3A_2122 = arith.constant 5.000000e-01 : f32
    %gt3A_2123 = vector.broadcast %gt3A_2122 : f32 to vector<16xf32>
    %gt3A_2124 = arith.cmpf ogt, %sub3A_2115, %gt3A_2123 : vector<16xf32>
    %eq3A_2125 = arith.constant 5.000000e-01 : f32
    %eq3A_2126 = vector.broadcast %eq3A_2125 : f32 to vector<16xf32>
    %eq3A_2127 = arith.cmpf oeq, %sub3A_2115, %eq3A_2126 : vector<16xf32>
    %and3A_2128 = arith.andi %eq3A_2127, %eq3A_2121 : vector<16xi1>
    %or3A_2129 = arith.ori %gt3A_2124, %and3A_2128 : vector<16xi1>
    %add3A_2130 = arith.constant 1 : i32
    %add3A_2131 = vector.broadcast %add3A_2130 : i32 to vector<16xi32>
    %add3A_2132 = arith.addi %convert_element_type3A_2113, %add3A_2131 : vector<16xi32>
    %select_n3A_2133 = arith.select %or3A_2129, %add3A_2132, %convert_element_type3A_2113 : vector<16xi1>, vector<16xi32>
    %mul3A_2134 = arith.constant 1000 : i32
    %mul3A_2135 = vector.broadcast %mul3A_2134 : i32 to vector<16xi32>
    %mul3A_2136 = arith.muli %select_n3A_2133, %mul3A_2135 : vector<16xi32>
    %add3A_2137 = arith.constant 5.000000e+01 : f32
    %add3A_2138 = vector.broadcast %add3A_2137 : f32 to vector<16xf32>
    %add3A_2139 = arith.addf %get3A_2100, %add3A_2138 : vector<16xf32>
    %max3A_2140 = arith.constant 9.99999993E-9 : f32
    %max3A_2141 = vector.broadcast %max3A_2140 : f32 to vector<16xf32>
    %max3A_2142 = arith.maximumf %add3A_2139, %max3A_2141 : vector<16xf32>
    %min3A_2143 = arith.constant 1.000000e+02 : f32
    %min3A_2144 = vector.broadcast %min3A_2143 : f32 to vector<16xf32>
    %min3A_2145 = arith.minimumf %max3A_2142, %min3A_2144 : vector<16xf32>
    %mul3A_2146 = arith.constant 9.98999977 : f32
    %mul3A_2147 = vector.broadcast %mul3A_2146 : f32 to vector<16xf32>
    %mul3A_2148 = arith.mulf %min3A_2145, %mul3A_2147 : vector<16xf32>
    %convert_element_type3A_2149 = arith.fptosi %mul3A_2148 : vector<16xf32> to vector<16xi32>
    %convert_element_type3A_2150 = arith.sitofp %convert_element_type3A_2149 : vector<16xi32> to vector<16xf32>
    %sub3A_2151 = arith.subf %mul3A_2148, %convert_element_type3A_2150 : vector<16xf32>
    %and3A_2152 = arith.constant 1 : i32
    %and3A_2153 = vector.broadcast %and3A_2152 : i32 to vector<16xi32>
    %and3A_2154 = arith.andi %convert_element_type3A_2149, %and3A_2153 : vector<16xi32>
    %eq3A_2155 = arith.constant 1 : i32
    %eq3A_2156 = vector.broadcast %eq3A_2155 : i32 to vector<16xi32>
    %eq3A_2157 = arith.cmpi eq, %and3A_2154, %eq3A_2156 : vector<16xi32>
    %gt3A_2158 = arith.constant 5.000000e-01 : f32
    %gt3A_2159 = vector.broadcast %gt3A_2158 : f32 to vector<16xf32>
    %gt3A_2160 = arith.cmpf ogt, %sub3A_2151, %gt3A_2159 : vector<16xf32>
    %eq3A_2161 = arith.constant 5.000000e-01 : f32
    %eq3A_2162 = vector.broadcast %eq3A_2161 : f32 to vector<16xf32>
    %eq3A_2163 = arith.cmpf oeq, %sub3A_2151, %eq3A_2162 : vector<16xf32>
    %and3A_2164 = arith.andi %eq3A_2163, %eq3A_2157 : vector<16xi1>
    %or3A_2165 = arith.ori %gt3A_2160, %and3A_2164 : vector<16xi1>
    %add3A_2166 = arith.constant 1 : i32
    %add3A_2167 = vector.broadcast %add3A_2166 : i32 to vector<16xi32>
    %add3A_2168 = arith.addi %convert_element_type3A_2149, %add3A_2167 : vector<16xi32>
    %select_n3A_2169 = arith.select %or3A_2165, %add3A_2168, %convert_element_type3A_2149 : vector<16xi1>, vector<16xi32>
    %add3A_2170 = arith.addi %mul3A_2136, %select_n3A_2169 : vector<16xi32>
    %swap3A_2171 = arith.constant 416 : index
    %swap3A_2172 = tpu.vector_load %arg8[%swap3A_2171] {strides = array<i32>} : memref<512xi32, #tpu.memory_space<vmem>>, vector<16xi32>,
    %swap3A_2173 = vector.shape_cast %swap3A_2172 : vector<16xi32> to vector<16xi32>
    %swap3A_2174 = vector.shape_cast %add3A_2170 : vector<16xi32> to vector<16xi32>
    tpu.vector_store %arg8[%swap3A_2171], %swap3A_2174 {strides = array<i32>} : memref<512xi32, #tpu.memory_space<vmem>>, vector<16xi32>,
    %get3A_2175 = arith.constant 432 : index
    %get3A_2176 = tpu.vector_load %arg6[%get3A_2175] {strides = array<i32>} : memref<512xf32, #tpu.memory_space<vmem>>, vector<16xf32>,
    %get3A_2177 = vector.shape_cast %get3A_2176 : vector<16xf32> to vector<16xf32>
    %get3A_2178 = arith.constant 432 : index
    %get3A_2179 = tpu.vector_load %arg7[%get3A_2178] {strides = array<i32>} : memref<512xf32, #tpu.memory_space<vmem>>, vector<16xf32>,
    %get3A_2180 = vector.shape_cast %get3A_2179 : vector<16xf32> to vector<16xf32>
    %add3A_2181 = arith.constant 5.000000e+01 : f32
    %add3A_2182 = vector.broadcast %add3A_2181 : f32 to vector<16xf32>
    %add3A_2183 = arith.addf %get3A_2177, %add3A_2182 : vector<16xf32>
    %max3A_2184 = arith.constant 9.99999993E-9 : f32
    %max3A_2185 = vector.broadcast %max3A_2184 : f32 to vector<16xf32>
    %max3A_2186 = arith.maximumf %add3A_2183, %max3A_2185 : vector<16xf32>
    %min3A_2187 = arith.constant 1.000000e+02 : f32
    %min3A_2188 = vector.broadcast %min3A_2187 : f32 to vector<16xf32>
    %min3A_2189 = arith.minimumf %max3A_2186, %min3A_2188 : vector<16xf32>
    %mul3A_2190 = arith.constant 9.98999977 : f32
    %mul3A_2191 = vector.broadcast %mul3A_2190 : f32 to vector<16xf32>
    %mul3A_2192 = arith.mulf %min3A_2189, %mul3A_2191 : vector<16xf32>
    %convert_element_type3A_2193 = arith.fptosi %mul3A_2192 : vector<16xf32> to vector<16xi32>
    %convert_element_type3A_2194 = arith.sitofp %convert_element_type3A_2193 : vector<16xi32> to vector<16xf32>
    %sub3A_2195 = arith.subf %mul3A_2192, %convert_element_type3A_2194 : vector<16xf32>
    %and3A_2196 = arith.constant 1 : i32
    %and3A_2197 = vector.broadcast %and3A_2196 : i32 to vector<16xi32>
    %and3A_2198 = arith.andi %convert_element_type3A_2193, %and3A_2197 : vector<16xi32>
    %eq3A_2199 = arith.constant 1 : i32
    %eq3A_2200 = vector.broadcast %eq3A_2199 : i32 to vector<16xi32>
    %eq3A_2201 = arith.cmpi eq, %and3A_2198, %eq3A_2200 : vector<16xi32>
    %gt3A_2202 = arith.constant 5.000000e-01 : f32
    %gt3A_2203 = vector.broadcast %gt3A_2202 : f32 to vector<16xf32>
    %gt3A_2204 = arith.cmpf ogt, %sub3A_2195, %gt3A_2203 : vector<16xf32>
    %eq3A_2205 = arith.constant 5.000000e-01 : f32
    %eq3A_2206 = vector.broadcast %eq3A_2205 : f32 to vector<16xf32>
    %eq3A_2207 = arith.cmpf oeq, %sub3A_2195, %eq3A_2206 : vector<16xf32>
    %and3A_2208 = arith.andi %eq3A_2207, %eq3A_2201 : vector<16xi1>
    %or3A_2209 = arith.ori %gt3A_2204, %and3A_2208 : vector<16xi1>
    %add3A_2210 = arith.constant 1 : i32
    %add3A_2211 = vector.broadcast %add3A_2210 : i32 to vector<16xi32>
    %add3A_2212 = arith.addi %convert_element_type3A_2193, %add3A_2211 : vector<16xi32>
    %select_n3A_2213 = arith.select %or3A_2209, %add3A_2212, %convert_element_type3A_2193 : vector<16xi1>, vector<16xi32>
    %mul3A_2214 = arith.constant 1000 : i32
    %mul3A_2215 = vector.broadcast %mul3A_2214 : i32 to vector<16xi32>
    %mul3A_2216 = arith.muli %select_n3A_2213, %mul3A_2215 : vector<16xi32>
    %add3A_2217 = arith.constant 5.000000e+01 : f32
    %add3A_2218 = vector.broadcast %add3A_2217 : f32 to vector<16xf32>
    %add3A_2219 = arith.addf %get3A_2180, %add3A_2218 : vector<16xf32>
    %max3A_2220 = arith.constant 9.99999993E-9 : f32
    %max3A_2221 = vector.broadcast %max3A_2220 : f32 to vector<16xf32>
    %max3A_2222 = arith.maximumf %add3A_2219, %max3A_2221 : vector<16xf32>
    %min3A_2223 = arith.constant 1.000000e+02 : f32
    %min3A_2224 = vector.broadcast %min3A_2223 : f32 to vector<16xf32>
    %min3A_2225 = arith.minimumf %max3A_2222, %min3A_2224 : vector<16xf32>
    %mul3A_2226 = arith.constant 9.98999977 : f32
    %mul3A_2227 = vector.broadcast %mul3A_2226 : f32 to vector<16xf32>
    %mul3A_2228 = arith.mulf %min3A_2225, %mul3A_2227 : vector<16xf32>
    %convert_element_type3A_2229 = arith.fptosi %mul3A_2228 : vector<16xf32> to vector<16xi32>
    %convert_element_type3A_2230 = arith.sitofp %convert_element_type3A_2229 : vector<16xi32> to vector<16xf32>
    %sub3A_2231 = arith.subf %mul3A_2228, %convert_element_type3A_2230 : vector<16xf32>
    %and3A_2232 = arith.constant 1 : i32
    %and3A_2233 = vector.broadcast %and3A_2232 : i32 to vector<16xi32>
    %and3A_2234 = arith.andi %convert_element_type3A_2229, %and3A_2233 : vector<16xi32>
    %eq3A_2235 = arith.constant 1 : i32
    %eq3A_2236 = vector.broadcast %eq3A_2235 : i32 to vector<16xi32>
    %eq3A_2237 = arith.cmpi eq, %and3A_2234, %eq3A_2236 : vector<16xi32>
    %gt3A_2238 = arith.constant 5.000000e-01 : f32
    %gt3A_2239 = vector.broadcast %gt3A_2238 : f32 to vector<16xf32>
    %gt3A_2240 = arith.cmpf ogt, %sub3A_2231, %gt3A_2239 : vector<16xf32>
    %eq3A_2241 = arith.constant 5.000000e-01 : f32
    %eq3A_2242 = vector.broadcast %eq3A_2241 : f32 to vector<16xf32>
    %eq3A_2243 = arith.cmpf oeq, %sub3A_2231, %eq3A_2242 : vector<16xf32>
    %and3A_2244 = arith.andi %eq3A_2243, %eq3A_2237 : vector<16xi1>
    %or3A_2245 = arith.ori %gt3A_2240, %and3A_2244 : vector<16xi1>
    %add3A_2246 = arith.constant 1 : i32
    %add3A_2247 = vector.broadcast %add3A_2246 : i32 to vector<16xi32>
    %add3A_2248 = arith.addi %convert_element_type3A_2229, %add3A_2247 : vector<16xi32>
    %select_n3A_2249 = arith.select %or3A_2245, %add3A_2248, %convert_element_type3A_2229 : vector<16xi1>, vector<16xi32>
    %add3A_2250 = arith.addi %mul3A_2216, %select_n3A_2249 : vector<16xi32>
    %swap3A_2251 = arith.constant 432 : index
    %swap3A_2252 = tpu.vector_load %arg8[%swap3A_2251] {strides = array<i32>} : memref<512xi32, #tpu.memory_space<vmem>>, vector<16xi32>,
    %swap3A_2253 = vector.shape_cast %swap3A_2252 : vector<16xi32> to vector<16xi32>
    %swap3A_2254 = vector.shape_cast %add3A_2250 : vector<16xi32> to vector<16xi32>
    tpu.vector_store %arg8[%swap3A_2251], %swap3A_2254 {strides = array<i32>} : memref<512xi32, #tpu.memory_space<vmem>>, vector<16xi32>,
    %get3A_2255 = arith.constant 448 : index
    %get3A_2256 = tpu.vector_load %arg6[%get3A_2255] {strides = array<i32>} : memref<512xf32, #tpu.memory_space<vmem>>, vector<16xf32>,
    %get3A_2257 = vector.shape_cast %get3A_2256 : vector<16xf32> to vector<16xf32>
    %get3A_2258 = arith.constant 448 : index
    %get3A_2259 = tpu.vector_load %arg7[%get3A_2258] {strides = array<i32>} : memref<512xf32, #tpu.memory_space<vmem>>, vector<16xf32>,
    %get3A_2260 = vector.shape_cast %get3A_2259 : vector<16xf32> to vector<16xf32>
    %add3A_2261 = arith.constant 5.000000e+01 : f32
    %add3A_2262 = vector.broadcast %add3A_2261 : f32 to vector<16xf32>
    %add3A_2263 = arith.addf %get3A_2257, %add3A_2262 : vector<16xf32>
    %max3A_2264 = arith.constant 9.99999993E-9 : f32
    %max3A_2265 = vector.broadcast %max3A_2264 : f32 to vector<16xf32>
    %max3A_2266 = arith.maximumf %add3A_2263, %max3A_2265 : vector<16xf32>
    %min3A_2267 = arith.constant 1.000000e+02 : f32
    %min3A_2268 = vector.broadcast %min3A_2267 : f32 to vector<16xf32>
    %min3A_2269 = arith.minimumf %max3A_2266, %min3A_2268 : vector<16xf32>
    %mul3A_2270 = arith.constant 9.98999977 : f32
    %mul3A_2271 = vector.broadcast %mul3A_2270 : f32 to vector<16xf32>
    %mul3A_2272 = arith.mulf %min3A_2269, %mul3A_2271 : vector<16xf32>
    %convert_element_type3A_2273 = arith.fptosi %mul3A_2272 : vector<16xf32> to vector<16xi32>
    %convert_element_type3A_2274 = arith.sitofp %convert_element_type3A_2273 : vector<16xi32> to vector<16xf32>
    %sub3A_2275 = arith.subf %mul3A_2272, %convert_element_type3A_2274 : vector<16xf32>
    %and3A_2276 = arith.constant 1 : i32
    %and3A_2277 = vector.broadcast %and3A_2276 : i32 to vector<16xi32>
    %and3A_2278 = arith.andi %convert_element_type3A_2273, %and3A_2277 : vector<16xi32>
    %eq3A_2279 = arith.constant 1 : i32
    %eq3A_2280 = vector.broadcast %eq3A_2279 : i32 to vector<16xi32>
    %eq3A_2281 = arith.cmpi eq, %and3A_2278, %eq3A_2280 : vector<16xi32>
    %gt3A_2282 = arith.constant 5.000000e-01 : f32
    %gt3A_2283 = vector.broadcast %gt3A_2282 : f32 to vector<16xf32>
    %gt3A_2284 = arith.cmpf ogt, %sub3A_2275, %gt3A_2283 : vector<16xf32>
    %eq3A_2285 = arith.constant 5.000000e-01 : f32
    %eq3A_2286 = vector.broadcast %eq3A_2285 : f32 to vector<16xf32>
    %eq3A_2287 = arith.cmpf oeq, %sub3A_2275, %eq3A_2286 : vector<16xf32>
    %and3A_2288 = arith.andi %eq3A_2287, %eq3A_2281 : vector<16xi1>
    %or3A_2289 = arith.ori %gt3A_2284, %and3A_2288 : vector<16xi1>
    %add3A_2290 = arith.constant 1 : i32
    %add3A_2291 = vector.broadcast %add3A_2290 : i32 to vector<16xi32>
    %add3A_2292 = arith.addi %convert_element_type3A_2273, %add3A_2291 : vector<16xi32>
    %select_n3A_2293 = arith.select %or3A_2289, %add3A_2292, %convert_element_type3A_2273 : vector<16xi1>, vector<16xi32>
    %mul3A_2294 = arith.constant 1000 : i32
    %mul3A_2295 = vector.broadcast %mul3A_2294 : i32 to vector<16xi32>
    %mul3A_2296 = arith.muli %select_n3A_2293, %mul3A_2295 : vector<16xi32>
    %add3A_2297 = arith.constant 5.000000e+01 : f32
    %add3A_2298 = vector.broadcast %add3A_2297 : f32 to vector<16xf32>
    %add3A_2299 = arith.addf %get3A_2260, %add3A_2298 : vector<16xf32>
    %max3A_2300 = arith.constant 9.99999993E-9 : f32
    %max3A_2301 = vector.broadcast %max3A_2300 : f32 to vector<16xf32>
    %max3A_2302 = arith.maximumf %add3A_2299, %max3A_2301 : vector<16xf32>
    %min3A_2303 = arith.constant 1.000000e+02 : f32
    %min3A_2304 = vector.broadcast %min3A_2303 : f32 to vector<16xf32>
    %min3A_2305 = arith.minimumf %max3A_2302, %min3A_2304 : vector<16xf32>
    %mul3A_2306 = arith.constant 9.98999977 : f32
    %mul3A_2307 = vector.broadcast %mul3A_2306 : f32 to vector<16xf32>
    %mul3A_2308 = arith.mulf %min3A_2305, %mul3A_2307 : vector<16xf32>
    %convert_element_type3A_2309 = arith.fptosi %mul3A_2308 : vector<16xf32> to vector<16xi32>
    %convert_element_type3A_2310 = arith.sitofp %convert_element_type3A_2309 : vector<16xi32> to vector<16xf32>
    %sub3A_2311 = arith.subf %mul3A_2308, %convert_element_type3A_2310 : vector<16xf32>
    %and3A_2312 = arith.constant 1 : i32
    %and3A_2313 = vector.broadcast %and3A_2312 : i32 to vector<16xi32>
    %and3A_2314 = arith.andi %convert_element_type3A_2309, %and3A_2313 : vector<16xi32>
    %eq3A_2315 = arith.constant 1 : i32
    %eq3A_2316 = vector.broadcast %eq3A_2315 : i32 to vector<16xi32>
    %eq3A_2317 = arith.cmpi eq, %and3A_2314, %eq3A_2316 : vector<16xi32>
    %gt3A_2318 = arith.constant 5.000000e-01 : f32
    %gt3A_2319 = vector.broadcast %gt3A_2318 : f32 to vector<16xf32>
    %gt3A_2320 = arith.cmpf ogt, %sub3A_2311, %gt3A_2319 : vector<16xf32>
    %eq3A_2321 = arith.constant 5.000000e-01 : f32
    %eq3A_2322 = vector.broadcast %eq3A_2321 : f32 to vector<16xf32>
    %eq3A_2323 = arith.cmpf oeq, %sub3A_2311, %eq3A_2322 : vector<16xf32>
    %and3A_2324 = arith.andi %eq3A_2323, %eq3A_2317 : vector<16xi1>
    %or3A_2325 = arith.ori %gt3A_2320, %and3A_2324 : vector<16xi1>
    %add3A_2326 = arith.constant 1 : i32
    %add3A_2327 = vector.broadcast %add3A_2326 : i32 to vector<16xi32>
    %add3A_2328 = arith.addi %convert_element_type3A_2309, %add3A_2327 : vector<16xi32>
    %select_n3A_2329 = arith.select %or3A_2325, %add3A_2328, %convert_element_type3A_2309 : vector<16xi1>, vector<16xi32>
    %add3A_2330 = arith.addi %mul3A_2296, %select_n3A_2329 : vector<16xi32>
    %swap3A_2331 = arith.constant 448 : index
    %swap3A_2332 = tpu.vector_load %arg8[%swap3A_2331] {strides = array<i32>} : memref<512xi32, #tpu.memory_space<vmem>>, vector<16xi32>,
    %swap3A_2333 = vector.shape_cast %swap3A_2332 : vector<16xi32> to vector<16xi32>
    %swap3A_2334 = vector.shape_cast %add3A_2330 : vector<16xi32> to vector<16xi32>
    tpu.vector_store %arg8[%swap3A_2331], %swap3A_2334 {strides = array<i32>} : memref<512xi32, #tpu.memory_space<vmem>>, vector<16xi32>,
    %get3A_2335 = arith.constant 464 : index
    %get3A_2336 = tpu.vector_load %arg6[%get3A_2335] {strides = array<i32>} : memref<512xf32, #tpu.memory_space<vmem>>, vector<16xf32>,
    %get3A_2337 = vector.shape_cast %get3A_2336 : vector<16xf32> to vector<16xf32>
    %get3A_2338 = arith.constant 464 : index
    %get3A_2339 = tpu.vector_load %arg7[%get3A_2338] {strides = array<i32>} : memref<512xf32, #tpu.memory_space<vmem>>, vector<16xf32>,
    %get3A_2340 = vector.shape_cast %get3A_2339 : vector<16xf32> to vector<16xf32>
    %add3A_2341 = arith.constant 5.000000e+01 : f32
    %add3A_2342 = vector.broadcast %add3A_2341 : f32 to vector<16xf32>
    %add3A_2343 = arith.addf %get3A_2337, %add3A_2342 : vector<16xf32>
    %max3A_2344 = arith.constant 9.99999993E-9 : f32
    %max3A_2345 = vector.broadcast %max3A_2344 : f32 to vector<16xf32>
    %max3A_2346 = arith.maximumf %add3A_2343, %max3A_2345 : vector<16xf32>
    %min3A_2347 = arith.constant 1.000000e+02 : f32
    %min3A_2348 = vector.broadcast %min3A_2347 : f32 to vector<16xf32>
    %min3A_2349 = arith.minimumf %max3A_2346, %min3A_2348 : vector<16xf32>
    %mul3A_2350 = arith.constant 9.98999977 : f32
    %mul3A_2351 = vector.broadcast %mul3A_2350 : f32 to vector<16xf32>
    %mul3A_2352 = arith.mulf %min3A_2349, %mul3A_2351 : vector<16xf32>
    %convert_element_type3A_2353 = arith.fptosi %mul3A_2352 : vector<16xf32> to vector<16xi32>
    %convert_element_type3A_2354 = arith.sitofp %convert_element_type3A_2353 : vector<16xi32> to vector<16xf32>
    %sub3A_2355 = arith.subf %mul3A_2352, %convert_element_type3A_2354 : vector<16xf32>
    %and3A_2356 = arith.constant 1 : i32
    %and3A_2357 = vector.broadcast %and3A_2356 : i32 to vector<16xi32>
    %and3A_2358 = arith.andi %convert_element_type3A_2353, %and3A_2357 : vector<16xi32>
    %eq3A_2359 = arith.constant 1 : i32
    %eq3A_2360 = vector.broadcast %eq3A_2359 : i32 to vector<16xi32>
    %eq3A_2361 = arith.cmpi eq, %and3A_2358, %eq3A_2360 : vector<16xi32>
    %gt3A_2362 = arith.constant 5.000000e-01 : f32
    %gt3A_2363 = vector.broadcast %gt3A_2362 : f32 to vector<16xf32>
    %gt3A_2364 = arith.cmpf ogt, %sub3A_2355, %gt3A_2363 : vector<16xf32>
    %eq3A_2365 = arith.constant 5.000000e-01 : f32
    %eq3A_2366 = vector.broadcast %eq3A_2365 : f32 to vector<16xf32>
    %eq3A_2367 = arith.cmpf oeq, %sub3A_2355, %eq3A_2366 : vector<16xf32>
    %and3A_2368 = arith.andi %eq3A_2367, %eq3A_2361 : vector<16xi1>
    %or3A_2369 = arith.ori %gt3A_2364, %and3A_2368 : vector<16xi1>
    %add3A_2370 = arith.constant 1 : i32
    %add3A_2371 = vector.broadcast %add3A_2370 : i32 to vector<16xi32>
    %add3A_2372 = arith.addi %convert_element_type3A_2353, %add3A_2371 : vector<16xi32>
    %select_n3A_2373 = arith.select %or3A_2369, %add3A_2372, %convert_element_type3A_2353 : vector<16xi1>, vector<16xi32>
    %mul3A_2374 = arith.constant 1000 : i32
    %mul3A_2375 = vector.broadcast %mul3A_2374 : i32 to vector<16xi32>
    %mul3A_2376 = arith.muli %select_n3A_2373, %mul3A_2375 : vector<16xi32>
    %add3A_2377 = arith.constant 5.000000e+01 : f32
    %add3A_2378 = vector.broadcast %add3A_2377 : f32 to vector<16xf32>
    %add3A_2379 = arith.addf %get3A_2340, %add3A_2378 : vector<16xf32>
    %max3A_2380 = arith.constant 9.99999993E-9 : f32
    %max3A_2381 = vector.broadcast %max3A_2380 : f32 to vector<16xf32>
    %max3A_2382 = arith.maximumf %add3A_2379, %max3A_2381 : vector<16xf32>
    %min3A_2383 = arith.constant 1.000000e+02 : f32
    %min3A_2384 = vector.broadcast %min3A_2383 : f32 to vector<16xf32>
    %min3A_2385 = arith.minimumf %max3A_2382, %min3A_2384 : vector<16xf32>
    %mul3A_2386 = arith.constant 9.98999977 : f32
    %mul3A_2387 = vector.broadcast %mul3A_2386 : f32 to vector<16xf32>
    %mul3A_2388 = arith.mulf %min3A_2385, %mul3A_2387 : vector<16xf32>
    %convert_element_type3A_2389 = arith.fptosi %mul3A_2388 : vector<16xf32> to vector<16xi32>
    %convert_element_type3A_2390 = arith.sitofp %convert_element_type3A_2389 : vector<16xi32> to vector<16xf32>
    %sub3A_2391 = arith.subf %mul3A_2388, %convert_element_type3A_2390 : vector<16xf32>
    %and3A_2392 = arith.constant 1 : i32
    %and3A_2393 = vector.broadcast %and3A_2392 : i32 to vector<16xi32>
    %and3A_2394 = arith.andi %convert_element_type3A_2389, %and3A_2393 : vector<16xi32>
    %eq3A_2395 = arith.constant 1 : i32
    %eq3A_2396 = vector.broadcast %eq3A_2395 : i32 to vector<16xi32>
    %eq3A_2397 = arith.cmpi eq, %and3A_2394, %eq3A_2396 : vector<16xi32>
    %gt3A_2398 = arith.constant 5.000000e-01 : f32
    %gt3A_2399 = vector.broadcast %gt3A_2398 : f32 to vector<16xf32>
    %gt3A_2400 = arith.cmpf ogt, %sub3A_2391, %gt3A_2399 : vector<16xf32>
    %eq3A_2401 = arith.constant 5.000000e-01 : f32
    %eq3A_2402 = vector.broadcast %eq3A_2401 : f32 to vector<16xf32>
    %eq3A_2403 = arith.cmpf oeq, %sub3A_2391, %eq3A_2402 : vector<16xf32>
    %and3A_2404 = arith.andi %eq3A_2403, %eq3A_2397 : vector<16xi1>
    %or3A_2405 = arith.ori %gt3A_2400, %and3A_2404 : vector<16xi1>
    %add3A_2406 = arith.constant 1 : i32
    %add3A_2407 = vector.broadcast %add3A_2406 : i32 to vector<16xi32>
    %add3A_2408 = arith.addi %convert_element_type3A_2389, %add3A_2407 : vector<16xi32>
    %select_n3A_2409 = arith.select %or3A_2405, %add3A_2408, %convert_element_type3A_2389 : vector<16xi1>, vector<16xi32>
    %add3A_2410 = arith.addi %mul3A_2376, %select_n3A_2409 : vector<16xi32>
    %swap3A_2411 = arith.constant 464 : index
    %swap3A_2412 = tpu.vector_load %arg8[%swap3A_2411] {strides = array<i32>} : memref<512xi32, #tpu.memory_space<vmem>>, vector<16xi32>,
    %swap3A_2413 = vector.shape_cast %swap3A_2412 : vector<16xi32> to vector<16xi32>
    %swap3A_2414 = vector.shape_cast %add3A_2410 : vector<16xi32> to vector<16xi32>
    tpu.vector_store %arg8[%swap3A_2411], %swap3A_2414 {strides = array<i32>} : memref<512xi32, #tpu.memory_space<vmem>>, vector<16xi32>,
    %get3A_2415 = arith.constant 480 : index
    %get3A_2416 = tpu.vector_load %arg6[%get3A_2415] {strides = array<i32>} : memref<512xf32, #tpu.memory_space<vmem>>, vector<16xf32>,
    %get3A_2417 = vector.shape_cast %get3A_2416 : vector<16xf32> to vector<16xf32>
    %get3A_2418 = arith.constant 480 : index
    %get3A_2419 = tpu.vector_load %arg7[%get3A_2418] {strides = array<i32>} : memref<512xf32, #tpu.memory_space<vmem>>, vector<16xf32>,
    %get3A_2420 = vector.shape_cast %get3A_2419 : vector<16xf32> to vector<16xf32>
    %add3A_2421 = arith.constant 5.000000e+01 : f32
    %add3A_2422 = vector.broadcast %add3A_2421 : f32 to vector<16xf32>
    %add3A_2423 = arith.addf %get3A_2417, %add3A_2422 : vector<16xf32>
    %max3A_2424 = arith.constant 9.99999993E-9 : f32
    %max3A_2425 = vector.broadcast %max3A_2424 : f32 to vector<16xf32>
    %max3A_2426 = arith.maximumf %add3A_2423, %max3A_2425 : vector<16xf32>
    %min3A_2427 = arith.constant 1.000000e+02 : f32
    %min3A_2428 = vector.broadcast %min3A_2427 : f32 to vector<16xf32>
    %min3A_2429 = arith.minimumf %max3A_2426, %min3A_2428 : vector<16xf32>
    %mul3A_2430 = arith.constant 9.98999977 : f32
    %mul3A_2431 = vector.broadcast %mul3A_2430 : f32 to vector<16xf32>
    %mul3A_2432 = arith.mulf %min3A_2429, %mul3A_2431 : vector<16xf32>
    %convert_element_type3A_2433 = arith.fptosi %mul3A_2432 : vector<16xf32> to vector<16xi32>
    %convert_element_type3A_2434 = arith.sitofp %convert_element_type3A_2433 : vector<16xi32> to vector<16xf32>
    %sub3A_2435 = arith.subf %mul3A_2432, %convert_element_type3A_2434 : vector<16xf32>
    %and3A_2436 = arith.constant 1 : i32
    %and3A_2437 = vector.broadcast %and3A_2436 : i32 to vector<16xi32>
    %and3A_2438 = arith.andi %convert_element_type3A_2433, %and3A_2437 : vector<16xi32>
    %eq3A_2439 = arith.constant 1 : i32
    %eq3A_2440 = vector.broadcast %eq3A_2439 : i32 to vector<16xi32>
    %eq3A_2441 = arith.cmpi eq, %and3A_2438, %eq3A_2440 : vector<16xi32>
    %gt3A_2442 = arith.constant 5.000000e-01 : f32
    %gt3A_2443 = vector.broadcast %gt3A_2442 : f32 to vector<16xf32>
    %gt3A_2444 = arith.cmpf ogt, %sub3A_2435, %gt3A_2443 : vector<16xf32>
    %eq3A_2445 = arith.constant 5.000000e-01 : f32
    %eq3A_2446 = vector.broadcast %eq3A_2445 : f32 to vector<16xf32>
    %eq3A_2447 = arith.cmpf oeq, %sub3A_2435, %eq3A_2446 : vector<16xf32>
    %and3A_2448 = arith.andi %eq3A_2447, %eq3A_2441 : vector<16xi1>
    %or3A_2449 = arith.ori %gt3A_2444, %and3A_2448 : vector<16xi1>
    %add3A_2450 = arith.constant 1 : i32
    %add3A_2451 = vector.broadcast %add3A_2450 : i32 to vector<16xi32>
    %add3A_2452 = arith.addi %convert_element_type3A_2433, %add3A_2451 : vector<16xi32>
    %select_n3A_2453 = arith.select %or3A_2449, %add3A_2452, %convert_element_type3A_2433 : vector<16xi1>, vector<16xi32>
    %mul3A_2454 = arith.constant 1000 : i32
    %mul3A_2455 = vector.broadcast %mul3A_2454 : i32 to vector<16xi32>
    %mul3A_2456 = arith.muli %select_n3A_2453, %mul3A_2455 : vector<16xi32>
    %add3A_2457 = arith.constant 5.000000e+01 : f32
    %add3A_2458 = vector.broadcast %add3A_2457 : f32 to vector<16xf32>
    %add3A_2459 = arith.addf %get3A_2420, %add3A_2458 : vector<16xf32>
    %max3A_2460 = arith.constant 9.99999993E-9 : f32
    %max3A_2461 = vector.broadcast %max3A_2460 : f32 to vector<16xf32>
    %max3A_2462 = arith.maximumf %add3A_2459, %max3A_2461 : vector<16xf32>
    %min3A_2463 = arith.constant 1.000000e+02 : f32
    %min3A_2464 = vector.broadcast %min3A_2463 : f32 to vector<16xf32>
    %min3A_2465 = arith.minimumf %max3A_2462, %min3A_2464 : vector<16xf32>
    %mul3A_2466 = arith.constant 9.98999977 : f32
    %mul3A_2467 = vector.broadcast %mul3A_2466 : f32 to vector<16xf32>
    %mul3A_2468 = arith.mulf %min3A_2465, %mul3A_2467 : vector<16xf32>
    %convert_element_type3A_2469 = arith.fptosi %mul3A_2468 : vector<16xf32> to vector<16xi32>
    %convert_element_type3A_2470 = arith.sitofp %convert_element_type3A_2469 : vector<16xi32> to vector<16xf32>
    %sub3A_2471 = arith.subf %mul3A_2468, %convert_element_type3A_2470 : vector<16xf32>
    %and3A_2472 = arith.constant 1 : i32
    %and3A_2473 = vector.broadcast %and3A_2472 : i32 to vector<16xi32>
    %and3A_2474 = arith.andi %convert_element_type3A_2469, %and3A_2473 : vector<16xi32>
    %eq3A_2475 = arith.constant 1 : i32
    %eq3A_2476 = vector.broadcast %eq3A_2475 : i32 to vector<16xi32>
    %eq3A_2477 = arith.cmpi eq, %and3A_2474, %eq3A_2476 : vector<16xi32>
    %gt3A_2478 = arith.constant 5.000000e-01 : f32
    %gt3A_2479 = vector.broadcast %gt3A_2478 : f32 to vector<16xf32>
    %gt3A_2480 = arith.cmpf ogt, %sub3A_2471, %gt3A_2479 : vector<16xf32>
    %eq3A_2481 = arith.constant 5.000000e-01 : f32
    %eq3A_2482 = vector.broadcast %eq3A_2481 : f32 to vector<16xf32>
    %eq3A_2483 = arith.cmpf oeq, %sub3A_2471, %eq3A_2482 : vector<16xf32>
    %and3A_2484 = arith.andi %eq3A_2483, %eq3A_2477 : vector<16xi1>
    %or3A_2485 = arith.ori %gt3A_2480, %and3A_2484 : vector<16xi1>
    %add3A_2486 = arith.constant 1 : i32
    %add3A_2487 = vector.broadcast %add3A_2486 : i32 to vector<16xi32>
    %add3A_2488 = arith.addi %convert_element_type3A_2469, %add3A_2487 : vector<16xi32>
    %select_n3A_2489 = arith.select %or3A_2485, %add3A_2488, %convert_element_type3A_2469 : vector<16xi1>, vector<16xi32>
    %add3A_2490 = arith.addi %mul3A_2456, %select_n3A_2489 : vector<16xi32>
    %swap3A_2491 = arith.constant 480 : index
    %swap3A_2492 = tpu.vector_load %arg8[%swap3A_2491] {strides = array<i32>} : memref<512xi32, #tpu.memory_space<vmem>>, vector<16xi32>,
    %swap3A_2493 = vector.shape_cast %swap3A_2492 : vector<16xi32> to vector<16xi32>
    %swap3A_2494 = vector.shape_cast %add3A_2490 : vector<16xi32> to vector<16xi32>
    tpu.vector_store %arg8[%swap3A_2491], %swap3A_2494 {strides = array<i32>} : memref<512xi32, #tpu.memory_space<vmem>>, vector<16xi32>,
    %get3A_2495 = arith.constant 496 : index
    %get3A_2496 = tpu.vector_load %arg6[%get3A_2495] {strides = array<i32>} : memref<512xf32, #tpu.memory_space<vmem>>, vector<16xf32>,
    %get3A_2497 = vector.shape_cast %get3A_2496 : vector<16xf32> to vector<16xf32>
    %get3A_2498 = arith.constant 496 : index
    %get3A_2499 = tpu.vector_load %arg7[%get3A_2498] {strides = array<i32>} : memref<512xf32, #tpu.memory_space<vmem>>, vector<16xf32>,
    %get3A_2500 = vector.shape_cast %get3A_2499 : vector<16xf32> to vector<16xf32>
    %add3A_2501 = arith.constant 5.000000e+01 : f32
    %add3A_2502 = vector.broadcast %add3A_2501 : f32 to vector<16xf32>
    %add3A_2503 = arith.addf %get3A_2497, %add3A_2502 : vector<16xf32>
    %max3A_2504 = arith.constant 9.99999993E-9 : f32
    %max3A_2505 = vector.broadcast %max3A_2504 : f32 to vector<16xf32>
    %max3A_2506 = arith.maximumf %add3A_2503, %max3A_2505 : vector<16xf32>
    %min3A_2507 = arith.constant 1.000000e+02 : f32
    %min3A_2508 = vector.broadcast %min3A_2507 : f32 to vector<16xf32>
    %min3A_2509 = arith.minimumf %max3A_2506, %min3A_2508 : vector<16xf32>
    %mul3A_2510 = arith.constant 9.98999977 : f32
    %mul3A_2511 = vector.broadcast %mul3A_2510 : f32 to vector<16xf32>
    %mul3A_2512 = arith.mulf %min3A_2509, %mul3A_2511 : vector<16xf32>
    %convert_element_type3A_2513 = arith.fptosi %mul3A_2512 : vector<16xf32> to vector<16xi32>
    %convert_element_type3A_2514 = arith.sitofp %convert_element_type3A_2513 : vector<16xi32> to vector<16xf32>
    %sub3A_2515 = arith.subf %mul3A_2512, %convert_element_type3A_2514 : vector<16xf32>
    %and3A_2516 = arith.constant 1 : i32
    %and3A_2517 = vector.broadcast %and3A_2516 : i32 to vector<16xi32>
    %and3A_2518 = arith.andi %convert_element_type3A_2513, %and3A_2517 : vector<16xi32>
    %eq3A_2519 = arith.constant 1 : i32
    %eq3A_2520 = vector.broadcast %eq3A_2519 : i32 to vector<16xi32>
    %eq3A_2521 = arith.cmpi eq, %and3A_2518, %eq3A_2520 : vector<16xi32>
    %gt3A_2522 = arith.constant 5.000000e-01 : f32
    %gt3A_2523 = vector.broadcast %gt3A_2522 : f32 to vector<16xf32>
    %gt3A_2524 = arith.cmpf ogt, %sub3A_2515, %gt3A_2523 : vector<16xf32>
    %eq3A_2525 = arith.constant 5.000000e-01 : f32
    %eq3A_2526 = vector.broadcast %eq3A_2525 : f32 to vector<16xf32>
    %eq3A_2527 = arith.cmpf oeq, %sub3A_2515, %eq3A_2526 : vector<16xf32>
    %and3A_2528 = arith.andi %eq3A_2527, %eq3A_2521 : vector<16xi1>
    %or3A_2529 = arith.ori %gt3A_2524, %and3A_2528 : vector<16xi1>
    %add3A_2530 = arith.constant 1 : i32
    %add3A_2531 = vector.broadcast %add3A_2530 : i32 to vector<16xi32>
    %add3A_2532 = arith.addi %convert_element_type3A_2513, %add3A_2531 : vector<16xi32>
    %select_n3A_2533 = arith.select %or3A_2529, %add3A_2532, %convert_element_type3A_2513 : vector<16xi1>, vector<16xi32>
    %mul3A_2534 = arith.constant 1000 : i32
    %mul3A_2535 = vector.broadcast %mul3A_2534 : i32 to vector<16xi32>
    %mul3A_2536 = arith.muli %select_n3A_2533, %mul3A_2535 : vector<16xi32>
    %add3A_2537 = arith.constant 5.000000e+01 : f32
    %add3A_2538 = vector.broadcast %add3A_2537 : f32 to vector<16xf32>
    %add3A_2539 = arith.addf %get3A_2500, %add3A_2538 : vector<16xf32>
    %max3A_2540 = arith.constant 9.99999993E-9 : f32
    %max3A_2541 = vector.broadcast %max3A_2540 : f32 to vector<16xf32>
    %max3A_2542 = arith.maximumf %add3A_2539, %max3A_2541 : vector<16xf32>
    %min3A_2543 = arith.constant 1.000000e+02 : f32
    %min3A_2544 = vector.broadcast %min3A_2543 : f32 to vector<16xf32>
    %min3A_2545 = arith.minimumf %max3A_2542, %min3A_2544 : vector<16xf32>
    %mul3A_2546 = arith.constant 9.98999977 : f32
    %mul3A_2547 = vector.broadcast %mul3A_2546 : f32 to vector<16xf32>
    %mul3A_2548 = arith.mulf %min3A_2545, %mul3A_2547 : vector<16xf32>
    %convert_element_type3A_2549 = arith.fptosi %mul3A_2548 : vector<16xf32> to vector<16xi32>
    %convert_element_type3A_2550 = arith.sitofp %convert_element_type3A_2549 : vector<16xi32> to vector<16xf32>
    %sub3A_2551 = arith.subf %mul3A_2548, %convert_element_type3A_2550 : vector<16xf32>
    %and3A_2552 = arith.constant 1 : i32
    %and3A_2553 = vector.broadcast %and3A_2552 : i32 to vector<16xi32>
    %and3A_2554 = arith.andi %convert_element_type3A_2549, %and3A_2553 : vector<16xi32>
    %eq3A_2555 = arith.constant 1 : i32
    %eq3A_2556 = vector.broadcast %eq3A_2555 : i32 to vector<16xi32>
    %eq3A_2557 = arith.cmpi eq, %and3A_2554, %eq3A_2556 : vector<16xi32>
    %gt3A_2558 = arith.constant 5.000000e-01 : f32
    %gt3A_2559 = vector.broadcast %gt3A_2558 : f32 to vector<16xf32>
    %gt3A_2560 = arith.cmpf ogt, %sub3A_2551, %gt3A_2559 : vector<16xf32>
    %eq3A_2561 = arith.constant 5.000000e-01 : f32
    %eq3A_2562 = vector.broadcast %eq3A_2561 : f32 to vector<16xf32>
    %eq3A_2563 = arith.cmpf oeq, %sub3A_2551, %eq3A_2562 : vector<16xf32>
    %and3A_2564 = arith.andi %eq3A_2563, %eq3A_2557 : vector<16xi1>
    %or3A_2565 = arith.ori %gt3A_2560, %and3A_2564 : vector<16xi1>
    %add3A_2566 = arith.constant 1 : i32
    %add3A_2567 = vector.broadcast %add3A_2566 : i32 to vector<16xi32>
    %add3A_2568 = arith.addi %convert_element_type3A_2549, %add3A_2567 : vector<16xi32>
    %select_n3A_2569 = arith.select %or3A_2565, %add3A_2568, %convert_element_type3A_2549 : vector<16xi1>, vector<16xi32>
    %add3A_2570 = arith.addi %mul3A_2536, %select_n3A_2569 : vector<16xi32>
    %swap3A_2571 = arith.constant 496 : index
    %swap3A_2572 = tpu.vector_load %arg8[%swap3A_2571] {strides = array<i32>} : memref<512xi32, #tpu.memory_space<vmem>>, vector<16xi32>,
    %swap3A_2573 = vector.shape_cast %swap3A_2572 : vector<16xi32> to vector<16xi32>
    %swap3A_2574 = vector.shape_cast %add3A_2570 : vector<16xi32> to vector<16xi32>
    tpu.vector_store %arg8[%swap3A_2571], %swap3A_2574 {strides = array<i32>} : memref<512xi32, #tpu.memory_space<vmem>>, vector<16xi32>,
    %dma_start3A_2575 = arith.constant 384 : i32
    %dma_start3A_2576 = arith.constant 0 : i32
    %dma_start3A_2577 = tpu.memref_slice %arg9[%dma_start3A_2575, %dma_start3A_2576] : memref<512x32xf32, #tpu.memory_space<vmem>> -> memref<128x32xf32, #tpu.memory_space<vmem>>
    %dma_start3A_2578 = arith.constant 384 : i32
    %dma_start3A_2579 = tpu.memref_slice %arg8[%dma_start3A_2578] : memref<512xi32, #tpu.memory_space<vmem>> -> memref<128xi32, #tpu.memory_space<vmem>>
    %dma_start3A_2580 = arith.constant 0 : i32
    %dma_start3A_2581 = arith.constant 0 : i32
    %dma_start3A_2582 = tpu.memref_slice %arg4[%dma_start3A_2580, %dma_start3A_2581] : memref<1000000x32xf32, #tpu.memory_space<hbm>> -> memref<1000000x32xf32, #tpu.memory_space<hbm>>
    tpu.enqueue_indirect_dma source(%dma_start3A_2582 : memref<1000000x32xf32, #tpu.memory_space<hbm>>) target(%dma_start3A_2577 : memref<128x32xf32, #tpu.memory_space<vmem>>) offsets(%dma_start3A_2579 : memref<128xi32, #tpu.memory_space<vmem>>) semaphore(%arg10 : memref<!tpu.dma_semaphore, #tpu.memory_space<semaphore_mem>>)
    %dma_wait3A = arith.constant 0 : i32
    %dma_wait3A_2583 = arith.constant 0 : i32
    %dma_wait3A_2584 = tpu.memref_slice %arg9[%dma_wait3A, %dma_wait3A_2583] : memref<512x32xf32, #tpu.memory_space<vmem>> -> memref<128x32xf32, #tpu.memory_space<vmem>>
    %dma_wait3A_2585 = arith.constant 0 : i32
    %dma_wait3A_2586 = tpu.memref_slice %arg8[%dma_wait3A_2585] : memref<512xi32, #tpu.memory_space<vmem>> -> memref<128xi32, #tpu.memory_space<vmem>>
    %dma_wait3A_2587 = arith.constant 0 : i32
    %dma_wait3A_2588 = arith.constant 0 : i32
    %dma_wait3A_2589 = tpu.memref_slice %arg4[%dma_wait3A_2587, %dma_wait3A_2588] : memref<1000000x32xf32, #tpu.memory_space<hbm>> -> memref<1000000x32xf32, #tpu.memory_space<hbm>>
    tpu.wait_indirect_dma semaphore(%arg10 : memref<!tpu.dma_semaphore, #tpu.memory_space<semaphore_mem>>) src(%dma_wait3A_2589 : memref<1000000x32xf32, #tpu.memory_space<hbm>>) dst(%dma_wait3A_2584 : memref<128x32xf32, #tpu.memory_space<vmem>>)
    %dma_wait3A_2590 = arith.constant 128 : i32
    %dma_wait3A_2591 = arith.constant 0 : i32
    %dma_wait3A_2592 = tpu.memref_slice %arg9[%dma_wait3A_2590, %dma_wait3A_2591] : memref<512x32xf32, #tpu.memory_space<vmem>> -> memref<128x32xf32, #tpu.memory_space<vmem>>
    %dma_wait3A_2593 = arith.constant 128 : i32
    %dma_wait3A_2594 = tpu.memref_slice %arg8[%dma_wait3A_2593] : memref<512xi32, #tpu.memory_space<vmem>> -> memref<128xi32, #tpu.memory_space<vmem>>
    %dma_wait3A_2595 = arith.constant 0 : i32
    %dma_wait3A_2596 = arith.constant 0 : i32
    %dma_wait3A_2597 = tpu.memref_slice %arg4[%dma_wait3A_2595, %dma_wait3A_2596] : memref<1000000x32xf32, #tpu.memory_space<hbm>> -> memref<1000000x32xf32, #tpu.memory_space<hbm>>
    tpu.wait_indirect_dma semaphore(%arg10 : memref<!tpu.dma_semaphore, #tpu.memory_space<semaphore_mem>>) src(%dma_wait3A_2597 : memref<1000000x32xf32, #tpu.memory_space<hbm>>) dst(%dma_wait3A_2592 : memref<128x32xf32, #tpu.memory_space<vmem>>)
    %dma_wait3A_2598 = arith.constant 256 : i32
    %dma_wait3A_2599 = arith.constant 0 : i32
    %dma_wait3A_2600 = tpu.memref_slice %arg9[%dma_wait3A_2598, %dma_wait3A_2599] : memref<512x32xf32, #tpu.memory_space<vmem>> -> memref<128x32xf32, #tpu.memory_space<vmem>>
    %dma_wait3A_2601 = arith.constant 256 : i32
    %dma_wait3A_2602 = tpu.memref_slice %arg8[%dma_wait3A_2601] : memref<512xi32, #tpu.memory_space<vmem>> -> memref<128xi32, #tpu.memory_space<vmem>>
    %dma_wait3A_2603 = arith.constant 0 : i32
    %dma_wait3A_2604 = arith.constant 0 : i32
    %dma_wait3A_2605 = tpu.memref_slice %arg4[%dma_wait3A_2603, %dma_wait3A_2604] : memref<1000000x32xf32, #tpu.memory_space<hbm>> -> memref<1000000x32xf32, #tpu.memory_space<hbm>>
    tpu.wait_indirect_dma semaphore(%arg10 : memref<!tpu.dma_semaphore, #tpu.memory_space<semaphore_mem>>) src(%dma_wait3A_2605 : memref<1000000x32xf32, #tpu.memory_space<hbm>>) dst(%dma_wait3A_2600 : memref<128x32xf32, #tpu.memory_space<vmem>>)
    %dma_wait3A_2606 = arith.constant 384 : i32
    %dma_wait3A_2607 = arith.constant 0 : i32
    %dma_wait3A_2608 = tpu.memref_slice %arg9[%dma_wait3A_2606, %dma_wait3A_2607] : memref<512x32xf32, #tpu.memory_space<vmem>> -> memref<128x32xf32, #tpu.memory_space<vmem>>
    %dma_wait3A_2609 = arith.constant 384 : i32
    %dma_wait3A_2610 = tpu.memref_slice %arg8[%dma_wait3A_2609] : memref<512xi32, #tpu.memory_space<vmem>> -> memref<128xi32, #tpu.memory_space<vmem>>
    %dma_wait3A_2611 = arith.constant 0 : i32
    %dma_wait3A_2612 = arith.constant 0 : i32
    %dma_wait3A_2613 = tpu.memref_slice %arg4[%dma_wait3A_2611, %dma_wait3A_2612] : memref<1000000x32xf32, #tpu.memory_space<hbm>> -> memref<1000000x32xf32, #tpu.memory_space<hbm>>
    tpu.wait_indirect_dma semaphore(%arg10 : memref<!tpu.dma_semaphore, #tpu.memory_space<semaphore_mem>>) src(%dma_wait3A_2613 : memref<1000000x32xf32, #tpu.memory_space<hbm>>) dst(%dma_wait3A_2608 : memref<128x32xf32, #tpu.memory_space<vmem>>)
    "tpu.region"() ({
      %run_scoped3A = tpu.sem_alloc : memref<!tpu.dma_semaphore, #tpu.memory_space<semaphore_mem>>
      %dma_start3A_2614 = arith.constant 0 : i32
      %dma_start3A_2615 = tpu.memref_slice %arg5[%mul3A_2, %dma_start3A_2614] : memref<16384x32xf32, #tpu.memory_space<hbm>> -> memref<512x32xf32, #tpu.memory_space<hbm>>
      %dma_start3A_2616 = arith.constant 0 : i32
      %dma_start3A_2617 = tpu.memref_slice %arg5[%mul3A_2, %dma_start3A_2616] : memref<16384x32xf32, #tpu.memory_space<hbm>> -> memref<512x32xf32, #tpu.memory_space<hbm>>
      tpu.enqueue_dma source(%arg9 : memref<512x32xf32, #tpu.memory_space<vmem>>) target(%dma_start3A_2617 : memref<512x32xf32, #tpu.memory_space<hbm>>) target_semaphore(%run_scoped3A : memref<!tpu.dma_semaphore, #tpu.memory_space<semaphore_mem>>)
      %dma_wait3A_2618 = arith.constant 0 : i32
      %dma_wait3A_2619 = tpu.memref_slice %arg5[%mul3A_2, %dma_wait3A_2618] : memref<16384x32xf32, #tpu.memory_space<hbm>> -> memref<512x32xf32, #tpu.memory_space<hbm>>
      %dma_wait3A_2620 = arith.constant 0 : i32
      %dma_wait3A_2621 = tpu.memref_slice %arg5[%mul3A_2, %dma_wait3A_2620] : memref<16384x32xf32, #tpu.memory_space<hbm>> -> memref<512x32xf32, #tpu.memory_space<hbm>>
      tpu.wait_dma2 semaphore(%run_scoped3A : memref<!tpu.dma_semaphore, #tpu.memory_space<semaphore_mem>>) src(%arg9 : memref<512x32xf32, #tpu.memory_space<vmem>>) dst(%dma_wait3A_2621 : memref<512x32xf32, #tpu.memory_space<hbm>>)
      tpu.yield
    }) : () -> ()
    return
  }
}

</mosaic_0001>

<sc_bundles>
// kernel: kernel.3.cloned.1.call-start
scs
__scs_entry_jumppad:
0x0: {  	(pc) =	sbr.rel $0x88, $3  }
0x1: {  	(tag) =	ssettag $0x0;
	lr =	simm.s32 $0x1  }
0x2: {  	[smem:$0x3F9F] =	sst lr;
	_ =	strace $0xD0000000  }
0x3: {  	_ = 	snop  }
0x4: {  	_ = 	snop  }
0x5: {  	_ = 	snop  }
0x6: {  	_ = 	snop  }
0x7: {  	_ = 	snop  }
__scs_overlays_trampoline_lowered:
0x8: {  	[smem:$0x3FAE] =	sst s0  }
0x9: {  	[smem:$0x3FAF] =	sst s1  }
0xa: {  	[smem:$0x3FB0] =	sst s2  }
0xb: {  	[smem:$0x3FB1] =	sst s3  }
0xc: {  	[smem:$0x3FB2] =	sst s4  }
0xd: {  	[smem:$0x3FB3] =	sst s5  }
0xe: {  	[smem:$0x3FB4] =	sst s6  }
0xf: {  	[smem:$0x3FB5] =	sst s7  }
0x10: {  	[smem:$0x3FB6] =	sst s8  }
0x11: {  	[smem:$0x3FB7] =	sst s9;
	s0 =	simm.s32 @!p0 $0x0  }
0x12: {  	s1 =	sld [smem:$0x3F9D];
	s0 =	simm.s32 @p0 $0x1  }
0x13: {  	[smem:$0x3FB8] =	sst s0;
	s0 =	simm.s32 @!p1 $0x0  }
0x14: {  	s2 =	sld [smem:$0x3F9C];
	s0 =	simm.s32 @p1 $0x1  }
0x15: {  	[smem:$0x3FB9] =	sst s0;
	s0 =	simm.s32 @!p2 $0x0  }
0x16: {  	s3 =	sld [smem:$0x3FDB];
	s0 =	simm.s32 @p2 $0x1  }
0x17: {  	s4 =	simm.s32 $0x1BF5;
	[smem:$0x3FBB] =	sst s0  }
0x18: {  	s0 =	sld [smem:$0x3F9E];
	_ =	swait.ge [sflag:s4], $0x0  }
0x19: {  	s7 =	sld [smem:$0x3F9F]  }
0x1a: {  	s8 =	sadd.s32 $0xFFFFE003, lr  }
0x1b: {  	s9 =	sadd.s32 $0xFFFFFEF7, lr;
	s5 =	simm.s32 $0xFFFFFFFF;
	p2 =	slt.u32 s8, $0xFFFFF086  }
0x1c: {  	p1 =	slt.u32 s9, $0xF7A;
	s5 =	simm.s32 @!p2 $0x0  }
0x1d: {  	s5 =	simm.s32 @p1 $0x1;
	p0 =	seq.s32 s7, s2  }
0x1e: {  	s7 =	smul.u32 @!p0 $0xF7A, s2;
	p2 =	seq.s32 @!p0 s5, $0x0  }
0x1f: {  	s9 =	smul.u32 $0xF7A, s1;
	s8 =	simm.s32 @!p0 $0x1BF5;
	p2 =	por !p2, p0  }
0x20: {  	[sflag:s8] =	ssyncset.s32 @!p0 $0xFFFFF086;
	s6 =	sadd.s32 @!p0 s3, s7;
	s7 =	simm.s32 @!p0 $0x108  }
0x21: {  	s3 =	sadd.s32 s3, s9;
	s6 =	sadd.s32 @!p0 $0x88, s6;
	s7 =	simm.s32 @p2 $0x1082  }
0x22: {  	[simem:s7], [sflag:s8] =	dma.local @!p0 [hbm:s6], $0xF7A  }
0x23: {  	s9 =	sor.u32 $0xD0000000, s2;
	s6 =	simm.s32 $0x108;
	_ =	swait.ge @!p0 [sflag:s8], $0x0  }
0x24: {  	s3 =	sadd.s32 $0x88, s3;
	s6 =	simm.s32 @!p1 $0x1082;
	[sflag:s4] =	ssyncset.s32 $0xFFFFF086  }
0x25: {  	[simem:s6], [sflag:s4] =	dma.local [hbm:s3], $0xF7A  }
0x26: {  	[smem:$0x3F9F] =	sst s1;
	(tag) =	ssettag s2;
	_ =	strace s9  }
0x27: {  	s1 =	sld [smem:$0x3FAF]  }
0x28: {  	s2 =	sld [smem:$0x3FB0]  }
0x29: {  	s4 =	sld [smem:$0x3FB2]  }
0x2a: {  	p0 =	seq.s32 s5, $0x0;
	s5 =	sld [smem:$0x3FB3]  }
0x2b: {  	s6 =	sld [smem:$0x3FB4]  }
0x2c: {  	s7 =	sld [smem:$0x3FB5]  }
0x2d: {  	s3 =	simm.s32 $0x108;
	s8 =	sld [smem:$0x3FB6]  }
0x2e: {  	s3 =	simm.s32 @!p0 $0x1082;
	s9 =	sld [smem:$0x3FB7]  }
0x2f: {  	lr =	sadd.s32 s0, s3;
	s0 =	sld [smem:$0x3FAE]  }
0x30: {  	s3 =	sld [smem:$0x3FB1]  }
0x31: {  	[smem:$0x3FBA] =	sst s10  }
0x32: {  	s10 =	sld [smem:$0x3FB8];
	_ =	sdelay $0x3  }
0x33: {  	p0 =	seq.s32 s10, $0x1;
	s10 =	sld [smem:$0x3FBA];
	_ =	sdelay $0x3  }
0x34: {  	[smem:$0x3FBA] =	sst s10  }
0x35: {  	s10 =	sld [smem:$0x3FB9];
	_ =	sdelay $0x3  }
0x36: {  	p1 =	seq.s32 s10, $0x1;
	s10 =	sld [smem:$0x3FBA];
	_ =	sdelay $0x3  }
0x37: {  	[smem:$0x3FBA] =	sst s10  }
0x38: {  	s10 =	sld [smem:$0x3FBB]  }
0x39: {  	_ = 	snop;
	(pc) =	sbr.ind lr, $3  }
0x3a: {  	_ = 	snop  }
0x3b: {  	_ = 	snop  }
0x3c: {  	p2 =	seq.s32 s10, $0x1;
	s10 =	sld [smem:$0x3FBA]  }
0x3d: {  	_ =	shalt  }
0x3e: {  	_ =	shalt  }
0x3f: {  	_ =	shalt  }
0x40: {  	_ =	shalt  }
0x41: {  	_ =	shalt  }
0x42: {  	_ =	shalt  }
0x43: {  	_ =	shalt  }
0x44: {  	_ =	shalt  }
0x45: {  	_ =	shalt  }
0x46: {  	_ =	shalt  }
0x47: {  	_ =	shalt  }
0x48: {  	_ =	shalt  }
0x49: {  	_ =	shalt  }
0x4a: {  	_ =	shalt  }
0x4b: {  	_ =	shalt  }
0x4c: {  	_ =	shalt  }
0x4d: {  	_ =	shalt  }
0x4e: {  	_ =	shalt  }
0x4f: {  	_ =	shalt  }
0x50: {  	_ =	shalt  }
0x51: {  	_ =	shalt  }
0x52: {  	_ =	shalt  }
0x53: {  	_ =	shalt  }
0x54: {  	_ =	shalt  }
0x55: {  	_ =	shalt  }
0x56: {  	_ =	shalt  }
0x57: {  	_ =	shalt  }
0x58: {  	_ =	shalt  }
0x59: {  	_ =	shalt  }
0x5a: {  	_ =	shalt  }
0x5b: {  	_ =	shalt  }
0x5c: {  	_ =	shalt  }
0x5d: {  	_ =	shalt  }
0x5e: {  	_ =	shalt  }
0x5f: {  	_ =	shalt  }
0x60: {  	_ =	shalt  }
0x61: {  	_ =	shalt  }
0x62: {  	_ =	shalt  }
0x63: {  	_ =	shalt  }
0x64: {  	_ =	shalt  }
0x65: {  	_ =	shalt  }
0x66: {  	_ =	shalt  }
0x67: {  	_ =	shalt  }
0x68: {  	_ =	shalt  }
0x69: {  	_ =	shalt  }
0x6a: {  	_ =	shalt  }
0x6b: {  	_ =	shalt  }
0x6c: {  	_ =	shalt  }
0x6d: {  	_ =	shalt  }
0x6e: {  	_ =	shalt  }
0x6f: {  	_ =	shalt  }
0x70: {  	_ =	shalt  }
0x71: {  	_ =	shalt  }
0x72: {  	_ =	shalt  }
0x73: {  	_ =	shalt  }
0x74: {  	_ =	shalt  }
0x75: {  	_ =	shalt  }
0x76: {  	_ =	shalt  }
0x77: {  	_ =	shalt  }
0x78: {  	_ =	shalt  }
0x79: {  	_ =	shalt  }
0x7a: {  	_ =	shalt  }
0x7b: {  	_ =	shalt  }
0x7c: {  	_ =	shalt  }
0x7d: {  	_ =	shalt  }
0x7e: {  	_ =	shalt  }
0x7f: {  	_ =	shalt  }
0x80: {  	_ =	shalt  }
0x81: {  	_ =	shalt  }
0x82: {  	_ =	shalt  }
0x83: {  	_ =	shalt  }
0x84: {  	_ =	shalt  }
0x85: {  	_ =	shalt  }
0x86: {  	_ =	shalt  }
0x87: {  	_ =	shalt  }
.Lfunc_end0:
.L_simem_size_0:
called_computation_lowered:
.L_overlay_start_0:
0x88: {  	s2 =	sld [smem:$0x3FD9]  }
0x89: {  	s3 =	sld [smem:$0x3FFE];
	_ =	sdelay $0x1  }
0x8a: {  	s1 =	srdreg.scid  }
0x8b: {  	s0 =	sand.u32 $0x1, s1  }
0x8c: {  	s17 =	sshll.u32 s0, $0xA;
	s2 =	sadd.s32 s3, s2  }
0x8d: {  	s2 =	sadd.s32 s2, s17  }
0x8e: {  	[smem:$0x3FC6] =	sst s2  }
0x8f: {  	_ = 	snop  }
0x90: {  	s2 =	sld [smem:$0x3FD0];
	(tm) =	ssettm $0x1  }
0x91: {  	s18 =	sld [smem:$0x3FFB];
	_ =	sdelay $0x3  }
0x92: {  	_ =	strace s18  }
0x93: {  	s3 =	sld [smem:$0x3FFC];
	_ =	sdelay $0x3  }
0x94: {  	_ =	strace s3  }
0x95: {  	s3 =	sld [smem:$0x3FFD];
	_ =	sdelay $0x3  }
0x96: {  	_ =	strace s3  }
0x97: {  	_ =	strace $0x8FFFFFFF  }
0x98: {  	s19 =	sld [smem:$0x3FDB];
	_ =	sdelay $0x1  }
0x99: {  	s4 =	simm.s32 $_scs_section_size  }
0x9a: {  	s5 =	simm.s32 $_size__tile_overlayer_lowered;
	s6 =	simm.s32 $_tile_overlayer_lowered  }
0x9b: {  	s22 =	simm.s32 $0x1BFF;
	s21 =	sshll.u32 s6, $0x1;
	s3 =	sadd.s32 s4, s19  }
0x9c: {  	s7 =	simm.s32 $0x0;
	s20 =	sshll.u32 s5, $0x1;
	s5 =	sadd.s32 s21, s3  }
0x9d: {  	[timem:s7], [sflag:s22] =	dma.local [hbm:s5], s20  }
0x9e: {  	_ =	swait.ge [sflag:s22], s20  }
0x9f: {  	s4 =	ssub.s32 $0x0, s20;
	[sflag:s22] =	ssyncset.done $0x0  }
0xa0: {  	[sflag:s22] =	ssyncadd.s32 s4;
	_ =	sdelay $0x1  }
0xa1: {  	s23 =	simm.s32 $0x1B8B  }
0xa2: {  	_ =	swait.ge [sflag:s23], $0x1  }
0xa3: {  	[sflag:s23] =	ssyncset.done $0x0  }
0xa4: {  	s25 =	simm.s32 $0x1B8E;
	s24 =	sld [smem:$0x3FFE];
	[sflag:s23] =	ssyncadd.s32 $0xFFFFFFFF  }
0xa5: {  	s26 =	simm.s32 $execute0_lowered;
	[smem:$0x3FD2] =	sst s25  }
0xa6: {  	s5 =	sshll.u32 s26, $0x1;
	_ =	strace $0x80000046;
	[dreg:$0x1] =	wrdreg $0xFFFFFFFF  }
0xa7: {  	s28 =	simm.s32 $_size_execute0_lowered;
	s3 =	sadd.s32 s3, s5;
	[dreg:$0x0] =	wrdreg $0x0  }
0xa8: {  	s5 =	sshll.u32 s28, $0x1;
	[dreg:$0x2] =	wrdreg s3  }
0xa9: {  	[dreg:$0x3] =	wrdreg s5  }
0xaa: {  	[dreg:$0x4] =	wrdreg $0xC0  }
0xab: {  	_ =	task [dreg:s7], $0x5FFFF  }
0xac: {  	[dreg:$0x1] =	wrdreg $0xFFFFFFFF  }
0xad: {  	[dreg:$0x0] =	wrdreg $0x60  }
0xae: {  	[dreg:$0x2] =	wrdreg s24  }
0xaf: {  	[dreg:$0x3] =	wrdreg s2  }
0xb0: {  	[dreg:$0x4] =	wrdreg $0x9  }
0xb1: {  	_ =	task.clear_ibuf [dreg:s7], $0x5FFFF;
	_ =	strace $0x90000046  }
0xb2: {  	s29 =	simm.s32 $0x9;
	_ =	strace $0x80000048  }
0xb3: {  	_ =	swait.ge [sflag:s29], $0x1  }
0xb4: {  	[sflag:s29] =	ssyncadd.s32 $0xFFFFFFFF  }
0xb5: {  	_ =	strace $0x90000048  }
0xb6: {  	_ =	sfence  }
0xb7: {  	s30 =	sld [smem:$0x0];
	_ =	sdelay $0x2  }
0xb8: {  	s31 =	sshll.u32 s1, $0xD;
	s1 =	sshrl.u32 s1, $0x2  }
0xb9: {  	s3 =	sand.u32 $0x4000, s31;
	s1 =	sadd.s32 s1, s30  }
0xba: {  	s0 =	sor.u32 s3, s0;
	s1 =	sshll.u32 s1, $0x11  }
0xbb: {  	s0 =	sor.u32 s1, s0  }
0xbc: {  	s0 =	sadd.s32 $0x8F2B, s0  }
0xbd: {  	[sflag:s0] =	ssyncadd.remote.s32 $0x1  }
0xbe: {  	_ =	sfence.sel $0xFFFF  }
0xbf: {  	[dreg:$0x0] =	wrdreg $0xFFFFFFFF;
	(pc) =	sbr.abs _section_cstart, $3  }
0xc0: {  	[dreg:$0x1] =	wrdreg $0xFFFFFFFF  }
0xc1: {  	_ =	task.clear_ibuf [dreg:s7], $0x2FFFF;
	_ =	strace $0x9FFFFFFF  }
0xc2: {  	(tm) =	ssettm $0x7FFFFFFF  }
0xc3: {  	_ =	shalt  }
tec
execute0_lowered:
.L_overlay_start_1:
0x0: {  	(tag) =	ssettag $0x1  }
0x1: {  	s3 =	rddreg [dreg:$0x0]  }
0x2: {  	s6 =	rddreg [dreg:$0x1];
	s2 =	srdreg.scid  }
0x3: {  	s0 =	rddreg [dreg:$0x2];
	s1 =	stileid.u32  }
0x4: {  	s10 =	simm.s32 $0x80;
	s11 =	simm.s32 $0x400;
	s12 =	simm.s32 $0x600  }
0x5: {  	s13 =	simm.s32 $0x480;
	s14 =	simm.s32 $0x1600;
	s15 =	simm.s32 $0x500  }
0x6: {  	s16 =	simm.s32 $0x2600;
	s17 =	simm.s32 $0x580;
	s18 =	simm.s32 $0x3600  }
0x7: {  	s19 =	simm.s32 $0x1;
	s4 =	sand.u32 $0x1, s2;
	s2 =	simm.s32 $0x0  }
0x8: {  	s5 =	sshll.u32 s1, $0xA;
	s7 =	sshll.u32 s4, $0x9;
	s4 =	ssub.s32 $0x2, s4  }
0x9: {  	[smem:$0x7FF] =	sst s2;
	s5 =	sor.u32 s7, s5;
	s8 =	sshrl.u32 s4, $0x1  }
0xa: {  	_ =	strace $0x80000047;
	s7 =	sshrl.u32 s5, $0x3;
	s8 =	ssub.s32 s4, s8  }
0xb: {  	s9 =	sshll.u32 s5, $0x2;
	s7 =	sadd.s32 s7, s3;
	s3 =	sadd.s32 $0xF43A00, s3  }
0xc: {  	s6 =	sadd.s32 s6, s9;
	s9 =	simm.s32 $0x200;
	s4 =	sadd.s32 $0xE00, s7  }
0xd: {  	v0 =	vimm.s32 $0x0;
	s5 =	sadd.s32 $0x600, s7;
	s7 =	smax.u32 s8, $0x1;
	s8 =	simm.s32 $0x2  }
.LBB2_1:
0xe: {  	[tilespmem:s2], [sflag:$0x2] =	stream.linear.gather [hbm4b:s4+s2], $0x200, $0x38;
	[tilespmem:$0x4600] =	vst v63  }
0xf: {  	_ =	swait.ge [sflag:s8], $0x200  }
0x10: {  	[sflag:s8] =	ssyncset.done $0x0  }
0x11: {  	[sflag:s8] =	ssyncadd.s32 $0xFFFFFE00  }
0x12: {  	[tilespmem:s9], [sflag:$0x2] =	stream.linear.gather [hbm4b:s5+s2], $0x200, $0x38;
	[tilespmem:$0x4600] =	vst v63  }
0x13: {  	_ =	swait.ge [sflag:s8], $0x200  }
0x14: {  	[sflag:s8] =	ssyncset.done $0x0  }
0x15: {  	[sflag:s8] =	ssyncadd.s32 $0xFFFFFE00  }
0x16: {  	v1 =	vld [tilespmem:$0x0];
	_ =	sdelay $0x1  }
0x17: {  	v2 =	vld [tilespmem:$0x200];
	_ =	sdelay $0x2  }
0x18: {  	v12 =	vld [tilespmem:$0x40];
	v1 =	vadd.f32 $5.000000000e+01, v1  }
0x19: {  	v3 =	vld [tilespmem:$0x10]  }
0x1a: {  	v7 =	vld [tilespmem:$0x210];
	v2 =	vadd.f32 $5.000000000e+01, v2;
	v1 =	vmax.f32 v1, $9.999999930e-09  }
0x1b: {  	v47 =	vld [tilespmem:$0x220];
	v1 =	vmin.f32 v1, $1.000000000e+02  }
0x1c: {  	v58 =	vld [tilespmem:$0x230];
	v2 =	vmax.f32 v2, $9.999999930e-09;
	v1 =	vmul.f32 $9.989999770e+00, v1  }
0x1d: {  	v17 =	vadd.f32 $5.000000000e+01, v12;
	v12 =	vld [tilespmem:$0x240];
	v2 =	vmin.f32 v2, $1.000000000e+02  }
0x1e: {  	v2 =	vmul.f32 $9.989999770e+00, v2;
	v4 =	vtrunc.f32 v1  }
0x1f: {  	v4 =	vcvt.f32.s32 v4  }
0x20: {  	v42 =	vld [tilespmem:$0x20];
	v3 =	vadd.f32 $5.000000000e+01, v3;
	v7 =	vadd.f32 $5.000000000e+01, v7;
	v6 =	vtrunc.f32 v2  }
0x21: {  	v52 =	vadd.f32 $5.000000000e+01, v47;
	v6 =	vcvt.f32.s32 v6;
	v5 =	vcvt.s32.f32 v4  }
0x22: {  	v63 =	vadd.f32 $5.000000000e+01, v58;
	v3 =	vmax.f32 v3, $9.999999930e-09;
	v25 =	vadd.f32 $5.000000000e+01, v12  }
0x23: {  	v39 =	vand.u32 $0x1, v4;
	v40 =	vcvt.s32.f32 v6;
	v1 =	vsub.f32 v1, v5  }
0x24: {  	v3 =	vmin.f32 v3, $1.000000000e+02;
	v28 =	vmax.f32 v25, $9.999999930e-09;
	vm0 =	veq.s32 v39, $0x1  }
0x25: {  	v2 =	vsub.f32 v2, v40;
	v5 =	vadd.f32 $5.000000000e+01, v42;
	vm1 =	veq.f32 v1, $5.000000000e-01  }
0x26: {  	vm2 =	vgt.f32 v1, $5.000000000e-01;
	v1 =	vmul.f32 $9.989999770e+00, v3;
	v3 =	vand.u32 $0x1, v6  }
0x27: {  	v53 =	vld [tilespmem:$0x30];
	vm9 =	vgt.f32 v2, $5.000000000e-01;
	vm10 =	veq.f32 v2, $5.000000000e-01;
	v2 =	vmax.f32 v7, $9.999999930e-09  }
0x28: {  	vm0 =	vmand vm1, vm0;
	vm8 =	veq.s32 v3, $0x1;
	v2 =	vmin.f32 v2, $1.000000000e+02  }
0x29: {  	vm0 =	vmor vm2, vm0;
	v41 =	vtrunc.f32 v1;
	v2 =	vmul.f32 $9.989999770e+00, v2  }
0x2a: {  	v40 =	vld [tilespmem:$0x60];
	v8 =	vsel vm0, $0x1, v0;
	v3 =	vcvt.f32.s32 v41;
	vm0 =	vmand vm10, vm8  }
0x2b: {  	v4 =	vadd.s32 v4, v8;
	vm0 =	vmor vm9, vm0;
	v9 =	vtrunc.f32 v2  }
0x2c: {  	v8 =	vadd.f32 $5.000000000e+01, v53;
	v43 =	vcvt.s32.f32 v3;
	v4 =	vmul.u32 $0x3E8, v4  }
0x2d: {  	v44 =	vsel vm0, $0x1, v0;
	v45 =	vand.u32 $0x1, v3;
	v46 =	vcvt.f32.s32 v9  }
0x2e: {  	vm11 =	veq.s32 v45, $0x1;
	v6 =	vadd.s32 v6, v44;
	v1 =	vsub.f32 v1, v43  }
0x2f: {  	v60 =	vmax.f32 v8, $9.999999930e-09;
	v45 =	vadd.f32 $5.000000000e+01, v40;
	v48 =	vcvt.s32.f32 v46  }
0x30: {  	v50 =	vand.u32 $0x1, v46;
	vm12 =	veq.f32 v1, $5.000000000e-01;
	vm13 =	vgt.f32 v1, $5.000000000e-01  }
0x31: {  	v1 =	vmax.f32 v5, $9.999999930e-09;
	v2 =	vsub.f32 v2, v48;
	vm0 =	vmand vm12, vm11  }
0x32: {  	vm14 =	veq.s32 v50, $0x1;
	v1 =	vmin.f32 v1, $1.000000000e+02;
	vm0 =	vmor vm13, vm0  }
0x33: {  	v10 =	vmul.f32 $9.989999770e+00, v1;
	v1 =	vadd.s32 v4, v6;
	vm15 =	veq.f32 v2, $5.000000000e-01  }
0x34: {  	vm4 =	vgt.f32 v2, $5.000000000e-01;
	v2 =	vmax.f32 v52, $9.999999930e-09;
	v4 =	vmax.f32 v17, $9.999999930e-09  }
0x35: {  	v49 =	vsel vm0, $0x1, v0;
	vm0 =	vmand vm15, vm14;
	v51 =	vtrunc.f32 v10  }
0x36: {  	v31 =	vld [tilespmem:$0x250];
	v2 =	vmin.f32 v2, $1.000000000e+02;
	v4 =	vmin.f32 v4, $1.000000000e+02;
	v54 =	vcvt.f32.s32 v51  }
0x37: {  	v3 =	vadd.s32 v3, v49;
	vm0 =	vmor vm4, vm0;
	v56 =	vmul.f32 $9.989999770e+00, v2  }
0x38: {  	v4 =	vmul.f32 $9.989999770e+00, v4;
	v55 =	vsel vm0, $0x1, v0;
	v5 =	vcvt.s32.f32 v54  }
0x39: {  	v3 =	vmul.u32 $0x3E8, v3;
	v6 =	vadd.s32 v46, v55;
	v59 =	vtrunc.f32 v56  }
0x3a: {  	v21 =	vtrunc.f32 v4;
	v57 =	vand.u32 $0x1, v54;
	v2 =	vsub.f32 v10, v5  }
0x3b: {  	vm5 =	veq.s32 v57, $0x1;
	v5 =	vcvt.f32.s32 v59;
	v10 =	vadd.f32 $5.000000000e+01, v31  }
0x3c: {  	vm6 =	veq.f32 v2, $5.000000000e-01;
	vm7 =	vgt.f32 v2, $5.000000000e-01;
	v2 =	vmin.f32 v60, $1.000000000e+02  }
0x3d: {  	v61 =	vcvt.s32.f32 v5;
	v15 =	vand.u32 $0x1, v5;
	v10 =	vmax.f32 v10, $9.999999930e-09  }
0x3e: {  	vm0 =	vmand vm6, vm5;
	v62 =	vmul.f32 $9.989999770e+00, v2;
	v2 =	vadd.s32 v3, v6  }
0x3f: {  	v6 =	vmax.f32 v63, $9.999999930e-09;
	vm8 =	veq.s32 v15, $0x1;
	v10 =	vmin.f32 v10, $1.000000000e+02  }
0x40: {  	vm0 =	vmor vm7, vm0;
	v13 =	vsub.f32 v56, v61;
	v6 =	vmin.f32 v6, $1.000000000e+02  }
0x41: {  	v42 =	vmul.f32 $9.989999770e+00, v10;
	v10 =	vmax.f32 v45, $9.999999930e-09;
	v3 =	vsel vm0, $0x1, v0  }
0x42: {  	v14 =	vtrunc.f32 v62;
	v6 =	vmul.f32 $9.989999770e+00, v6;
	v10 =	vmin.f32 v10, $1.000000000e+02  }
0x43: {  	v3 =	vadd.s32 v54, v3;
	v7 =	vcvt.f32.s32 v14;
	vm9 =	veq.f32 v13, $5.000000000e-01  }
0x44: {  	vm10 =	vgt.f32 v13, $5.000000000e-01;
	v44 =	vtrunc.f32 v42;
	v10 =	vmul.f32 $9.989999770e+00, v10  }
0x45: {  	v13 =	vld [tilespmem:$0x50];
	v3 =	vmul.u32 $0x3E8, v3;
	vm0 =	vmand vm9, vm8;
	v18 =	vtrunc.f32 v6  }
0x46: {  	v54 =	vld [tilespmem:$0x270];
	v16 =	vcvt.s32.f32 v7;
	vm0 =	vmor vm10, vm0;
	v19 =	vand.u32 $0x1, v7  }
0x47: {  	v9 =	vcvt.f32.s32 v18;
	v52 =	vtrunc.f32 v10;
	v11 =	vsel vm0, $0x1, v0  }
0x48: {  	vm11 =	veq.s32 v19, $0x1;
	v53 =	vcvt.f32.s32 v52;
	v8 =	vsub.f32 v62, v16  }
0x49: {  	v20 =	vcvt.s32.f32 v9;
	v5 =	vadd.s32 v5, v11;
	v23 =	vand.u32 $0x1, v9  }
0x4a: {  	vm14 =	veq.s32 v23, $0x1;
	v3 =	vadd.s32 v3, v5;
	v30 =	vadd.f32 $5.000000000e+01, v13  }
0x4b: {  	v14 =	vcvt.s32.f32 v53;
	v15 =	vand.u32 $0x1, v53;
	v12 =	vadd.f32 $5.000000000e+01, v54  }
0x4c: {  	vm12 =	veq.f32 v8, $5.000000000e-01;
	vm13 =	vgt.f32 v8, $5.000000000e-01;
	v6 =	vsub.f32 v6, v20  }
0x4d: {  	v8 =	vcvt.f32.s32 v21;
	vm0 =	vmand vm12, vm11;
	v32 =	vmax.f32 v30, $9.999999930e-09  }
0x4e: {  	v10 =	vsub.f32 v10, v14;
	v58 =	vmax.f32 v12, $9.999999930e-09;
	vm0 =	vmor vm13, vm0  }
0x4f: {  	vm15 =	vgt.f32 v6, $5.000000000e-01;
	vm4 =	veq.f32 v6, $5.000000000e-01;
	v24 =	vcvt.s32.f32 v8  }
0x50: {  	v29 =	vand.u32 $0x1, v8;
	v6 =	vmin.f32 v28, $1.000000000e+02;
	v22 =	vsel vm0, $0x1, v0  }
0x51: {  	vm0 =	vmand vm4, vm14;
	vm5 =	veq.s32 v29, $0x1;
	v6 =	vmul.f32 $9.989999770e+00, v6  }
0x52: {  	v26 =	vadd.s32 v7, v22;
	vm0 =	vmor vm15, vm0;
	v4 =	vsub.f32 v4, v24  }
0x53: {  	v27 =	vsel vm0, $0x1, v0;
	v33 =	vtrunc.f32 v6;
	v5 =	vmul.u32 $0x3E8, v26  }
0x54: {  	vm6 =	veq.f32 v4, $5.000000000e-01;
	vm7 =	vgt.f32 v4, $5.000000000e-01;
	v4 =	vmin.f32 v32, $1.000000000e+02  }
0x55: {  	v11 =	vcvt.f32.s32 v33;
	v7 =	vadd.s32 v9, v27;
	v9 =	vcvt.f32.s32 v44  }
0x56: {  	vm0 =	vmand vm6, vm5;
	v4 =	vmul.f32 $9.989999770e+00, v4;
	v5 =	vadd.s32 v5, v7  }
0x57: {  	vm5 =	veq.s32 v15, $0x1;
	vm6 =	vgt.f32 v10, $5.000000000e-01;
	vm0 =	vmor vm7, vm0  }
0x58: {  	v35 =	vcvt.s32.f32 v11;
	v39 =	vand.u32 $0x1, v11;
	v48 =	vcvt.s32.f32 v9  }
0x59: {  	v50 =	vand.u32 $0x1, v9;
	vm7 =	veq.f32 v10, $5.000000000e-01;
	v36 =	vtrunc.f32 v4  }
0x5a: {  	v34 =	vsel vm0, $0x1, v0;
	v38 =	vcvt.f32.s32 v36;
	v6 =	vsub.f32 v6, v35  }
0x5b: {  	vm8 =	veq.s32 v39, $0x1;
	vm14 =	veq.s32 v50, $0x1;
	v8 =	vadd.s32 v8, v34  }
0x5c: {  	v47 =	vld [tilespmem:$0x260];
	v37 =	vmul.u32 $0x3E8, v8;
	v41 =	vcvt.s32.f32 v38;
	vm9 =	vgt.f32 v6, $5.000000000e-01  }
0x5d: {  	v51 =	vld [tilespmem:$0x70];
	vm10 =	veq.f32 v6, $5.000000000e-01;
	v43 =	vand.u32 $0x1, v38;
	v6 =	vsub.f32 v42, v48  }
0x5e: {  	vm0 =	vmand vm10, vm8;
	vm11 =	veq.s32 v43, $0x1;
	v4 =	vsub.f32 v4, v41  }
0x5f: {  	vm0 =	vmor vm9, vm0;
	vm15 =	veq.f32 v6, $5.000000000e-01;
	vm4 =	vgt.f32 v6, $5.000000000e-01  }
0x60: {  	v46 =	vsel vm0, $0x1, v0;
	vm12 =	veq.f32 v4, $5.000000000e-01;
	vm13 =	vgt.f32 v4, $5.000000000e-01  }
0x61: {  	v11 =	vadd.s32 v11, v46;
	v4 =	vadd.f32 $5.000000000e+01, v47;
	vm1 =	vmand vm12, vm11  }
0x62: {  	v7 =	vadd.s32 v37, v11;
	v11 =	vadd.f32 $5.000000000e+01, v51;
	vm0 =	vmor vm13, vm1  }
0x63: {  	v4 =	vmax.f32 v4, $9.999999930e-09;
	v49 =	vsel vm0, $0x1, v0;
	vm0 =	vmand vm15, vm14  }
0x64: {  	v4 =	vmin.f32 v4, $1.000000000e+02;
	v11 =	vmax.f32 v11, $9.999999930e-09;
	v8 =	vadd.s32 v38, v49  }
0x65: {  	vm0 =	vmor vm4, vm0;
	v4 =	vmul.f32 $9.989999770e+00, v4;
	v11 =	vmin.f32 v11, $1.000000000e+02  }
0x66: {  	v8 =	vmul.u32 $0x3E8, v8;
	v55 =	vsel vm0, $0x1, v0;
	v57 =	vmul.f32 $9.989999770e+00, v11  }
0x67: {  	vm0 =	vmand vm7, vm5;
	v11 =	vmin.f32 v58, $1.000000000e+02;
	v9 =	vadd.s32 v9, v55  }
0x68: {  	v56 =	vtrunc.f32 v4;
	vm0 =	vmor vm6, vm0;
	v11 =	vmul.f32 $9.989999770e+00, v11  }
0x69: {  	v13 =	vcvt.f32.s32 v56;
	v60 =	vtrunc.f32 v57;
	v61 =	vsel vm0, $0x1, v0  }
0x6a: {  	v8 =	vadd.s32 v8, v9;
	v14 =	vcvt.f32.s32 v60;
	v6 =	vadd.s32 v53, v61  }
0x6b: {  	v62 =	vtrunc.f32 v11;
	v59 =	vcvt.s32.f32 v13;
	v63 =	vand.u32 $0x1, v13  }
0x6c: {  	v9 =	vcvt.f32.s32 v62;
	v6 =	vmul.u32 $0x3E8, v6;
	v18 =	vcvt.s32.f32 v14  }
0x6d: {  	vm8 =	veq.s32 v63, $0x1;
	v21 =	vand.u32 $0x1, v14;
	v4 =	vsub.f32 v4, v59  }
0x6e: {  	[tilespmem:$0x400] =	vst v1;
	v20 =	vcvt.s32.f32 v9;
	v1 =	vand.u32 $0x1, v9;
	v19 =	vsub.f32 v57, v18  }
0x6f: {  	vm11 =	veq.s32 v21, $0x1;
	vm13 =	veq.s32 v1, $0x1;
	vm9 =	vgt.f32 v4, $5.000000000e-01  }
0x70: {  	vm10 =	veq.f32 v4, $5.000000000e-01;
	v10 =	vsub.f32 v11, v20;
	vm12 =	veq.f32 v19, $5.000000000e-01  }
0x71: {  	vm0 =	vmand vm10, vm8;
	vm3 =	vgt.f32 v19, $5.000000000e-01;
	vm1 =	vmand vm12, vm11  }
0x72: {  	[tilespmem:$0x410] =	vst v2;
	vm0 =	vmor vm9, vm0;
	vm14 =	veq.f32 v10, $5.000000000e-01;
	vm1 =	vmor vm3, vm1  }
0x73: {  	[tilespmem:$0x420] =	vst v3;
	vm15 =	vgt.f32 v10, $5.000000000e-01;
	vm2 =	vmand vm14, vm13;
	v1 =	vsel vm1, $0x1, v0  }
0x74: {  	[tilespmem:$0x430] =	vst v5;
	v2 =	vsel vm0, $0x1, v0;
	vm4 =	vmor vm15, vm2;
	v1 =	vadd.s32 v14, v1  }
0x75: {  	[tilespmem:$0x440] =	vst v7;
	v2 =	vadd.s32 v13, v2;
	v3 =	vsel vm4, $0x1, v0;
	v1 =	vmul.u32 $0x3E8, v1  }
0x76: {  	[tilespmem:$0x450] =	vst v8;
	v2 =	vadd.s32 v6, v2;
	v3 =	vadd.s32 v9, v3  }
0x77: {  	[tilespmem:$0x460] =	vst v2;
	v1 =	vadd.s32 v1, v3  }
0x78: {  	[tilespmem:$0x470] =	vst v1  }
0x79: {  	[tilespmem:s12], [sflag:$0x1] =	stream.indirect.gather [hbm4b:s3+s10], $0x20, s11, s10, $0xb8;
	[tilespmem:$0x4600] =	vst v63  }
0x7a: {  	v1 =	vld [tilespmem:$0x80];
	_ =	sdelay $0x1  }
0x7b: {  	v2 =	vld [tilespmem:$0x280]  }
0x7c: {  	v3 =	vld [tilespmem:$0x90]  }
0x7d: {  	v26 =	vld [tilespmem:$0x290]  }
0x7e: {  	v30 =	vld [tilespmem:$0xA0];
	v1 =	vadd.f32 $5.000000000e+01, v1  }
0x7f: {  	v36 =	vld [tilespmem:$0x2A0]  }
0x80: {  	v43 =	vld [tilespmem:$0xB0];
	v2 =	vadd.f32 $5.000000000e+01, v2;
	v1 =	vmax.f32 v1, $9.999999930e-09  }
0x81: {  	v48 =	vld [tilespmem:$0x2B0];
	v1 =	vmin.f32 v1, $1.000000000e+02  }
0x82: {  	v54 =	vld [tilespmem:$0xC0];
	v2 =	vmax.f32 v2, $9.999999930e-09;
	v1 =	vmul.f32 $9.989999770e+00, v1  }
0x83: {  	v16 =	vld [tilespmem:$0x2C0];
	v3 =	vadd.f32 $5.000000000e+01, v3;
	v2 =	vmin.f32 v2, $1.000000000e+02  }
0x84: {  	v7 =	vadd.f32 $5.000000000e+01, v26;
	v2 =	vmul.f32 $9.989999770e+00, v2;
	v22 =	vtrunc.f32 v1  }
0x85: {  	v5 =	vadd.f32 $5.000000000e+01, v30;
	v42 =	vadd.f32 $5.000000000e+01, v36;
	v4 =	vcvt.f32.s32 v22  }
0x86: {  	v20 =	vld [tilespmem:$0xD0];
	v8 =	vadd.f32 $5.000000000e+01, v43;
	v53 =	vadd.f32 $5.000000000e+01, v48;
	v24 =	vtrunc.f32 v2  }
0x87: {  	v59 =	vadd.f32 $5.000000000e+01, v54;
	v6 =	vcvt.f32.s32 v24;
	v23 =	vcvt.s32.f32 v4  }
0x88: {  	v3 =	vmax.f32 v3, $9.999999930e-09;
	v50 =	vmax.f32 v8, $9.999999930e-09;
	v22 =	vadd.f32 $5.000000000e+01, v16  }
0x89: {  	v25 =	vand.u32 $0x1, v4;
	v27 =	vcvt.s32.f32 v6;
	v1 =	vsub.f32 v1, v23  }
0x8a: {  	v3 =	vmin.f32 v3, $1.000000000e+02;
	vm5 =	veq.s32 v25, $0x1;
	v25 =	vmax.f32 v22, $9.999999930e-09  }
0x8b: {  	v2 =	vsub.f32 v2, v27;
	v27 =	vadd.f32 $5.000000000e+01, v20;
	vm6 =	veq.f32 v1, $5.000000000e-01  }
0x8c: {  	vm7 =	vgt.f32 v1, $5.000000000e-01;
	v1 =	vmul.f32 $9.989999770e+00, v3;
	v3 =	vand.u32 $0x1, v6  }
0x8d: {  	vm9 =	vgt.f32 v2, $5.000000000e-01;
	vm10 =	veq.f32 v2, $5.000000000e-01;
	v2 =	vmax.f32 v7, $9.999999930e-09  }
0x8e: {  	vm0 =	vmand vm6, vm5;
	vm8 =	veq.s32 v3, $0x1;
	v2 =	vmin.f32 v2, $1.000000000e+02  }
0x8f: {  	vm0 =	vmor vm7, vm0;
	v28 =	vtrunc.f32 v1;
	v2 =	vmul.f32 $9.989999770e+00, v2  }
0x90: {  	v29 =	vsel vm0, $0x1, v0;
	v3 =	vcvt.f32.s32 v28;
	vm0 =	vmand vm10, vm8  }
0x91: {  	v28 =	vld [tilespmem:$0x2D0];
	v4 =	vadd.s32 v4, v29;
	vm0 =	vmor vm9, vm0;
	v34 =	vtrunc.f32 v2  }
0x92: {  	v29 =	vmax.f32 v27, $9.999999930e-09;
	v31 =	vcvt.s32.f32 v3;
	v35 =	vcvt.f32.s32 v34  }
0x93: {  	v4 =	vmul.u32 $0x3E8, v4;
	v32 =	vsel vm0, $0x1, v0;
	v33 =	vand.u32 $0x1, v3  }
0x94: {  	vm11 =	veq.s32 v33, $0x1;
	v1 =	vsub.f32 v1, v31;
	v40 =	vand.u32 $0x1, v35  }
0x95: {  	v6 =	vadd.s32 v6, v32;
	v37 =	vcvt.s32.f32 v35;
	vm14 =	veq.s32 v40, $0x1  }
0x96: {  	v10 =	vadd.f32 $5.000000000e+01, v28;
	vm12 =	veq.f32 v1, $5.000000000e-01;
	vm13 =	vgt.f32 v1, $5.000000000e-01  }
0x97: {  	v1 =	vmax.f32 v5, $9.999999930e-09;
	v2 =	vsub.f32 v2, v37;
	vm0 =	vmand vm12, vm11  }
0x98: {  	v1 =	vmin.f32 v1, $1.000000000e+02;
	v10 =	vmax.f32 v10, $9.999999930e-09;
	vm0 =	vmor vm13, vm0  }
0x99: {  	v39 =	vmul.f32 $9.989999770e+00, v1;
	v1 =	vadd.s32 v4, v6;
	vm15 =	veq.f32 v2, $5.000000000e-01  }
0x9a: {  	v37 =	vld [tilespmem:$0xE0];
	vm4 =	vgt.f32 v2, $5.000000000e-01;
	v2 =	vmax.f32 v42, $9.999999930e-09;
	v4 =	vmax.f32 v59, $9.999999930e-09  }
0x9b: {  	v10 =	vmin.f32 v10, $1.000000000e+02;
	v38 =	vsel vm0, $0x1, v0;
	vm0 =	vmand vm15, vm14  }
0x9c: {  	v2 =	vmin.f32 v2, $1.000000000e+02;
	v4 =	vmin.f32 v4, $1.000000000e+02;
	v41 =	vtrunc.f32 v39  }
0x9d: {  	v3 =	vadd.s32 v3, v38;
	vm0 =	vmor vm4, vm0;
	v44 =	vcvt.f32.s32 v41  }
0x9e: {  	v46 =	vmul.f32 $9.989999770e+00, v2;
	v4 =	vmul.f32 $9.989999770e+00, v4;
	v3 =	vmul.u32 $0x3E8, v3  }
0x9f: {  	v45 =	vsel vm0, $0x1, v0;
	v42 =	vadd.f32 $5.000000000e+01, v37;
	v5 =	vcvt.s32.f32 v44  }
0xa0: {  	v6 =	vadd.s32 v35, v45;
	v49 =	vtrunc.f32 v46;
	v47 =	vand.u32 $0x1, v44  }
0xa1: {  	v17 =	vtrunc.f32 v4;
	vm5 =	veq.s32 v47, $0x1;
	v2 =	vsub.f32 v39, v5  }
0xa2: {  	v5 =	vcvt.f32.s32 v49;
	v39 =	vmul.f32 $9.989999770e+00, v10;
	v10 =	vmax.f32 v42, $9.999999930e-09  }
0xa3: {  	v10 =	vmin.f32 v10, $1.000000000e+02;
	vm6 =	veq.f32 v2, $5.000000000e-01;
	vm7 =	vgt.f32 v2, $5.000000000e-01  }
0xa4: {  	v2 =	vmin.f32 v50, $1.000000000e+02;
	v51 =	vcvt.s32.f32 v5;
	v57 =	vand.u32 $0x1, v5  }
0xa5: {  	v41 =	vtrunc.f32 v39;
	v10 =	vmul.f32 $9.989999770e+00, v10;
	vm0 =	vmand vm6, vm5  }
0xa6: {  	v52 =	vmul.f32 $9.989999770e+00, v2;
	v2 =	vadd.s32 v3, v6;
	v6 =	vmax.f32 v53, $9.999999930e-09  }
0xa7: {  	vm8 =	veq.s32 v57, $0x1;
	vm0 =	vmor vm7, vm0;
	v55 =	vsub.f32 v46, v51  }
0xa8: {  	v6 =	vmin.f32 v6, $1.000000000e+02;
	v49 =	vtrunc.f32 v10;
	v56 =	vtrunc.f32 v52  }
0xa9: {  	v3 =	vsel vm0, $0x1, v0;
	v6 =	vmul.f32 $9.989999770e+00, v6;
	v50 =	vcvt.f32.s32 v49  }
0xaa: {  	v51 =	vld [tilespmem:$0x2F0];
	v3 =	vadd.s32 v44, v3;
	v7 =	vcvt.f32.s32 v56;
	vm9 =	veq.f32 v55, $5.000000000e-01  }
0xab: {  	vm10 =	vgt.f32 v55, $5.000000000e-01;
	v3 =	vmul.u32 $0x3E8, v3;
	vm0 =	vmand vm9, vm8  }
0xac: {  	v60 =	vtrunc.f32 v6;
	v53 =	vcvt.s32.f32 v50;
	v54 =	vand.u32 $0x1, v50  }
0xad: {  	v58 =	vcvt.s32.f32 v7;
	vm0 =	vmor vm10, vm0;
	v61 =	vand.u32 $0x1, v7  }
0xae: {  	v9 =	vcvt.f32.s32 v60;
	v62 =	vsel vm0, $0x1, v0;
	v10 =	vsub.f32 v10, v53  }
0xaf: {  	vm11 =	veq.s32 v61, $0x1;
	v12 =	vadd.f32 $5.000000000e+01, v51;
	v8 =	vsub.f32 v52, v58  }
0xb0: {  	v63 =	vcvt.s32.f32 v9;
	v5 =	vadd.s32 v5, v62;
	v19 =	vand.u32 $0x1, v9  }
0xb1: {  	vm14 =	veq.s32 v19, $0x1;
	vm12 =	veq.f32 v8, $5.000000000e-01;
	vm13 =	vgt.f32 v8, $5.000000000e-01  }
0xb2: {  	v6 =	vsub.f32 v6, v63;
	v8 =	vcvt.f32.s32 v17;
	vm0 =	vmand vm12, vm11  }
0xb3: {  	v3 =	vadd.s32 v3, v5;
	v57 =	vmax.f32 v12, $9.999999930e-09;
	vm0 =	vmor vm13, vm0  }
0xb4: {  	vm15 =	vgt.f32 v6, $5.000000000e-01;
	vm4 =	veq.f32 v6, $5.000000000e-01;
	v21 =	vcvt.s32.f32 v8  }
0xb5: {  	v26 =	vand.u32 $0x1, v8;
	v6 =	vmin.f32 v25, $1.000000000e+02;
	v18 =	vsel vm0, $0x1, v0  }
0xb6: {  	vm0 =	vmand vm4, vm14;
	vm5 =	veq.s32 v26, $0x1;
	v6 =	vmul.f32 $9.989999770e+00, v6  }
0xb7: {  	v23 =	vadd.s32 v7, v18;
	vm0 =	vmor vm15, vm0;
	v4 =	vsub.f32 v4, v21  }
0xb8: {  	v24 =	vsel vm0, $0x1, v0;
	v30 =	vtrunc.f32 v6;
	v5 =	vmul.u32 $0x3E8, v23  }
0xb9: {  	vm6 =	veq.f32 v4, $5.000000000e-01;
	vm7 =	vgt.f32 v4, $5.000000000e-01;
	v4 =	vmin.f32 v29, $1.000000000e+02  }
0xba: {  	v11 =	vcvt.f32.s32 v30;
	v7 =	vadd.s32 v9, v24;
	v9 =	vcvt.f32.s32 v41  }
0xbb: {  	vm0 =	vmand vm6, vm5;
	v4 =	vmul.f32 $9.989999770e+00, v4;
	v5 =	vadd.s32 v5, v7  }
0xbc: {  	vm5 =	veq.s32 v54, $0x1;
	vm6 =	vgt.f32 v10, $5.000000000e-01;
	vm0 =	vmor vm7, vm0  }
0xbd: {  	v32 =	vcvt.s32.f32 v11;
	v36 =	vand.u32 $0x1, v11;
	v45 =	vcvt.s32.f32 v9  }
0xbe: {  	v47 =	vand.u32 $0x1, v9;
	vm7 =	veq.f32 v10, $5.000000000e-01;
	v33 =	vtrunc.f32 v4  }
0xbf: {  	v31 =	vsel vm0, $0x1, v0;
	v35 =	vcvt.f32.s32 v33;
	v6 =	vsub.f32 v6, v32  }
0xc0: {  	vm8 =	veq.s32 v36, $0x1;
	vm14 =	veq.s32 v47, $0x1;
	v8 =	vadd.s32 v8, v31  }
0xc1: {  	v44 =	vld [tilespmem:$0x2E0];
	v34 =	vmul.u32 $0x3E8, v8;
	v38 =	vcvt.s32.f32 v35;
	vm9 =	vgt.f32 v6, $5.000000000e-01  }
0xc2: {  	v48 =	vld [tilespmem:$0xF0];
	vm10 =	veq.f32 v6, $5.000000000e-01;
	v40 =	vand.u32 $0x1, v35;
	v6 =	vsub.f32 v39, v45  }
0xc3: {  	vm0 =	vmand vm10, vm8;
	vm11 =	veq.s32 v40, $0x1;
	v4 =	vsub.f32 v4, v38  }
0xc4: {  	vm0 =	vmor vm9, vm0;
	vm15 =	veq.f32 v6, $5.000000000e-01;
	vm4 =	vgt.f32 v6, $5.000000000e-01  }
0xc5: {  	v43 =	vsel vm0, $0x1, v0;
	vm12 =	veq.f32 v4, $5.000000000e-01;
	vm13 =	vgt.f32 v4, $5.000000000e-01  }
0xc6: {  	v11 =	vadd.s32 v11, v43;
	v4 =	vadd.f32 $5.000000000e+01, v44;
	vm1 =	vmand vm12, vm11  }
0xc7: {  	v7 =	vadd.s32 v34, v11;
	v11 =	vadd.f32 $5.000000000e+01, v48;
	vm0 =	vmor vm13, vm1  }
0xc8: {  	v4 =	vmax.f32 v4, $9.999999930e-09;
	v46 =	vsel vm0, $0x1, v0;
	vm0 =	vmand vm15, vm14  }
0xc9: {  	v4 =	vmin.f32 v4, $1.000000000e+02;
	v11 =	vmax.f32 v11, $9.999999930e-09;
	v8 =	vadd.s32 v35, v46  }
0xca: {  	vm0 =	vmor vm4, vm0;
	v4 =	vmul.f32 $9.989999770e+00, v4;
	v11 =	vmin.f32 v11, $1.000000000e+02  }
0xcb: {  	v8 =	vmul.u32 $0x3E8, v8;
	v52 =	vsel vm0, $0x1, v0;
	v56 =	vmul.f32 $9.989999770e+00, v11  }
0xcc: {  	vm0 =	vmand vm7, vm5;
	v11 =	vmin.f32 v57, $1.000000000e+02;
	v9 =	vadd.s32 v9, v52  }
0xcd: {  	v55 =	vtrunc.f32 v4;
	vm0 =	vmor vm6, vm0;
	v11 =	vmul.f32 $9.989999770e+00, v11  }
0xce: {  	v13 =	vcvt.f32.s32 v55;
	v59 =	vtrunc.f32 v56;
	v60 =	vsel vm0, $0x1, v0  }
0xcf: {  	v8 =	vadd.s32 v8, v9;
	v14 =	vcvt.f32.s32 v59;
	v6 =	vadd.s32 v50, v60  }
0xd0: {  	v61 =	vtrunc.f32 v11;
	v58 =	vcvt.s32.f32 v13;
	v62 =	vand.u32 $0x1, v13  }
0xd1: {  	v9 =	vcvt.f32.s32 v61;
	v6 =	vmul.u32 $0x3E8, v6;
	v63 =	vcvt.s32.f32 v14  }
0xd2: {  	vm8 =	veq.s32 v62, $0x1;
	v18 =	vand.u32 $0x1, v14;
	v4 =	vsub.f32 v4, v58  }
0xd3: {  	[tilespmem:$0x480] =	vst v1;
	v17 =	vcvt.s32.f32 v9;
	v1 =	vand.u32 $0x1, v9;
	v16 =	vsub.f32 v56, v63  }
0xd4: {  	vm11 =	veq.s32 v18, $0x1;
	vm14 =	veq.s32 v1, $0x1;
	vm9 =	vgt.f32 v4, $5.000000000e-01  }
0xd5: {  	vm10 =	veq.f32 v4, $5.000000000e-01;
	v10 =	vsub.f32 v11, v17;
	vm12 =	veq.f32 v16, $5.000000000e-01  }
0xd6: {  	vm0 =	vmand vm10, vm8;
	vm13 =	vgt.f32 v16, $5.000000000e-01;
	vm1 =	vmand vm12, vm11  }
0xd7: {  	[tilespmem:$0x490] =	vst v2;
	vm0 =	vmor vm9, vm0;
	vm15 =	veq.f32 v10, $5.000000000e-01;
	vm1 =	vmor vm13, vm1  }
0xd8: {  	[tilespmem:$0x4A0] =	vst v3;
	vm6 =	vgt.f32 v10, $5.000000000e-01;
	vm2 =	vmand vm15, vm14;
	v1 =	vsel vm1, $0x1, v0  }
0xd9: {  	[tilespmem:$0x4B0] =	vst v5;
	v2 =	vsel vm0, $0x1, v0;
	vm7 =	vmor vm6, vm2;
	v1 =	vadd.s32 v14, v1  }
0xda: {  	[tilespmem:$0x4C0] =	vst v7;
	v2 =	vadd.s32 v13, v2;
	v3 =	vsel vm7, $0x1, v0;
	v1 =	vmul.u32 $0x3E8, v1  }
0xdb: {  	[tilespmem:$0x4D0] =	vst v8;
	v2 =	vadd.s32 v6, v2;
	v3 =	vadd.s32 v9, v3  }
0xdc: {  	[tilespmem:$0x4E0] =	vst v2;
	v1 =	vadd.s32 v1, v3  }
0xdd: {  	[tilespmem:$0x4F0] =	vst v1  }
0xde: {  	[tilespmem:s14], [sflag:$0x1] =	stream.indirect.gather [hbm4b:s3+s10], $0x20, s13, s10, $0xb8;
	[tilespmem:$0x4600] =	vst v63  }
0xdf: {  	v1 =	vld [tilespmem:$0x100];
	_ =	sdelay $0x1  }
0xe0: {  	v2 =	vld [tilespmem:$0x300]  }
0xe1: {  	v3 =	vld [tilespmem:$0x110]  }
0xe2: {  	v23 =	vld [tilespmem:$0x310]  }
0xe3: {  	v27 =	vld [tilespmem:$0x120];
	v1 =	vadd.f32 $5.000000000e+01, v1  }
0xe4: {  	v33 =	vld [tilespmem:$0x320]  }
0xe5: {  	v40 =	vld [tilespmem:$0x130];
	v2 =	vadd.f32 $5.000000000e+01, v2;
	v1 =	vmax.f32 v1, $9.999999930e-09  }
0xe6: {  	v45 =	vld [tilespmem:$0x330];
	v1 =	vmin.f32 v1, $1.000000000e+02  }
0xe7: {  	v51 =	vld [tilespmem:$0x140];
	v2 =	vmax.f32 v2, $9.999999930e-09;
	v1 =	vmul.f32 $9.989999770e+00, v1  }
0xe8: {  	v61 =	vld [tilespmem:$0x340];
	v3 =	vadd.f32 $5.000000000e+01, v3;
	v2 =	vmin.f32 v2, $1.000000000e+02  }
0xe9: {  	v7 =	vadd.f32 $5.000000000e+01, v23;
	v2 =	vmul.f32 $9.989999770e+00, v2;
	v19 =	vtrunc.f32 v1  }
0xea: {  	v5 =	vadd.f32 $5.000000000e+01, v27;
	v39 =	vadd.f32 $5.000000000e+01, v33;
	v4 =	vcvt.f32.s32 v19  }
0xeb: {  	v17 =	vld [tilespmem:$0x150];
	v8 =	vadd.f32 $5.000000000e+01, v40;
	v50 =	vadd.f32 $5.000000000e+01, v45;
	v21 =	vtrunc.f32 v2  }
0xec: {  	v56 =	vadd.f32 $5.000000000e+01, v51;
	v6 =	vcvt.f32.s32 v21;
	v20 =	vcvt.s32.f32 v4  }
0xed: {  	v3 =	vmax.f32 v3, $9.999999930e-09;
	v47 =	vmax.f32 v8, $9.999999930e-09;
	v19 =	vadd.f32 $5.000000000e+01, v61  }
0xee: {  	v22 =	vand.u32 $0x1, v4;
	v24 =	vcvt.s32.f32 v6;
	v1 =	vsub.f32 v1, v20  }
0xef: {  	v3 =	vmin.f32 v3, $1.000000000e+02;
	vm8 =	veq.s32 v22, $0x1;
	v22 =	vmax.f32 v19, $9.999999930e-09  }
0xf0: {  	v2 =	vsub.f32 v2, v24;
	v24 =	vadd.f32 $5.000000000e+01, v17;
	vm9 =	veq.f32 v1, $5.000000000e-01  }
0xf1: {  	vm10 =	vgt.f32 v1, $5.000000000e-01;
	v1 =	vmul.f32 $9.989999770e+00, v3;
	v3 =	vand.u32 $0x1, v6  }
0xf2: {  	vm12 =	vgt.f32 v2, $5.000000000e-01;
	vm13 =	veq.f32 v2, $5.000000000e-01;
	v2 =	vmax.f32 v7, $9.999999930e-09  }
0xf3: {  	vm0 =	vmand vm9, vm8;
	vm11 =	veq.s32 v3, $0x1;
	v2 =	vmin.f32 v2, $1.000000000e+02  }
0xf4: {  	vm0 =	vmor vm10, vm0;
	v25 =	vtrunc.f32 v1;
	v2 =	vmul.f32 $9.989999770e+00, v2  }
0xf5: {  	v26 =	vsel vm0, $0x1, v0;
	v3 =	vcvt.f32.s32 v25;
	vm0 =	vmand vm13, vm11  }
0xf6: {  	v25 =	vld [tilespmem:$0x350];
	v4 =	vadd.s32 v4, v26;
	vm0 =	vmor vm12, vm0;
	v31 =	vtrunc.f32 v2  }
0xf7: {  	v26 =	vmax.f32 v24, $9.999999930e-09;
	v28 =	vcvt.s32.f32 v3;
	v32 =	vcvt.f32.s32 v31  }
0xf8: {  	v4 =	vmul.u32 $0x3E8, v4;
	v29 =	vsel vm0, $0x1, v0;
	v30 =	vand.u32 $0x1, v3  }
0xf9: {  	vm14 =	veq.s32 v30, $0x1;
	v1 =	vsub.f32 v1, v28;
	v37 =	vand.u32 $0x1, v32  }
0xfa: {  	v6 =	vadd.s32 v6, v29;
	v34 =	vcvt.s32.f32 v32;
	vm5 =	veq.s32 v37, $0x1  }
0xfb: {  	v10 =	vadd.f32 $5.000000000e+01, v25;
	vm15 =	veq.f32 v1, $5.000000000e-01;
	vm4 =	vgt.f32 v1, $5.000000000e-01  }
0xfc: {  	v1 =	vmax.f32 v5, $9.999999930e-09;
	v2 =	vsub.f32 v2, v34;
	vm0 =	vmand vm15, vm14  }
0xfd: {  	v1 =	vmin.f32 v1, $1.000000000e+02;
	v10 =	vmax.f32 v10, $9.999999930e-09;
	vm0 =	vmor vm4, vm0  }
0xfe: {  	v36 =	vmul.f32 $9.989999770e+00, v1;
	v1 =	vadd.s32 v4, v6;
	vm6 =	veq.f32 v2, $5.000000000e-01  }
0xff: {  	v34 =	vld [tilespmem:$0x160];
	vm7 =	vgt.f32 v2, $5.000000000e-01;
	v2 =	vmax.f32 v39, $9.999999930e-09;
	v4 =	vmax.f32 v56, $9.999999930e-09  }
0x100: {  	v10 =	vmin.f32 v10, $1.000000000e+02;
	v35 =	vsel vm0, $0x1, v0;
	vm0 =	vmand vm6, vm5  }
0x101: {  	v2 =	vmin.f32 v2, $1.000000000e+02;
	v4 =	vmin.f32 v4, $1.000000000e+02;
	v38 =	vtrunc.f32 v36  }
0x102: {  	v3 =	vadd.s32 v3, v35;
	vm0 =	vmor vm7, vm0;
	v41 =	vcvt.f32.s32 v38  }
0x103: {  	v43 =	vmul.f32 $9.989999770e+00, v2;
	v4 =	vmul.f32 $9.989999770e+00, v4;
	v3 =	vmul.u32 $0x3E8, v3  }
0x104: {  	v42 =	vsel vm0, $0x1, v0;
	v39 =	vadd.f32 $5.000000000e+01, v34;
	v5 =	vcvt.s32.f32 v41  }
0x105: {  	v6 =	vadd.s32 v32, v42;
	v46 =	vtrunc.f32 v43;
	v44 =	vand.u32 $0x1, v41  }
0x106: {  	v62 =	vtrunc.f32 v4;
	vm8 =	veq.s32 v44, $0x1;
	v2 =	vsub.f32 v36, v5  }
0x107: {  	v5 =	vcvt.f32.s32 v46;
	v36 =	vmul.f32 $9.989999770e+00, v10;
	v10 =	vmax.f32 v39, $9.999999930e-09  }
0x108: {  	v10 =	vmin.f32 v10, $1.000000000e+02;
	vm9 =	veq.f32 v2, $5.000000000e-01;
	vm10 =	vgt.f32 v2, $5.000000000e-01  }
0x109: {  	v2 =	vmin.f32 v47, $1.000000000e+02;
	v48 =	vcvt.s32.f32 v5;
	v54 =	vand.u32 $0x1, v5  }
0x10a: {  	v38 =	vtrunc.f32 v36;
	v10 =	vmul.f32 $9.989999770e+00, v10;
	vm0 =	vmand vm9, vm8  }
0x10b: {  	v49 =	vmul.f32 $9.989999770e+00, v2;
	v2 =	vadd.s32 v3, v6;
	v6 =	vmax.f32 v50, $9.999999930e-09  }
0x10c: {  	vm11 =	veq.s32 v54, $0x1;
	vm0 =	vmor vm10, vm0;
	v52 =	vsub.f32 v43, v48  }
0x10d: {  	v6 =	vmin.f32 v6, $1.000000000e+02;
	v46 =	vtrunc.f32 v10;
	v53 =	vtrunc.f32 v49  }
0x10e: {  	v3 =	vsel vm0, $0x1, v0;
	v6 =	vmul.f32 $9.989999770e+00, v6;
	v47 =	vcvt.f32.s32 v46  }
0x10f: {  	v48 =	vld [tilespmem:$0x370];
	v3 =	vadd.s32 v41, v3;
	v7 =	vcvt.f32.s32 v53;
	vm12 =	veq.f32 v52, $5.000000000e-01  }
0x110: {  	vm13 =	vgt.f32 v52, $5.000000000e-01;
	v3 =	vmul.u32 $0x3E8, v3;
	vm0 =	vmand vm12, vm11  }
0x111: {  	v57 =	vtrunc.f32 v6;
	v50 =	vcvt.s32.f32 v47;
	v51 =	vand.u32 $0x1, v47  }
0x112: {  	v55 =	vcvt.s32.f32 v7;
	vm0 =	vmor vm13, vm0;
	v58 =	vand.u32 $0x1, v7  }
0x113: {  	v9 =	vcvt.f32.s32 v57;
	v59 =	vsel vm0, $0x1, v0;
	v10 =	vsub.f32 v10, v50  }
0x114: {  	vm14 =	veq.s32 v58, $0x1;
	v12 =	vadd.f32 $5.000000000e+01, v48;
	v8 =	vsub.f32 v49, v55  }
0x115: {  	v60 =	vcvt.s32.f32 v9;
	v5 =	vadd.s32 v5, v59;
	v16 =	vand.u32 $0x1, v9  }
0x116: {  	vm5 =	veq.s32 v16, $0x1;
	vm15 =	veq.f32 v8, $5.000000000e-01;
	vm4 =	vgt.f32 v8, $5.000000000e-01  }
0x117: {  	v6 =	vsub.f32 v6, v60;
	v8 =	vcvt.f32.s32 v62;
	vm0 =	vmand vm15, vm14  }
0x118: {  	v3 =	vadd.s32 v3, v5;
	v54 =	vmax.f32 v12, $9.999999930e-09;
	vm0 =	vmor vm4, vm0  }
0x119: {  	vm6 =	vgt.f32 v6, $5.000000000e-01;
	vm7 =	veq.f32 v6, $5.000000000e-01;
	v18 =	vcvt.s32.f32 v8  }
0x11a: {  	v23 =	vand.u32 $0x1, v8;
	v6 =	vmin.f32 v22, $1.000000000e+02;
	v63 =	vsel vm0, $0x1, v0  }
0x11b: {  	vm0 =	vmand vm7, vm5;
	vm8 =	veq.s32 v23, $0x1;
	v6 =	vmul.f32 $9.989999770e+00, v6  }
0x11c: {  	v20 =	vadd.s32 v7, v63;
	vm0 =	vmor vm6, vm0;
	v4 =	vsub.f32 v4, v18  }
0x11d: {  	v21 =	vsel vm0, $0x1, v0;
	v27 =	vtrunc.f32 v6;
	v5 =	vmul.u32 $0x3E8, v20  }
0x11e: {  	vm9 =	veq.f32 v4, $5.000000000e-01;
	vm10 =	vgt.f32 v4, $5.000000000e-01;
	v4 =	vmin.f32 v26, $1.000000000e+02  }
0x11f: {  	v11 =	vcvt.f32.s32 v27;
	v7 =	vadd.s32 v9, v21;
	v9 =	vcvt.f32.s32 v38  }
0x120: {  	vm0 =	vmand vm9, vm8;
	v4 =	vmul.f32 $9.989999770e+00, v4;
	v5 =	vadd.s32 v5, v7  }
0x121: {  	vm8 =	veq.s32 v51, $0x1;
	vm9 =	vgt.f32 v10, $5.000000000e-01;
	vm0 =	vmor vm10, vm0  }
0x122: {  	v29 =	vcvt.s32.f32 v11;
	v33 =	vand.u32 $0x1, v11;
	v42 =	vcvt.s32.f32 v9  }
0x123: {  	v44 =	vand.u32 $0x1, v9;
	vm10 =	veq.f32 v10, $5.000000000e-01;
	v30 =	vtrunc.f32 v4  }
0x124: {  	v28 =	vsel vm0, $0x1, v0;
	v32 =	vcvt.f32.s32 v30;
	v6 =	vsub.f32 v6, v29  }
0x125: {  	vm11 =	veq.s32 v33, $0x1;
	vm5 =	veq.s32 v44, $0x1;
	v8 =	vadd.s32 v8, v28  }
0x126: {  	v41 =	vld [tilespmem:$0x360];
	v31 =	vmul.u32 $0x3E8, v8;
	v35 =	vcvt.s32.f32 v32;
	vm12 =	vgt.f32 v6, $5.000000000e-01  }
0x127: {  	v45 =	vld [tilespmem:$0x170];
	vm13 =	veq.f32 v6, $5.000000000e-01;
	v37 =	vand.u32 $0x1, v32;
	v6 =	vsub.f32 v36, v42  }
0x128: {  	vm0 =	vmand vm13, vm11;
	vm14 =	veq.s32 v37, $0x1;
	v4 =	vsub.f32 v4, v35  }
0x129: {  	vm0 =	vmor vm12, vm0;
	vm6 =	veq.f32 v6, $5.000000000e-01;
	vm7 =	vgt.f32 v6, $5.000000000e-01  }
0x12a: {  	v40 =	vsel vm0, $0x1, v0;
	vm15 =	veq.f32 v4, $5.000000000e-01;
	vm4 =	vgt.f32 v4, $5.000000000e-01  }
0x12b: {  	v11 =	vadd.s32 v11, v40;
	v4 =	vadd.f32 $5.000000000e+01, v41;
	vm1 =	vmand vm15, vm14  }
0x12c: {  	v7 =	vadd.s32 v31, v11;
	v11 =	vadd.f32 $5.000000000e+01, v45;
	vm0 =	vmor vm4, vm1  }
0x12d: {  	v4 =	vmax.f32 v4, $9.999999930e-09;
	v43 =	vsel vm0, $0x1, v0;
	vm0 =	vmand vm6, vm5  }
0x12e: {  	v4 =	vmin.f32 v4, $1.000000000e+02;
	v11 =	vmax.f32 v11, $9.999999930e-09;
	v8 =	vadd.s32 v32, v43  }
0x12f: {  	vm0 =	vmor vm7, vm0;
	v4 =	vmul.f32 $9.989999770e+00, v4;
	v11 =	vmin.f32 v11, $1.000000000e+02  }
0x130: {  	v8 =	vmul.u32 $0x3E8, v8;
	v49 =	vsel vm0, $0x1, v0;
	v53 =	vmul.f32 $9.989999770e+00, v11  }
0x131: {  	vm0 =	vmand vm10, vm8;
	v11 =	vmin.f32 v54, $1.000000000e+02;
	v9 =	vadd.s32 v9, v49  }
0x132: {  	v52 =	vtrunc.f32 v4;
	vm0 =	vmor vm9, vm0;
	v11 =	vmul.f32 $9.989999770e+00, v11  }
0x133: {  	v13 =	vcvt.f32.s32 v52;
	v56 =	vtrunc.f32 v53;
	v57 =	vsel vm0, $0x1, v0  }
0x134: {  	v8 =	vadd.s32 v8, v9;
	v14 =	vcvt.f32.s32 v56;
	v6 =	vadd.s32 v47, v57  }
0x135: {  	v58 =	vtrunc.f32 v11;
	v55 =	vcvt.s32.f32 v13;
	v59 =	vand.u32 $0x1, v13  }
0x136: {  	v9 =	vcvt.f32.s32 v58;
	v6 =	vmul.u32 $0x3E8, v6;
	v60 =	vcvt.s32.f32 v14  }
0x137: {  	vm11 =	veq.s32 v59, $0x1;
	v63 =	vand.u32 $0x1, v14;
	v4 =	vsub.f32 v4, v55  }
0x138: {  	[tilespmem:$0x500] =	vst v1;
	v62 =	vcvt.s32.f32 v9;
	v1 =	vand.u32 $0x1, v9;
	v61 =	vsub.f32 v53, v60  }
0x139: {  	vm14 =	veq.s32 v63, $0x1;
	vm7 =	veq.s32 v1, $0x1;
	vm12 =	vgt.f32 v4, $5.000000000e-01  }
0x13a: {  	vm13 =	veq.f32 v4, $5.000000000e-01;
	v10 =	vsub.f32 v11, v62;
	vm15 =	veq.f32 v61, $5.000000000e-01  }
0x13b: {  	vm0 =	vmand vm13, vm11;
	vm6 =	vgt.f32 v61, $5.000000000e-01;
	vm1 =	vmand vm15, vm14  }
0x13c: {  	[tilespmem:$0x510] =	vst v2;
	vm0 =	vmor vm12, vm0;
	vm8 =	veq.f32 v10, $5.000000000e-01;
	vm1 =	vmor vm6, vm1  }
0x13d: {  	[tilespmem:$0x520] =	vst v3;
	vm9 =	vgt.f32 v10, $5.000000000e-01;
	vm2 =	vmand vm8, vm7;
	v1 =	vsel vm1, $0x1, v0  }
0x13e: {  	[tilespmem:$0x530] =	vst v5;
	v2 =	vsel vm0, $0x1, v0;
	vm10 =	vmor vm9, vm2;
	v1 =	vadd.s32 v14, v1  }
0x13f: {  	[tilespmem:$0x540] =	vst v7;
	v2 =	vadd.s32 v13, v2;
	v3 =	vsel vm10, $0x1, v0;
	v1 =	vmul.u32 $0x3E8, v1  }
0x140: {  	[tilespmem:$0x550] =	vst v8;
	v2 =	vadd.s32 v6, v2;
	v3 =	vadd.s32 v9, v3  }
0x141: {  	[tilespmem:$0x560] =	vst v2;
	v1 =	vadd.s32 v1, v3  }
0x142: {  	[tilespmem:$0x570] =	vst v1  }
0x143: {  	[tilespmem:s16], [sflag:$0x1] =	stream.indirect.gather [hbm4b:s3+s10], $0x20, s15, s10, $0xb8;
	[tilespmem:$0x4600] =	vst v63  }
0x144: {  	v1 =	vld [tilespmem:$0x180]  }
0x145: {  	v19 =	vld [tilespmem:$0x390]  }
0x146: {  	v24 =	vld [tilespmem:$0x1A0]  }
0x147: {  	v30 =	vld [tilespmem:$0x3A0]  }
0x148: {  	v36 =	vld [tilespmem:$0x1B0]  }
0x149: {  	v39 =	vld [tilespmem:$0x3B0];
	_ =	sdelay $0x1  }
0x14a: {  	v2 =	vld [tilespmem:$0x380];
	v1 =	vadd.f32 $5.000000000e+01, v1  }
0x14b: {  	v60 =	vld [tilespmem:$0x3D0];
	v25 =	vadd.f32 $5.000000000e+01, v19;
	v29 =	vadd.f32 $5.000000000e+01, v24  }
0x14c: {  	v9 =	vadd.f32 $5.000000000e+01, v30;
	v41 =	vadd.f32 $5.000000000e+01, v36;
	v24 =	vld [tilespmem:$0x1E0]  }
0x14d: {  	v46 =	vadd.f32 $5.000000000e+01, v39;
	v1 =	vmax.f32 v1, $9.999999930e-09;
	v32 =	vmax.f32 v29, $9.999999930e-09  }
0x14e: {  	v47 =	vld [tilespmem:$0x1C0];
	v9 =	vmax.f32 v9, $9.999999930e-09;
	v1 =	vmin.f32 v1, $1.000000000e+02;
	v10 =	vmin.f32 v32, $1.000000000e+02  }
0x14f: {  	v9 =	vmin.f32 v9, $1.000000000e+02;
	v3 =	vmul.f32 $9.989999770e+00, v1;
	v10 =	vmul.f32 $9.989999770e+00, v10  }
0x150: {  	v63 =	vadd.f32 $5.000000000e+01, v60;
	v1 =	vadd.f32 $5.000000000e+01, v2;
	v2 =	vld [tilespmem:$0x190];
	v38 =	vmul.f32 $9.989999770e+00, v9  }
0x151: {  	v24 =	vadd.f32 $5.000000000e+01, v24;
	v14 =	vtrunc.f32 v3;
	v35 =	vtrunc.f32 v10  }
0x152: {  	v15 =	vmax.f32 v1, $9.999999930e-09;
	v42 =	vtrunc.f32 v38;
	v1 =	vcvt.f32.s32 v14  }
0x153: {  	v16 =	vmin.f32 v15, $1.000000000e+02;
	v7 =	vcvt.f32.s32 v35;
	v15 =	vadd.f32 $5.000000000e+01, v47  }
0x154: {  	v24 =	vmax.f32 v24, $9.999999930e-09;
	v4 =	vmul.f32 $9.989999770e+00, v16;
	v16 =	vmax.f32 v46, $9.999999930e-09  }
0x155: {  	v24 =	vmin.f32 v24, $1.000000000e+02;
	v17 =	vcvt.s32.f32 v1;
	v20 =	vadd.f32 $5.000000000e+01, v2  }
0x156: {  	v55 =	vld [tilespmem:$0x1D0];
	v21 =	vand.u32 $0x1, v1;
	v11 =	vcvt.s32.f32 v7;
	v40 =	vand.u32 $0x1, v7  }
0x157: {  	v16 =	vmin.f32 v16, $1.000000000e+02;
	v15 =	vmax.f32 v15, $9.999999930e-09;
	v24 =	vmul.f32 $9.989999770e+00, v24  }
0x158: {  	v18 =	vtrunc.f32 v4;
	vm11 =	veq.s32 v21, $0x1;
	v16 =	vmul.f32 $9.989999770e+00, v16  }
0x159: {  	v15 =	vmin.f32 v15, $1.000000000e+02;
	v3 =	vsub.f32 v3, v17;
	v2 =	vcvt.f32.s32 v18  }
0x15a: {  	v22 =	vmax.f32 v20, $9.999999930e-09;
	v10 =	vsub.f32 v10, v11;
	v11 =	vmax.f32 v41, $9.999999930e-09  }
0x15b: {  	v54 =	vmul.f32 $9.989999770e+00, v15;
	v15 =	vadd.f32 $5.000000000e+01, v55;
	v35 =	vtrunc.f32 v24  }
0x15c: {  	v5 =	vmin.f32 v22, $1.000000000e+02;
	v43 =	vmin.f32 v11, $1.000000000e+02;
	v51 =	vtrunc.f32 v16  }
0x15d: {  	vm12 =	veq.f32 v3, $5.000000000e-01;
	v6 =	vcvt.s32.f32 v2;
	vm13 =	vgt.f32 v3, $5.000000000e-01  }
0x15e: {  	v23 =	vmul.f32 $9.989999770e+00, v5;
	v3 =	vand.u32 $0x1, v2;
	vm4 =	vgt.f32 v10, $5.000000000e-01  }
0x15f: {  	v45 =	vmul.f32 $9.989999770e+00, v43;
	v20 =	vtrunc.f32 v54;
	v15 =	vmax.f32 v15, $9.999999930e-09  }
0x160: {  	vm0 =	vmand vm12, vm11;
	vm14 =	veq.s32 v3, $0x1;
	v57 =	vcvt.f32.s32 v20  }
0x161: {  	v15 =	vmin.f32 v15, $1.000000000e+02;
	v4 =	vsub.f32 v4, v6;
	vm0 =	vmor vm13, vm0  }
0x162: {  	v3 =	vtrunc.f32 v23;
	v6 =	vmax.f32 v25, $9.999999930e-09;
	v48 =	vtrunc.f32 v45  }
0x163: {  	v43 =	vld [tilespmem:$0x3F0];
	v15 =	vmul.f32 $9.989999770e+00, v15;
	v3 =	vcvt.f32.s32 v3;
	v26 =	vmin.f32 v6, $1.000000000e+02  }
0x164: {  	v5 =	vsel vm0, $0x1, v0;
	v59 =	vcvt.s32.f32 v57;
	v61 =	vand.u32 $0x1, v57  }
0x165: {  	vm15 =	veq.f32 v4, $5.000000000e-01;
	vm6 =	vgt.f32 v4, $5.000000000e-01;
	v28 =	vmul.f32 $9.989999770e+00, v26  }
0x166: {  	v29 =	vtrunc.f32 v15;
	v1 =	vadd.s32 v1, v5;
	vm1 =	vmand vm15, vm14  }
0x167: {  	v27 =	vcvt.s32.f32 v3;
	v33 =	vand.u32 $0x1, v3;
	vm14 =	veq.s32 v40, $0x1  }
0x168: {  	vm15 =	veq.f32 v10, $5.000000000e-01;
	v10 =	vcvt.f32.s32 v48;
	v47 =	vadd.f32 $5.000000000e+01, v43  }
0x169: {  	v1 =	vmul.u32 $0x3E8, v1;
	vm7 =	vmor vm6, vm1;
	v31 =	vtrunc.f32 v28  }
0x16a: {  	vm8 =	veq.s32 v33, $0x1;
	vm2 =	vmand vm15, vm14;
	v8 =	vsub.f32 v23, v27  }
0x16b: {  	v4 =	vcvt.f32.s32 v31;
	v6 =	vsel vm7, $0x1, v0;
	vm5 =	vmor vm4, vm2  }
0x16c: {  	v50 =	vcvt.s32.f32 v10;
	v18 =	vand.u32 $0x1, v10;
	v49 =	vsel vm5, $0x1, v0  }
0x16d: {  	vm5 =	veq.s32 v61, $0x1;
	v2 =	vadd.s32 v2, v6;
	vm9 =	vgt.f32 v8, $5.000000000e-01  }
0x16e: {  	v27 =	vld [tilespmem:$0x1F0];
	vm10 =	veq.f32 v8, $5.000000000e-01;
	v34 =	vcvt.s32.f32 v4;
	v37 =	vand.u32 $0x1, v4  }
0x16f: {  	v14 =	vsub.f32 v45, v50;
	v48 =	vadd.s32 v7, v49;
	v49 =	vmax.f32 v47, $9.999999930e-09  }
0x170: {  	v1 =	vadd.s32 v1, v2;
	vm0 =	vmand vm10, vm8;
	vm11 =	veq.s32 v37, $0x1  }
0x171: {  	v5 =	vmul.u32 $0x3E8, v48;
	v6 =	vmin.f32 v49, $1.000000000e+02;
	v8 =	vsub.f32 v28, v34  }
0x172: {  	vm0 =	vmor vm9, vm0;
	vm9 =	veq.s32 v18, $0x1;
	vm10 =	veq.f32 v14, $5.000000000e-01  }
0x173: {  	v52 =	vld [tilespmem:$0x3C0];
	v6 =	vmul.f32 $9.989999770e+00, v6;
	v11 =	vsel vm0, $0x1, v0;
	v36 =	vadd.f32 $5.000000000e+01, v27  }
0x174: {  	vm12 =	veq.f32 v8, $5.000000000e-01;
	vm13 =	vgt.f32 v8, $5.000000000e-01;
	v8 =	vcvt.f32.s32 v42  }
0x175: {  	v3 =	vadd.s32 v3, v11;
	vm1 =	vmand vm12, vm11;
	vm11 =	vgt.f32 v14, $5.000000000e-01  }
0x176: {  	v14 =	vsub.f32 v54, v59;
	v3 =	vmul.u32 $0x3E8, v3;
	vm1 =	vmor vm13, vm1  }
0x177: {  	v44 =	vcvt.s32.f32 v8;
	v17 =	vand.u32 $0x1, v8;
	v9 =	vsel vm1, $0x1, v0  }
0x178: {  	vm6 =	veq.s32 v17, $0x1;
	vm1 =	vmand vm10, vm9;
	v17 =	vadd.f32 $5.000000000e+01, v52  }
0x179: {  	v12 =	vsub.f32 v38, v44;
	vm12 =	vmor vm11, vm1;
	v4 =	vadd.s32 v4, v9  }
0x17a: {  	v58 =	vmax.f32 v17, $9.999999930e-09;
	v21 =	vsel vm12, $0x1, v0;
	v2 =	vadd.s32 v3, v4  }
0x17b: {  	vm7 =	vgt.f32 v12, $5.000000000e-01;
	vm8 =	veq.f32 v12, $5.000000000e-01;
	v12 =	vcvt.f32.s32 v51  }
0x17c: {  	v51 =	vadd.s32 v10, v21;
	vm0 =	vmand vm8, vm6;
	vm6 =	vgt.f32 v14, $5.000000000e-01  }
0x17d: {  	v4 =	vmul.u32 $0x3E8, v51;
	vm0 =	vmor vm7, vm0;
	v53 =	vcvt.s32.f32 v12  }
0x17e: {  	v56 =	vand.u32 $0x1, v12;
	vm7 =	veq.f32 v14, $5.000000000e-01;
	v14 =	vmax.f32 v63, $9.999999930e-09  }
0x17f: {  	v19 =	vsel vm0, $0x1, v0;
	vm13 =	veq.s32 v56, $0x1;
	vm0 =	vmand vm7, vm5  }
0x180: {  	v14 =	vmin.f32 v14, $1.000000000e+02;
	v16 =	vsub.f32 v16, v53;
	vm0 =	vmor vm6, vm0  }
0x181: {  	v14 =	vmul.f32 $9.989999770e+00, v14;
	v50 =	vadd.s32 v8, v19;
	v53 =	vtrunc.f32 v6  }
0x182: {  	v25 =	vsel vm0, $0x1, v0;
	v3 =	vadd.s32 v5, v50;
	v7 =	vcvt.f32.s32 v53  }
0x183: {  	vm14 =	veq.f32 v16, $5.000000000e-01;
	vm15 =	vgt.f32 v16, $5.000000000e-01;
	v16 =	vmin.f32 v58, $1.000000000e+02  }
0x184: {  	v32 =	vtrunc.f32 v14;
	v54 =	vadd.s32 v57, v25;
	v16 =	vmul.f32 $9.989999770e+00, v16  }
0x185: {  	vm1 =	vmand vm14, vm13;
	v20 =	vcvt.f32.s32 v32;
	v8 =	vmul.u32 $0x3E8, v54  }
0x186: {  	v58 =	vcvt.s32.f32 v7;
	vm4 =	vmor vm15, vm1;
	v23 =	vtrunc.f32 v16  }
0x187: {  	v22 =	vsel vm4, $0x1, v0;
	v34 =	vcvt.s32.f32 v20;
	v62 =	vcvt.f32.s32 v23  }
0x188: {  	v37 =	vand.u32 $0x1, v20;
	v6 =	vsub.f32 v6, v58;
	v23 =	vcvt.f32.s32 v29  }
0x189: {  	vm15 =	veq.s32 v37, $0x1;
	v52 =	vadd.s32 v12, v22;
	v28 =	vcvt.s32.f32 v62  }
0x18a: {  	v31 =	vld [tilespmem:$0x3E0];
	v14 =	vsub.f32 v14, v34;
	v4 =	vadd.s32 v4, v52;
	v26 =	vcvt.s32.f32 v23  }
0x18b: {  	v30 =	vand.u32 $0x1, v62;
	v33 =	vand.u32 $0x1, v23;
	v16 =	vsub.f32 v16, v28  }
0x18c: {  	vm8 =	veq.s32 v30, $0x1;
	v15 =	vsub.f32 v15, v26;
	v26 =	vmax.f32 v36, $9.999999930e-09  }
0x18d: {  	vm11 =	veq.s32 v33, $0x1;
	v26 =	vmin.f32 v26, $1.000000000e+02;
	vm9 =	vgt.f32 v16, $5.000000000e-01  }
0x18e: {  	vm10 =	veq.f32 v16, $5.000000000e-01;
	vm12 =	vgt.f32 v15, $5.000000000e-01;
	vm13 =	veq.f32 v15, $5.000000000e-01  }
0x18f: {  	v16 =	vadd.f32 $5.000000000e+01, v31;
	v15 =	vcvt.f32.s32 v35;
	v26 =	vmul.f32 $9.989999770e+00, v26  }
0x190: {  	vm0 =	vmand vm10, vm8;
	vm2 =	vmand vm13, vm11;
	vm8 =	vgt.f32 v14, $5.000000000e-01  }
0x191: {  	vm1 =	vmor vm9, vm0;
	vm14 =	vmor vm12, vm2;
	v16 =	vmax.f32 v16, $9.999999930e-09  }
0x192: {  	v38 =	vcvt.s32.f32 v15;
	vm9 =	veq.f32 v14, $5.000000000e-01;
	v40 =	vand.u32 $0x1, v15  }
0x193: {  	v41 =	vtrunc.f32 v26;
	v16 =	vmin.f32 v16, $1.000000000e+02;
	vm2 =	vmand vm9, vm15  }
0x194: {  	vm10 =	veq.s32 v40, $0x1;
	v27 =	vcvt.f32.s32 v41;
	v30 =	vsel vm1, $0x1, v0  }
0x195: {  	v44 =	vsel vm14, $0x1, v0;
	v16 =	vmul.f32 $9.989999770e+00, v16;
	v24 =	vsub.f32 v24, v38  }
0x196: {  	vm2 =	vmor vm8, vm2;
	v55 =	vadd.s32 v23, v44;
	v56 =	vadd.s32 v62, v30  }
0x197: {  	v62 =	vand.u32 $0x1, v7;
	v29 =	vcvt.s32.f32 v27;
	v45 =	vsel vm2, $0x1, v0  }
0x198: {  	v46 =	vand.u32 $0x1, v27;
	v9 =	vmul.u32 $0x3E8, v55;
	v59 =	vadd.s32 v8, v56  }
0x199: {  	v39 =	vtrunc.f32 v16;
	vm5 =	veq.f32 v24, $5.000000000e-01;
	vm12 =	vgt.f32 v24, $5.000000000e-01  }
0x19a: {  	vm9 =	veq.s32 v46, $0x1;
	v57 =	vadd.s32 v20, v45;
	v14 =	vcvt.f32.s32 v39  }
0x19b: {  	vm11 =	vmand vm5, vm10;
	v26 =	vsub.f32 v26, v29;
	v60 =	vadd.s32 v9, v57  }
0x19c: {  	vm14 =	vmor vm12, vm11;
	v28 =	vcvt.s32.f32 v14;
	v42 =	vand.u32 $0x1, v14  }
0x19d: {  	vm10 =	veq.f32 v26, $5.000000000e-01;
	v61 =	vsel vm14, $0x1, v0;
	vm12 =	vgt.f32 v26, $5.000000000e-01  }
0x19e: {  	vm14 =	veq.f32 v6, $5.000000000e-01;
	vm11 =	vmand vm10, vm9;
	v16 =	vsub.f32 v16, v28  }
0x19f: {  	[tilespmem:$0x580] =	vst v1;
	vm13 =	veq.s32 v42, $0x1;
	v1 =	vadd.s32 v15, v61;
	vm1 =	vmor vm12, vm11  }
0x1a0: {  	[tilespmem:$0x590] =	vst v2;
	v1 =	vmul.u32 $0x3E8, v1;
	v2 =	vsel vm1, $0x1, v0;
	vm8 =	veq.f32 v16, $5.000000000e-01  }
0x1a1: {  	vm15 =	vgt.f32 v16, $5.000000000e-01;
	vm2 =	vmand vm8, vm13;
	vm13 =	veq.s32 v62, $0x1  }
0x1a2: {  	[tilespmem:$0x5A0] =	vst v3;
	vm0 =	vmor vm15, vm2;
	vm1 =	vmand vm14, vm13;
	vm15 =	vgt.f32 v6, $5.000000000e-01  }
0x1a3: {  	[tilespmem:$0x5B0] =	vst v4;
	v2 =	vadd.s32 v27, v2;
	vm1 =	vmor vm15, vm1;
	v3 =	vsel vm0, $0x1, v0  }
0x1a4: {  	[tilespmem:$0x5C0] =	vst v59;
	v2 =	vmul.u32 $0x3E8, v2;
	v3 =	vadd.s32 v14, v3;
	v63 =	vsel vm1, $0x1, v0  }
0x1a5: {  	[tilespmem:$0x5D0] =	vst v60;
	v1 =	vadd.s32 v1, v3;
	v3 =	vadd.s32 v7, v63  }
0x1a6: {  	[tilespmem:$0x5E0] =	vst v1;
	v1 =	vadd.s32 v2, v3  }
0x1a7: {  	[tilespmem:$0x5F0] =	vst v1  }
0x1a8: {  	[tilespmem:s18], [sflag:$0x1] =	stream.indirect.gather [hbm4b:s3+s10], $0x20, s17, s10, $0xb8;
	[tilespmem:$0x4600] =	vst v63  }
0x1a9: {  	_ =	swait.ge [sflag:s19], $0x1000  }
0x1aa: {  	[sflag:s19] =	ssyncset.done $0x0  }
0x1ab: {  	[sflag:s19] =	ssyncadd.s32 $0xFFFFF000  }
0x1ac: {  	_ =	swait.ge [sflag:s19], $0x1000  }
0x1ad: {  	[sflag:s19] =	ssyncset.done $0x0  }
0x1ae: {  	[sflag:s19] =	ssyncadd.s32 $0xFFFFF000  }
0x1af: {  	_ =	swait.ge [sflag:s19], $0x1000  }
0x1b0: {  	[sflag:s19] =	ssyncset.done $0x0  }
0x1b1: {  	[sflag:s19] =	ssyncadd.s32 $0xFFFFF000  }
0x1b2: {  	_ =	swait.ge [sflag:s19], $0x1000  }
0x1b3: {  	p0 =	sne.s32 s7, $0x1;
	[sflag:s19] =	ssyncset.done $0x0  }
.Ltmp0:
0x1b4: {  	[sflag:s19] =	ssyncadd.s32 $0xFFFFF000;
	(pc) =	sbr.rel @p0 .LBB2_1-.Ltmp0, $4  }
0x1b5: {  	[hbm4b:s6+s2] =	stream.linear.scatter [tilespmem:s12], [sflag:$0x2], $0x4000, $0x38;
	[tilespmem:$0x4600] =	vst v63  }
0x1b6: {  	_ =	swait.ge [sflag:s8], $0x4000  }
0x1b7: {  	[sflag:s8] =	ssyncset.done $0x0  }
0x1b8: {  	s7 =	sadd.s32 $0xFFFFFFFF, s7;
	[sflag:s8] =	ssyncadd.s32 $0xFFFFC000  }
0x1b9: {  	_ =	sfence.sel $0x180000  }
0x1ba: {  	[bflag:$0x0] =	sbarrier.arrive $0xFFFF  }
0x1bb: {  	p0 =	sne.s32 s1, $0x0;
	_ =	strace $0x90000047  }
0x1bc: {  	s0 =	sadd.s32 @!p0 $0x100000, s0;
	[bflag:$0x2] =	sbarrier.arrive $0xFFFF  }
0x1bd: {  	[sflag:s0] =	ssyncadd.tile.s32 @!p0 $0x1;
	_ =	shalt  }
.Lfunc_end2:
_tile_overlayer_lowered:
.L_overlay_start_2:
0x1be: {  	(tag) =	ssettag $0x2  }
0x1bf: {  	s0 =	rddreg [dreg:$0x0];
	s2 =	stileid.u32  }
0x1c0: {  	s1 =	rddreg [dreg:$0x1];
	p0 =	sne.s32 s2, $0x0  }
0x1c1: {  	s3 =	rddreg [dreg:$0x2];
	[bflag:$0x3] =	sbarrier.arrive $0xFFFF;
	s2 =	simm.s32 @!p0 $0x1C02  }
0x1c2: {  	[timem:s3], [sflag:s2] =	dma.local @!p0 [hbm:s0], s1  }
0x1c3: {  	s0 =	simm.s32 @!p0 $0x2  }
0x1c4: {  	_ =	swait.ge @!p0 [sflag:s0], s1  }
0x1c5: {  	s1 =	ssub.s32 @!p0 $0x0, s1;
	[sflag:s0] =	ssyncset.done @!p0 $0x0  }
0x1c6: {  	[sflag:s0] =	ssyncadd.s32 @!p0 s1  }
0x1c7: {  	[bflag:$0x3] =	sbarrier.arrive $0xFFFF  }
0x1c8: {  	_ =	shalt  }

</sc_bundles>
